<compile_context>
chip_gen: v7x
topology: tpu7x:2x2x1
jax: 0.10.2.dev20260603
libtpu: 0.0.44.dev20260713+nightly
codegen_flags: <defaults>
</compile_context>

<pallas_src>
import jax
import jax.numpy as jnp
from jax import lax
from jax.experimental import pallas as pl
from jax.experimental.pallas import tpu as pltpu
from jax.experimental.pallas import tpu_sc as plsc

N = 10000
E = 320000
D_IN = 128
HID = 16
D_OUT = 128

NC = 2
NS = 16
NW = NC * NS
Q = E // NW
CH = 80
NCHP = Q // CH
NP = 10240
RPT = NP // NS

_mesh = plsc.VectorSubcoreMesh(core_axis_name="c", subcore_axis_name="s")


def _deg_body(ei_hbm, ones_hbm, zero_hbm, out_hbm, dst_v, ones_v, accum_sh):
    cid = lax.axis_index("c")
    sid = lax.axis_index("s")
    wid = sid * NC + cid

    @pl.when(sid == 0)
    def _():
        pltpu.sync_copy(zero_hbm, accum_sh)

    plsc.subcore_barrier()
    pltpu.sync_copy(ei_hbm.at[1, wid], dst_v)
    pltpu.sync_copy(ones_hbm, ones_v)

    def step(j, carry):
        pltpu.sync_copy(ones_v, accum_sh.at[dst_v.at[j]], add=True)
        return carry

    lax.fori_loop(0, NCHP, step, 0)
    plsc.subcore_barrier()
    pltpu.sync_copy(accum_sh.at[pl.ds(sid * RPT, RPT)],
                    out_hbm.at[cid, pl.ds(sid * RPT, RPT)])


def _rsqrt16(d):
    y = plsc.bitcast(jnp.int32(0x5F3759DF) - (plsc.bitcast(d, jnp.int32) >> 1),
                     jnp.float32)
    hd = 0.5 * d
    y = y * (1.5 - hd * y * y)
    y = y * (1.5 - hd * y * y)
    return y


def _agg1_body(degp_hbm, h1_hbm, zero_hbm, ei_hbm,
               p_hbm, g1_hbm, dinv_hbm,
               src_v, dst_v, rows0, rows1, buf_a, buf_b, buf_g, buf_d,
               g_sh, accum_sh, sem0, sem1):
    cid = lax.axis_index("c")
    sid = lax.axis_index("s")
    wid = sid * NC + cid
    sl = pl.ds(sid * RPT, RPT)

    pltpu.sync_copy(degp_hbm.at[0, sl], buf_a)
    pltpu.sync_copy(degp_hbm.at[1, sl], buf_b)
    pltpu.sync_copy(h1_hbm.at[sl], buf_g)

    def ewd(i, carry):
        c = pl.ds(i * 16, 16)
        buf_d[c] = _rsqrt16(buf_a[c] + buf_b[c] + 1.0)
        return carry

    lax.fori_loop(0, RPT // 16, ewd, 0, unroll=4)

    def ew(i, carry):
        d16 = buf_d[pl.ds(i * 16, 16)]
        base = i * 16
        for k in range(16):
            buf_g[base + k] = d16[k] * buf_g[base + k]
        return carry

    lax.fori_loop(0, RPT // 16, ew, 0)
    pltpu.sync_copy(buf_d, dinv_hbm.at[sl])
    pltpu.sync_copy(buf_g, g1_hbm.at[sl])
    pltpu.sync_copy(buf_g, g_sh.at[sl])

    @pl.when(sid == 0)
    def _():
        pltpu.sync_copy(zero_hbm, accum_sh)

    plsc.subcore_barrier()
    pltpu.sync_copy(ei_hbm.at[0, wid], src_v)
    pltpu.sync_copy(ei_hbm.at[1, wid], dst_v)

    pltpu.make_async_copy(g_sh.at[src_v.at[0]], rows0, sem0).start()
    pltpu.make_async_copy(g_sh.at[src_v.at[1]], rows1, sem1).start()

    def pair(i, carry):
        j = 2 * i
        pltpu.make_async_copy(g_sh.at[src_v.at[j]], rows0, sem0).wait()
        pltpu.sync_copy(rows0, accum_sh.at[dst_v.at[j]], add=True)
        pltpu.make_async_copy(g_sh.at[src_v.at[j + 2]], rows0, sem0).start()
        pltpu.make_async_copy(g_sh.at[src_v.at[j + 1]], rows1, sem1).wait()
        pltpu.sync_copy(rows1, accum_sh.at[dst_v.at[j + 1]], add=True)
        pltpu.make_async_copy(g_sh.at[src_v.at[j + 3]], rows1, sem1).start()
        return carry

    lax.fori_loop(0, (NCHP - 3) // 2, pair, 0)
    pltpu.make_async_copy(g_sh.at[src_v.at[NCHP - 3]], rows0, sem0).wait()
    pltpu.sync_copy(rows0, accum_sh.at[dst_v.at[NCHP - 3]], add=True)
    pltpu.make_async_copy(g_sh.at[src_v.at[NCHP - 2]], rows1, sem1).wait()
    pltpu.sync_copy(rows1, accum_sh.at[dst_v.at[NCHP - 2]], add=True)
    pltpu.async_copy(g_sh.at[src_v.at[NCHP - 1]], rows0, sem0).wait()
    pltpu.sync_copy(rows0, accum_sh.at[dst_v.at[NCHP - 1]], add=True)
    plsc.subcore_barrier()
    pltpu.sync_copy(accum_sh.at[sl], p_hbm.at[cid, sl])


def _agg2_body(p_hbm, g1_hbm, dinv_hbm, b1_hbm, zero_hbm, ei_hbm,
               q_hbm, g2_hbm,
               src_v, dst_v, rows0, rows1, buf_a, buf_b, buf_g, buf_d,
               buf_bias, g_sh, accum_sh, sem0, sem1):
    cid = lax.axis_index("c")
    sid = lax.axis_index("s")
    wid = sid * NC + cid
    sl = pl.ds(sid * RPT, RPT)

    pltpu.sync_copy(p_hbm.at[0, sl], buf_a)
    pltpu.sync_copy(p_hbm.at[1, sl], buf_b)
    pltpu.sync_copy(g1_hbm.at[sl], buf_g)
    pltpu.sync_copy(dinv_hbm.at[sl], buf_d)
    pltpu.sync_copy(b1_hbm, buf_bias)
    bias = buf_bias[0]

    def ew(i, carry):
        d16 = buf_d[pl.ds(i * 16, 16)]
        base = i * 16
        for k in range(16):
            r = base + k
            d = d16[k]
            s = buf_a[r] + buf_b[r] + buf_g[r]
            o = jnp.maximum(d * s + bias, 0.0)
            buf_g[r] = d * o
        return carry

    lax.fori_loop(0, RPT // 16, ew, 0)
    pltpu.sync_copy(buf_g, g_sh.at[sl])
    pltpu.sync_copy(buf_g, g2_hbm.at[sl])

    @pl.when(sid == 0)
    def _():
        pltpu.sync_copy(zero_hbm, accum_sh)

    plsc.subcore_barrier()
    pltpu.sync_copy(ei_hbm.at[0, wid], src_v)
    pltpu.sync_copy(ei_hbm.at[1, wid], dst_v)

    pltpu.make_async_copy(g_sh.at[src_v.at[0]], rows0, sem0).start()
    pltpu.make_async_copy(g_sh.at[src_v.at[1]], rows1, sem1).start()

    def pair(i, carry):
        j = 2 * i
        pltpu.make_async_copy(g_sh.at[src_v.at[j]], rows0, sem0).wait()
        pltpu.sync_copy(rows0, accum_sh.at[dst_v.at[j]], add=True)
        pltpu.make_async_copy(g_sh.at[src_v.at[j + 2]], rows0, sem0).start()
        pltpu.make_async_copy(g_sh.at[src_v.at[j + 1]], rows1, sem1).wait()
        pltpu.sync_copy(rows1, accum_sh.at[dst_v.at[j + 1]], add=True)
        pltpu.make_async_copy(g_sh.at[src_v.at[j + 3]], rows1, sem1).start()
        return carry

    lax.fori_loop(0, (NCHP - 3) // 2, pair, 0)
    pltpu.make_async_copy(g_sh.at[src_v.at[NCHP - 3]], rows0, sem0).wait()
    pltpu.sync_copy(rows0, accum_sh.at[dst_v.at[NCHP - 3]], add=True)
    pltpu.make_async_copy(g_sh.at[src_v.at[NCHP - 2]], rows1, sem1).wait()
    pltpu.sync_copy(rows1, accum_sh.at[dst_v.at[NCHP - 2]], add=True)
    pltpu.async_copy(g_sh.at[src_v.at[NCHP - 1]], rows0, sem0).wait()
    pltpu.sync_copy(rows0, accum_sh.at[dst_v.at[NCHP - 1]], add=True)
    plsc.subcore_barrier()
    pltpu.sync_copy(accum_sh.at[sl], q_hbm.at[cid, sl])


_sc_params = pltpu.CompilerParams(
    use_tc_tiling_on_sc=False, needs_layout_passes=False
)

_deg_call = pl.kernel(
    _deg_body,
    out_type=jax.ShapeDtypeStruct((NC, NP), jnp.float32),
    mesh=_mesh,
    compiler_params=_sc_params,
    scratch_types=[
        pltpu.VMEM((NCHP, CH), jnp.int32),
        pltpu.VMEM((CH,), jnp.float32),
        pltpu.VMEM_SHARED((NP,), jnp.float32),
    ],
)

_agg1_call = pl.kernel(
    _agg1_body,
    out_type=[
        jax.ShapeDtypeStruct((NC, NP, HID), jnp.float32),
        jax.ShapeDtypeStruct((NP, HID), jnp.float32),
        jax.ShapeDtypeStruct((NP,), jnp.float32),
    ],
    mesh=_mesh,
    compiler_params=_sc_params,
    scratch_types=[
        pltpu.VMEM((NCHP, CH), jnp.int32),
        pltpu.VMEM((NCHP, CH), jnp.int32),
        pltpu.VMEM((CH, HID), jnp.float32),
        pltpu.VMEM((CH, HID), jnp.float32),
        pltpu.VMEM((RPT,), jnp.float32),
        pltpu.VMEM((RPT,), jnp.float32),
        pltpu.VMEM((RPT, HID), jnp.float32),
        pltpu.VMEM((RPT,), jnp.float32),
        pltpu.VMEM_SHARED((NP, HID), jnp.float32),
        pltpu.VMEM_SHARED((NP, HID), jnp.float32),
        pltpu.SemaphoreType.DMA,
        pltpu.SemaphoreType.DMA,
    ],
)

_agg2_call = pl.kernel(
    _agg2_body,
    out_type=[
        jax.ShapeDtypeStruct((NC, NP, HID), jnp.float32),
        jax.ShapeDtypeStruct((NP, HID), jnp.float32),
    ],
    mesh=_mesh,
    compiler_params=_sc_params,
    scratch_types=[
        pltpu.VMEM((NCHP, CH), jnp.int32),
        pltpu.VMEM((NCHP, CH), jnp.int32),
        pltpu.VMEM((CH, HID), jnp.float32),
        pltpu.VMEM((CH, HID), jnp.float32),
        pltpu.VMEM((RPT, HID), jnp.float32),
        pltpu.VMEM((RPT, HID), jnp.float32),
        pltpu.VMEM((RPT, HID), jnp.float32),
        pltpu.VMEM((RPT,), jnp.float32),
        pltpu.VMEM((1, HID), jnp.float32),
        pltpu.VMEM_SHARED((NP, HID), jnp.float32),
        pltpu.VMEM_SHARED((NP, HID), jnp.float32),
        pltpu.SemaphoreType.DMA,
        pltpu.SemaphoreType.DMA,
    ],
)


def _mm1_body(x_ref, w1_ref, h1_ref):
    h1_ref[pl.ds(0, N), :] = jnp.dot(
        x_ref[...], w1_ref[...], preferred_element_type=jnp.float32
    )
    h1_ref[pl.ds(N, NP - N), :] = jnp.zeros((NP - N, HID), jnp.float32)


def _fin_body(q_ref, g2_ref, dinv_ref, w2_ref, b2_ref, out_ref):
    z = dinv_ref[pl.ds(0, N), :] * (
        q_ref[0, pl.ds(0, N), :] + q_ref[1, pl.ds(0, N), :]
        + g2_ref[pl.ds(0, N), :]
    )
    out_ref[...] = (
        jnp.dot(z, w2_ref[...], preferred_element_type=jnp.float32)
        + b2_ref[...]
    )


_mm1_call = pl.pallas_call(
    _mm1_body,
    out_shape=jax.ShapeDtypeStruct((NP, HID), jnp.float32),
)

_fin_call = pl.pallas_call(
    _fin_body,
    out_shape=jax.ShapeDtypeStruct((N, D_OUT), jnp.float32),
)


def kernel(x, edge_index, W1, b1, W2, b2):
    ei4 = edge_index.reshape(2, NW, NCHP, CH)

    ones1 = jnp.ones((CH,), jnp.float32)
    zeros1 = jnp.zeros((NP,), jnp.float32)
    zeros_np = jnp.zeros((NP, HID), jnp.float32)

    degp = _deg_call(ei4, ones1, zeros1)
    h1 = _mm1_call(x, W1)
    p, g1, dinv = _agg1_call(degp, h1, zeros_np, ei4)
    q, g2 = _agg2_call(p, g1, dinv, b1.reshape(1, HID), zeros_np, ei4)
    return _fin_call(q, g2, dinv.reshape(NP, 1), W2, b2.reshape(1, D_OUT))

# --- scband reference (transcript-rebuilt; emitter-appended) ---
"""Pipeline reference for scband-gcn-22462678958349 (READ-ONLY COPY).

The authoritative reference and input builder live on the scoring server;
editing this copy changes nothing except your own understanding.
"""

import jax, jax.numpy as jnp
import numpy as np

N = 10000
E = 320000
D_IN = 128
HID = 16
D_OUT = 128


def setup_inputs(seed: int = 0) -> dict:
    key = jax.random.key(seed)
    k1, k2, k3, k4 = jax.random.split(key, 4)
    x = jax.random.normal(k1, (N, D_IN), dtype=jnp.float32)
    edge_index = jax.random.randint(k2, (2, E), 0, N, dtype=jnp.int32)
    # GCNConv learned params (glorot-ish init)
    W1 = jax.random.normal(k3, (D_IN, HID), dtype=jnp.float32) * (1.0 / np.sqrt(D_IN))
    b1 = jnp.zeros((HID,), dtype=jnp.float32)
    W2 = jax.random.normal(k4, (HID, D_OUT), dtype=jnp.float32) * (1.0 / np.sqrt(HID))
    b2 = jnp.zeros((D_OUT,), dtype=jnp.float32)
    return {"x": x, "edge_index": edge_index, "W1": W1, "b1": b1, "W2": W2, "b2": b2}


def _gcn_conv(x, edge_index, W, b):
    # Faithful PyG GCNConv: add self-loops, symmetric normalization, scatter-add aggregation.
    n = x.shape[0]
    loop = jnp.arange(n, dtype=edge_index.dtype)
    src = jnp.concatenate([edge_index[0], loop])
    dst = jnp.concatenate([edge_index[1], loop])
    deg = jnp.zeros((n,), dtype=x.dtype).at[dst].add(1.0)
    dinv = jnp.where(deg > 0, jax.lax.rsqrt(deg), 0.0)
    norm = dinv[src] * dinv[dst]
    h = x @ W
    msg = h[src] * norm[:, None]
    out = jnp.zeros((n, W.shape[1]), dtype=x.dtype).at[dst].add(msg)
    return out + b


def reference(x, edge_index, W1, b1, W2, b2):
    h = _gcn_conv(x, edge_index, W1, b1)
    h = jax.nn.relu(h)
    out = _gcn_conv(h, edge_index, W2, b2)
    return out

if __name__ == "__main__":
    import jax
    _d = setup_inputs()
    print(jax.jit(kernel)(*tuple(_d.values())))

</pallas_src>

<mosaic_0001>
#map = affine_map<(d0, d1) -> (0, 0, 0, 0)>
#map1 = affine_map<(d0, d1) -> (0)>
#map2 = affine_map<(d0, d1) -> (0, 0)>
module attributes {stable_mosaic.version = 14 : i64} {
  func.func @_deg_body(%arg0: i32, %arg1: i32, %arg2: memref<2x32x125x80xi32, #tpu.memory_space<hbm>>, %arg3: memref<80xf32, #tpu.memory_space<hbm>>, %arg4: memref<10240xf32, #tpu.memory_space<hbm>>, %arg5: memref<2x10240xf32, #tpu.memory_space<hbm>>, %arg6: memref<125x80xi32, #tpu.memory_space<vmem>>, %arg7: memref<80xf32, #tpu.memory_space<vmem>>, %arg8: memref<10240xf32, #tpu.memory_space<vmem_shared>>) attributes {dimension_semantics = [#tpu.dimension_semantics<core_parallel>, #tpu.dimension_semantics<subcore_parallel>], iteration_bounds = array<i64: 2, 16>, scalar_prefetch = 0 : i64, scratch_operands = 3 : i64, tpu.core_type = #tpu.core_type<sc_vector_subcore>, window_params = [{transform_indices = #map}, {transform_indices = #map1}, {transform_indices = #map1}, {transform_indices = #map2}]} {
    %mul3A = arith.constant 2 : i32
    %mul3A_0 = arith.muli %arg1, %mul3A : i32
    %add3A = arith.addi %mul3A_0, %arg0 : i32
    %eq3A = arith.constant 0 : i32
    %eq3A_1 = arith.cmpi eq, %arg1, %eq3A : i32
    %convert_element_type3A = arith.extui %eq3A_1 : i1 to i32
    %cond3A = arith.constant 0 : i32
    %cond3A_2 = arith.cmpi ne, %convert_element_type3A, %cond3A : i32
    scf.if %cond3A_2 {
      "tpu.region"() ({
        %run_scoped3A_13 = tpu.sem_alloc : memref<!tpu.dma_semaphore, #tpu.memory_space<semaphore_mem>>
        tpu.enqueue_dma source(%arg4 : memref<10240xf32, #tpu.memory_space<hbm>>) target(%arg8 : memref<10240xf32, #tpu.memory_space<vmem_shared>>) target_semaphore(%run_scoped3A_13 : memref<!tpu.dma_semaphore, #tpu.memory_space<semaphore_mem>>)
        tpu.wait_dma2 semaphore(%run_scoped3A_13 : memref<!tpu.dma_semaphore, #tpu.memory_space<semaphore_mem>>) src(%arg4 : memref<10240xf32, #tpu.memory_space<hbm>>) dst(%arg8 : memref<10240xf32, #tpu.memory_space<vmem_shared>>)
        tpu.yield
      }) : () -> ()
    } else {
    }
    %barrier3A = arith.constant 0 : index
    tpu.barrier barrier_id(%barrier3A)
    %run_scoped3A = arith.constant 1 : i32
    "tpu.region"() ({
      %run_scoped3A_13 = tpu.sem_alloc : memref<!tpu.dma_semaphore, #tpu.memory_space<semaphore_mem>>
      %dma_start3A = arith.constant 0 : i32
      %dma_start3A_14 = arith.constant 0 : i32
      %dma_start3A_15 = tpu.memref_slice %arg2[%run_scoped3A, %add3A, %dma_start3A, %dma_start3A_14] : memref<2x32x125x80xi32, #tpu.memory_space<hbm>> -> memref<1x1x125x80xi32, #tpu.memory_space<hbm>>
      %dma_start3A_16 = tpu.memref_squeeze %dma_start3A_15 : memref<1x1x125x80xi32, #tpu.memory_space<hbm>> -> memref<125x80xi32, #tpu.memory_space<hbm>>
      %dma_start3A_17 = arith.constant 0 : i32
      %dma_start3A_18 = arith.constant 0 : i32
      %dma_start3A_19 = tpu.memref_slice %arg2[%run_scoped3A, %add3A, %dma_start3A_17, %dma_start3A_18] : memref<2x32x125x80xi32, #tpu.memory_space<hbm>> -> memref<1x1x125x80xi32, #tpu.memory_space<hbm>>
      %dma_start3A_20 = tpu.memref_squeeze %dma_start3A_19 : memref<1x1x125x80xi32, #tpu.memory_space<hbm>> -> memref<125x80xi32, #tpu.memory_space<hbm>>
      tpu.enqueue_dma source(%dma_start3A_20 : memref<125x80xi32, #tpu.memory_space<hbm>>) target(%arg6 : memref<125x80xi32, #tpu.memory_space<vmem>>) target_semaphore(%run_scoped3A_13 : memref<!tpu.dma_semaphore, #tpu.memory_space<semaphore_mem>>)
      %dma_wait3A = arith.constant 0 : i32
      %dma_wait3A_21 = arith.constant 0 : i32
      %dma_wait3A_22 = tpu.memref_slice %arg2[%run_scoped3A, %add3A, %dma_wait3A, %dma_wait3A_21] : memref<2x32x125x80xi32, #tpu.memory_space<hbm>> -> memref<1x1x125x80xi32, #tpu.memory_space<hbm>>
      %dma_wait3A_23 = tpu.memref_squeeze %dma_wait3A_22 : memref<1x1x125x80xi32, #tpu.memory_space<hbm>> -> memref<125x80xi32, #tpu.memory_space<hbm>>
      %dma_wait3A_24 = arith.constant 0 : i32
      %dma_wait3A_25 = arith.constant 0 : i32
      %dma_wait3A_26 = tpu.memref_slice %arg2[%run_scoped3A, %add3A, %dma_wait3A_24, %dma_wait3A_25] : memref<2x32x125x80xi32, #tpu.memory_space<hbm>> -> memref<1x1x125x80xi32, #tpu.memory_space<hbm>>
      %dma_wait3A_27 = tpu.memref_squeeze %dma_wait3A_26 : memref<1x1x125x80xi32, #tpu.memory_space<hbm>> -> memref<125x80xi32, #tpu.memory_space<hbm>>
      tpu.wait_dma2 semaphore(%run_scoped3A_13 : memref<!tpu.dma_semaphore, #tpu.memory_space<semaphore_mem>>) src(%dma_wait3A_27 : memref<125x80xi32, #tpu.memory_space<hbm>>) dst(%arg6 : memref<125x80xi32, #tpu.memory_space<vmem>>)
      tpu.yield
    }) : () -> ()
    "tpu.region"() ({
      %run_scoped3A_13 = tpu.sem_alloc : memref<!tpu.dma_semaphore, #tpu.memory_space<semaphore_mem>>
      tpu.enqueue_dma source(%arg3 : memref<80xf32, #tpu.memory_space<hbm>>) target(%arg7 : memref<80xf32, #tpu.memory_space<vmem>>) target_semaphore(%run_scoped3A_13 : memref<!tpu.dma_semaphore, #tpu.memory_space<semaphore_mem>>)
      tpu.wait_dma2 semaphore(%run_scoped3A_13 : memref<!tpu.dma_semaphore, #tpu.memory_space<semaphore_mem>>) src(%arg3 : memref<80xf32, #tpu.memory_space<hbm>>) dst(%arg7 : memref<80xf32, #tpu.memory_space<vmem>>)
      tpu.yield
    }) : () -> ()
    %scan3A = arith.constant 0 : i32
    %scan3A_3 = arith.constant 0 : i32
    %scan3A_4 = arith.constant 125 : i32
    %scan3A_5 = arith.addi %scan3A_3, %scan3A_4 : i32
    %scan3A_6 = arith.constant 1 : i32
    scf.for %scan3A_13 = %scan3A_3 to %scan3A_5 step %scan3A_6  : i32 {
      "tpu.region"() ({
        %run_scoped3A_14 = tpu.sem_alloc : memref<!tpu.dma_semaphore, #tpu.memory_space<semaphore_mem>>
        %dma_start3A = arith.constant 0 : i32
        %dma_start3A_15 = tpu.memref_slice %arg6[%scan3A_13, %dma_start3A] : memref<125x80xi32, #tpu.memory_space<vmem>> -> memref<1x80xi32, #tpu.memory_space<vmem>>
        %dma_start3A_16 = tpu.memref_squeeze %dma_start3A_15 : memref<1x80xi32, #tpu.memory_space<vmem>> -> memref<80xi32, #tpu.memory_space<vmem>>
        %dma_start3A_17 = arith.constant 0 : i32
        %dma_start3A_18 = tpu.memref_slice %arg8[%dma_start3A_17] : memref<10240xf32, #tpu.memory_space<vmem_shared>> -> memref<10240xf32, #tpu.memory_space<vmem_shared>>
        tpu.enqueue_indirect_dma source(%arg7 : memref<80xf32, #tpu.memory_space<vmem>>) target(%dma_start3A_18 : memref<10240xf32, #tpu.memory_space<vmem_shared>>) offsets(%dma_start3A_16 : memref<80xi32, #tpu.memory_space<vmem>>) semaphore(%run_scoped3A_14 : memref<!tpu.dma_semaphore, #tpu.memory_space<semaphore_mem>>) {add = true}
        %dma_wait3A = arith.constant 0 : i32
        %dma_wait3A_19 = tpu.memref_slice %arg6[%scan3A_13, %dma_wait3A] : memref<125x80xi32, #tpu.memory_space<vmem>> -> memref<1x80xi32, #tpu.memory_space<vmem>>
        %dma_wait3A_20 = tpu.memref_squeeze %dma_wait3A_19 : memref<1x80xi32, #tpu.memory_space<vmem>> -> memref<80xi32, #tpu.memory_space<vmem>>
        %dma_wait3A_21 = arith.constant 0 : i32
        %dma_wait3A_22 = tpu.memref_slice %arg8[%dma_wait3A_21] : memref<10240xf32, #tpu.memory_space<vmem_shared>> -> memref<10240xf32, #tpu.memory_space<vmem_shared>>
        tpu.wait_indirect_dma semaphore(%run_scoped3A_14 : memref<!tpu.dma_semaphore, #tpu.memory_space<semaphore_mem>>) src(%arg7 : memref<80xf32, #tpu.memory_space<vmem>>) dst(%dma_wait3A_22 : memref<10240xf32, #tpu.memory_space<vmem_shared>>)
        tpu.yield
      }) : () -> ()
    }
    %scan3A_7 = arith.constant 125 : i32
    %barrier3A_8 = arith.constant 0 : index
    tpu.barrier barrier_id(%barrier3A_8)
    %mul3A_9 = arith.constant 640 : i32
    %mul3A_10 = arith.muli %arg1, %mul3A_9 : i32
    %mul3A_11 = arith.constant 640 : i32
    %mul3A_12 = arith.muli %arg1, %mul3A_11 : i32
    "tpu.region"() ({
      %run_scoped3A_13 = tpu.sem_alloc : memref<!tpu.dma_semaphore, #tpu.memory_space<semaphore_mem>>
      %dma_start3A = tpu.memref_slice %arg5[%arg0, %mul3A_12] : memref<2x10240xf32, #tpu.memory_space<hbm>> -> memref<1x640xf32, #tpu.memory_space<hbm>>
      %dma_start3A_14 = tpu.memref_squeeze %dma_start3A : memref<1x640xf32, #tpu.memory_space<hbm>> -> memref<640xf32, #tpu.memory_space<hbm>>
      %dma_start3A_15 = tpu.memref_slice %arg8[%mul3A_10] : memref<10240xf32, #tpu.memory_space<vmem_shared>> -> memref<640xf32, #tpu.memory_space<vmem_shared>>
      tpu.enqueue_dma source(%dma_start3A_15 : memref<640xf32, #tpu.memory_space<vmem_shared>>) target(%dma_start3A_14 : memref<640xf32, #tpu.memory_space<hbm>>) target_semaphore(%run_scoped3A_13 : memref<!tpu.dma_semaphore, #tpu.memory_space<semaphore_mem>>)
      %dma_wait3A = tpu.memref_slice %arg5[%arg0, %mul3A_12] : memref<2x10240xf32, #tpu.memory_space<hbm>> -> memref<1x640xf32, #tpu.memory_space<hbm>>
      %dma_wait3A_16 = tpu.memref_squeeze %dma_wait3A : memref<1x640xf32, #tpu.memory_space<hbm>> -> memref<640xf32, #tpu.memory_space<hbm>>
      %dma_wait3A_17 = tpu.memref_slice %arg8[%mul3A_10] : memref<10240xf32, #tpu.memory_space<vmem_shared>> -> memref<640xf32, #tpu.memory_space<vmem_shared>>
      tpu.wait_dma2 semaphore(%run_scoped3A_13 : memref<!tpu.dma_semaphore, #tpu.memory_space<semaphore_mem>>) src(%dma_wait3A_17 : memref<640xf32, #tpu.memory_space<vmem_shared>>) dst(%dma_wait3A_16 : memref<640xf32, #tpu.memory_space<hbm>>)
      tpu.yield
    }) : () -> ()
    return
  }
}

#map = affine_map<(d0, d1) -> (0, 0, 0)>
#map1 = affine_map<(d0, d1) -> (0, 0)>
#map2 = affine_map<(d0, d1) -> (0)>
#map3 = affine_map<(d0, d1) -> (0, 0, 0, 0)>
module attributes {stable_mosaic.version = 14 : i64} {
  func.func @_agg2_body(%arg0: i32, %arg1: i32, %arg2: memref<2x10240x16xf32, #tpu.memory_space<hbm>>, %arg3: memref<10240x16xf32, #tpu.memory_space<hbm>>, %arg4: memref<10240xf32, #tpu.memory_space<hbm>>, %arg5: memref<1x16xf32, #tpu.memory_space<hbm>>, %arg6: memref<10240x16xf32, #tpu.memory_space<hbm>>, %arg7: memref<2x32x125x80xi32, #tpu.memory_space<hbm>>, %arg8: memref<2x10240x16xf32, #tpu.memory_space<hbm>>, %arg9: memref<10240x16xf32, #tpu.memory_space<hbm>>, %arg10: memref<125x80xi32, #tpu.memory_space<vmem>>, %arg11: memref<125x80xi32, #tpu.memory_space<vmem>>, %arg12: memref<80x16xf32, #tpu.memory_space<vmem>>, %arg13: memref<80x16xf32, #tpu.memory_space<vmem>>, %arg14: memref<640x16xf32, #tpu.memory_space<vmem>>, %arg15: memref<640x16xf32, #tpu.memory_space<vmem>>, %arg16: memref<640x16xf32, #tpu.memory_space<vmem>>, %arg17: memref<640xf32, #tpu.memory_space<vmem>>, %arg18: memref<1x16xf32, #tpu.memory_space<vmem>>, %arg19: memref<10240x16xf32, #tpu.memory_space<vmem_shared>>, %arg20: memref<10240x16xf32, #tpu.memory_space<vmem_shared>>, %arg21: memref<!tpu.dma_semaphore, #tpu.memory_space<semaphore_mem>>, %arg22: memref<!tpu.dma_semaphore, #tpu.memory_space<semaphore_mem>>) attributes {dimension_semantics = [#tpu.dimension_semantics<core_parallel>, #tpu.dimension_semantics<subcore_parallel>], iteration_bounds = array<i64: 2, 16>, scalar_prefetch = 0 : i64, scratch_operands = 13 : i64, tpu.core_type = #tpu.core_type<sc_vector_subcore>, window_params = [{transform_indices = #map}, {transform_indices = #map1}, {transform_indices = #map2}, {transform_indices = #map1}, {transform_indices = #map1}, {transform_indices = #map3}, {transform_indices = #map}, {transform_indices = #map1}]} {
    %mul3A = arith.constant 2 : i32
    %mul3A_0 = arith.muli %arg1, %mul3A : i32
    %add3A = arith.addi %mul3A_0, %arg0 : i32
    %mul3A_1 = arith.constant 640 : i32
    %mul3A_2 = arith.muli %arg1, %mul3A_1 : i32
    %run_scoped3A = arith.constant 0 : i32
    "tpu.region"() ({
      %run_scoped3A_66 = tpu.sem_alloc : memref<!tpu.dma_semaphore, #tpu.memory_space<semaphore_mem>>
      %dma_start3A_67 = arith.constant 0 : i32
      %dma_start3A_68 = tpu.memref_slice %arg2[%run_scoped3A, %mul3A_2, %dma_start3A_67] : memref<2x10240x16xf32, #tpu.memory_space<hbm>> -> memref<1x640x16xf32, #tpu.memory_space<hbm>>
      %dma_start3A_69 = tpu.memref_squeeze %dma_start3A_68 : memref<1x640x16xf32, #tpu.memory_space<hbm>> -> memref<640x16xf32, #tpu.memory_space<hbm>>
      %dma_start3A_70 = arith.constant 0 : i32
      %dma_start3A_71 = tpu.memref_slice %arg2[%run_scoped3A, %mul3A_2, %dma_start3A_70] : memref<2x10240x16xf32, #tpu.memory_space<hbm>> -> memref<1x640x16xf32, #tpu.memory_space<hbm>>
      %dma_start3A_72 = tpu.memref_squeeze %dma_start3A_71 : memref<1x640x16xf32, #tpu.memory_space<hbm>> -> memref<640x16xf32, #tpu.memory_space<hbm>>
      tpu.enqueue_dma source(%dma_start3A_72 : memref<640x16xf32, #tpu.memory_space<hbm>>) target(%arg14 : memref<640x16xf32, #tpu.memory_space<vmem>>) target_semaphore(%run_scoped3A_66 : memref<!tpu.dma_semaphore, #tpu.memory_space<semaphore_mem>>)
      %dma_wait3A_73 = arith.constant 0 : i32
      %dma_wait3A_74 = tpu.memref_slice %arg2[%run_scoped3A, %mul3A_2, %dma_wait3A_73] : memref<2x10240x16xf32, #tpu.memory_space<hbm>> -> memref<1x640x16xf32, #tpu.memory_space<hbm>>
      %dma_wait3A_75 = tpu.memref_squeeze %dma_wait3A_74 : memref<1x640x16xf32, #tpu.memory_space<hbm>> -> memref<640x16xf32, #tpu.memory_space<hbm>>
      %dma_wait3A_76 = arith.constant 0 : i32
      %dma_wait3A_77 = tpu.memref_slice %arg2[%run_scoped3A, %mul3A_2, %dma_wait3A_76] : memref<2x10240x16xf32, #tpu.memory_space<hbm>> -> memref<1x640x16xf32, #tpu.memory_space<hbm>>
      %dma_wait3A_78 = tpu.memref_squeeze %dma_wait3A_77 : memref<1x640x16xf32, #tpu.memory_space<hbm>> -> memref<640x16xf32, #tpu.memory_space<hbm>>
      tpu.wait_dma2 semaphore(%run_scoped3A_66 : memref<!tpu.dma_semaphore, #tpu.memory_space<semaphore_mem>>) src(%dma_wait3A_78 : memref<640x16xf32, #tpu.memory_space<hbm>>) dst(%arg14 : memref<640x16xf32, #tpu.memory_space<vmem>>)
      tpu.yield
    }) : () -> ()
    %run_scoped3A_3 = arith.constant 1 : i32
    "tpu.region"() ({
      %run_scoped3A_66 = tpu.sem_alloc : memref<!tpu.dma_semaphore, #tpu.memory_space<semaphore_mem>>
      %dma_start3A_67 = arith.constant 0 : i32
      %dma_start3A_68 = tpu.memref_slice %arg2[%run_scoped3A_3, %mul3A_2, %dma_start3A_67] : memref<2x10240x16xf32, #tpu.memory_space<hbm>> -> memref<1x640x16xf32, #tpu.memory_space<hbm>>
      %dma_start3A_69 = tpu.memref_squeeze %dma_start3A_68 : memref<1x640x16xf32, #tpu.memory_space<hbm>> -> memref<640x16xf32, #tpu.memory_space<hbm>>
      %dma_start3A_70 = arith.constant 0 : i32
      %dma_start3A_71 = tpu.memref_slice %arg2[%run_scoped3A_3, %mul3A_2, %dma_start3A_70] : memref<2x10240x16xf32, #tpu.memory_space<hbm>> -> memref<1x640x16xf32, #tpu.memory_space<hbm>>
      %dma_start3A_72 = tpu.memref_squeeze %dma_start3A_71 : memref<1x640x16xf32, #tpu.memory_space<hbm>> -> memref<640x16xf32, #tpu.memory_space<hbm>>
      tpu.enqueue_dma source(%dma_start3A_72 : memref<640x16xf32, #tpu.memory_space<hbm>>) target(%arg15 : memref<640x16xf32, #tpu.memory_space<vmem>>) target_semaphore(%run_scoped3A_66 : memref<!tpu.dma_semaphore, #tpu.memory_space<semaphore_mem>>)
      %dma_wait3A_73 = arith.constant 0 : i32
      %dma_wait3A_74 = tpu.memref_slice %arg2[%run_scoped3A_3, %mul3A_2, %dma_wait3A_73] : memref<2x10240x16xf32, #tpu.memory_space<hbm>> -> memref<1x640x16xf32, #tpu.memory_space<hbm>>
      %dma_wait3A_75 = tpu.memref_squeeze %dma_wait3A_74 : memref<1x640x16xf32, #tpu.memory_space<hbm>> -> memref<640x16xf32, #tpu.memory_space<hbm>>
      %dma_wait3A_76 = arith.constant 0 : i32
      %dma_wait3A_77 = tpu.memref_slice %arg2[%run_scoped3A_3, %mul3A_2, %dma_wait3A_76] : memref<2x10240x16xf32, #tpu.memory_space<hbm>> -> memref<1x640x16xf32, #tpu.memory_space<hbm>>
      %dma_wait3A_78 = tpu.memref_squeeze %dma_wait3A_77 : memref<1x640x16xf32, #tpu.memory_space<hbm>> -> memref<640x16xf32, #tpu.memory_space<hbm>>
      tpu.wait_dma2 semaphore(%run_scoped3A_66 : memref<!tpu.dma_semaphore, #tpu.memory_space<semaphore_mem>>) src(%dma_wait3A_78 : memref<640x16xf32, #tpu.memory_space<hbm>>) dst(%arg15 : memref<640x16xf32, #tpu.memory_space<vmem>>)
      tpu.yield
    }) : () -> ()
    "tpu.region"() ({
      %run_scoped3A_66 = tpu.sem_alloc : memref<!tpu.dma_semaphore, #tpu.memory_space<semaphore_mem>>
      %dma_start3A_67 = arith.constant 0 : i32
      %dma_start3A_68 = tpu.memref_slice %arg3[%mul3A_2, %dma_start3A_67] : memref<10240x16xf32, #tpu.memory_space<hbm>> -> memref<640x16xf32, #tpu.memory_space<hbm>>
      %dma_start3A_69 = arith.constant 0 : i32
      %dma_start3A_70 = tpu.memref_slice %arg3[%mul3A_2, %dma_start3A_69] : memref<10240x16xf32, #tpu.memory_space<hbm>> -> memref<640x16xf32, #tpu.memory_space<hbm>>
      tpu.enqueue_dma source(%dma_start3A_70 : memref<640x16xf32, #tpu.memory_space<hbm>>) target(%arg16 : memref<640x16xf32, #tpu.memory_space<vmem>>) target_semaphore(%run_scoped3A_66 : memref<!tpu.dma_semaphore, #tpu.memory_space<semaphore_mem>>)
      %dma_wait3A_71 = arith.constant 0 : i32
      %dma_wait3A_72 = tpu.memref_slice %arg3[%mul3A_2, %dma_wait3A_71] : memref<10240x16xf32, #tpu.memory_space<hbm>> -> memref<640x16xf32, #tpu.memory_space<hbm>>
      %dma_wait3A_73 = arith.constant 0 : i32
      %dma_wait3A_74 = tpu.memref_slice %arg3[%mul3A_2, %dma_wait3A_73] : memref<10240x16xf32, #tpu.memory_space<hbm>> -> memref<640x16xf32, #tpu.memory_space<hbm>>
      tpu.wait_dma2 semaphore(%run_scoped3A_66 : memref<!tpu.dma_semaphore, #tpu.memory_space<semaphore_mem>>) src(%dma_wait3A_74 : memref<640x16xf32, #tpu.memory_space<hbm>>) dst(%arg16 : memref<640x16xf32, #tpu.memory_space<vmem>>)
      tpu.yield
    }) : () -> ()
    "tpu.region"() ({
      %run_scoped3A_66 = tpu.sem_alloc : memref<!tpu.dma_semaphore, #tpu.memory_space<semaphore_mem>>
      %dma_start3A_67 = tpu.memref_slice %arg4[%mul3A_2] : memref<10240xf32, #tpu.memory_space<hbm>> -> memref<640xf32, #tpu.memory_space<hbm>>
      %dma_start3A_68 = tpu.memref_slice %arg4[%mul3A_2] : memref<10240xf32, #tpu.memory_space<hbm>> -> memref<640xf32, #tpu.memory_space<hbm>>
      tpu.enqueue_dma source(%dma_start3A_68 : memref<640xf32, #tpu.memory_space<hbm>>) target(%arg17 : memref<640xf32, #tpu.memory_space<vmem>>) target_semaphore(%run_scoped3A_66 : memref<!tpu.dma_semaphore, #tpu.memory_space<semaphore_mem>>)
      %dma_wait3A_69 = tpu.memref_slice %arg4[%mul3A_2] : memref<10240xf32, #tpu.memory_space<hbm>> -> memref<640xf32, #tpu.memory_space<hbm>>
      %dma_wait3A_70 = tpu.memref_slice %arg4[%mul3A_2] : memref<10240xf32, #tpu.memory_space<hbm>> -> memref<640xf32, #tpu.memory_space<hbm>>
      tpu.wait_dma2 semaphore(%run_scoped3A_66 : memref<!tpu.dma_semaphore, #tpu.memory_space<semaphore_mem>>) src(%dma_wait3A_70 : memref<640xf32, #tpu.memory_space<hbm>>) dst(%arg17 : memref<640xf32, #tpu.memory_space<vmem>>)
      tpu.yield
    }) : () -> ()
    "tpu.region"() ({
      %run_scoped3A_66 = tpu.sem_alloc : memref<!tpu.dma_semaphore, #tpu.memory_space<semaphore_mem>>
      tpu.enqueue_dma source(%arg5 : memref<1x16xf32, #tpu.memory_space<hbm>>) target(%arg18 : memref<1x16xf32, #tpu.memory_space<vmem>>) target_semaphore(%run_scoped3A_66 : memref<!tpu.dma_semaphore, #tpu.memory_space<semaphore_mem>>)
      tpu.wait_dma2 semaphore(%run_scoped3A_66 : memref<!tpu.dma_semaphore, #tpu.memory_space<semaphore_mem>>) src(%arg5 : memref<1x16xf32, #tpu.memory_space<hbm>>) dst(%arg18 : memref<1x16xf32, #tpu.memory_space<vmem>>)
      tpu.yield
    }) : () -> ()
    %get3A = arith.constant 0 : i32
    %get3A_4 = arith.index_cast %get3A : i32 to index
    %get3A_5 = arith.constant 0 : index
    %get3A_6 = tpu.vector_load %arg18[%get3A_4, %get3A_5] {strides = array<i32>} : memref<1x16xf32, #tpu.memory_space<vmem>>, vector<16xf32>,
    %scan3A = arith.constant 0 : i32
    %scan3A_7 = arith.constant 0 : i32
    %scan3A_8 = arith.constant 40 : i32
    %scan3A_9 = arith.addi %scan3A_7, %scan3A_8 : i32
    %scan3A_10 = arith.constant 1 : i32
    scf.for %scan3A_66 = %scan3A_7 to %scan3A_9 step %scan3A_10  : i32 {
      %mul3A_67 = arith.constant 16 : i32
      %mul3A_68 = arith.muli %scan3A_66, %mul3A_67 : i32
      %get3A_69 = arith.index_cast %mul3A_68 : i32 to index
      %get3A_70 = tpu.vector_load %arg17[%get3A_69] {strides = array<i32>} : memref<640xf32, #tpu.memory_space<vmem>>, vector<16xf32>,
      %mul3A_71 = arith.constant 16 : i32
      %mul3A_72 = arith.muli %scan3A_66, %mul3A_71 : i32
      %add3A_73 = arith.constant 0 : i32
      %add3A_74 = arith.addi %mul3A_72, %add3A_73 : i32
      %slice3A = vector.extract_strided_slice %get3A_70 {offsets = [0], sizes = [1], strides = [1]} : vector<16xf32> to vector<1xf32>
      %squeeze3A = vector.extract %slice3A[0] : f32 from vector<1xf32>
      %get3A_75 = arith.index_cast %add3A_74 : i32 to index
      %get3A_76 = arith.constant 0 : index
      %get3A_77 = tpu.vector_load %arg14[%get3A_75, %get3A_76] {strides = array<i32>} : memref<640x16xf32, #tpu.memory_space<vmem>>, vector<16xf32>,
      %get3A_78 = arith.index_cast %add3A_74 : i32 to index
      %get3A_79 = arith.constant 0 : index
      %get3A_80 = tpu.vector_load %arg15[%get3A_78, %get3A_79] {strides = array<i32>} : memref<640x16xf32, #tpu.memory_space<vmem>>, vector<16xf32>,
      %add3A_81 = arith.addf %get3A_77, %get3A_80 : vector<16xf32>
      %get3A_82 = arith.index_cast %add3A_74 : i32 to index
      %get3A_83 = arith.constant 0 : index
      %get3A_84 = tpu.vector_load %arg16[%get3A_82, %get3A_83] {strides = array<i32>} : memref<640x16xf32, #tpu.memory_space<vmem>>, vector<16xf32>,
      %add3A_85 = arith.addf %add3A_81, %get3A_84 : vector<16xf32>
      %mul3A_86 = vector.broadcast %squeeze3A : f32 to vector<16xf32>
      %mul3A_87 = arith.mulf %mul3A_86, %add3A_85 : vector<16xf32>
      %add3A_88 = arith.addf %mul3A_87, %get3A_6 : vector<16xf32>
      %max3A = arith.constant 0.000000e+00 : f32
      %max3A_89 = vector.broadcast %max3A : f32 to vector<16xf32>
      %max3A_90 = arith.maximumf %add3A_88, %max3A_89 : vector<16xf32>
      %mul3A_91 = vector.broadcast %squeeze3A : f32 to vector<16xf32>
      %mul3A_92 = arith.mulf %mul3A_91, %max3A_90 : vector<16xf32>
      %swap3A = arith.index_cast %add3A_74 : i32 to index
      %swap3A_93 = arith.constant 0 : index
      %swap3A_94 = tpu.vector_load %arg16[%swap3A, %swap3A_93] {strides = array<i32>} : memref<640x16xf32, #tpu.memory_space<vmem>>, vector<16xf32>,
      tpu.vector_store %arg16[%swap3A, %swap3A_93], %mul3A_92 {strides = array<i32>} : memref<640x16xf32, #tpu.memory_space<vmem>>, vector<16xf32>,
      %add3A_95 = arith.constant 1 : i32
      %add3A_96 = arith.addi %mul3A_72, %add3A_95 : i32
      %slice3A_97 = vector.extract_strided_slice %get3A_70 {offsets = [1], sizes = [1], strides = [1]} : vector<16xf32> to vector<1xf32>
      %squeeze3A_98 = vector.extract %slice3A_97[0] : f32 from vector<1xf32>
      %get3A_99 = arith.index_cast %add3A_96 : i32 to index
      %get3A_100 = arith.constant 0 : index
      %get3A_101 = tpu.vector_load %arg14[%get3A_99, %get3A_100] {strides = array<i32>} : memref<640x16xf32, #tpu.memory_space<vmem>>, vector<16xf32>,
      %get3A_102 = arith.index_cast %add3A_96 : i32 to index
      %get3A_103 = arith.constant 0 : index
      %get3A_104 = tpu.vector_load %arg15[%get3A_102, %get3A_103] {strides = array<i32>} : memref<640x16xf32, #tpu.memory_space<vmem>>, vector<16xf32>,
      %add3A_105 = arith.addf %get3A_101, %get3A_104 : vector<16xf32>
      %get3A_106 = arith.index_cast %add3A_96 : i32 to index
      %get3A_107 = arith.constant 0 : index
      %get3A_108 = tpu.vector_load %arg16[%get3A_106, %get3A_107] {strides = array<i32>} : memref<640x16xf32, #tpu.memory_space<vmem>>, vector<16xf32>,
      %add3A_109 = arith.addf %add3A_105, %get3A_108 : vector<16xf32>
      %mul3A_110 = vector.broadcast %squeeze3A_98 : f32 to vector<16xf32>
      %mul3A_111 = arith.mulf %mul3A_110, %add3A_109 : vector<16xf32>
      %add3A_112 = arith.addf %mul3A_111, %get3A_6 : vector<16xf32>
      %max3A_113 = arith.constant 0.000000e+00 : f32
      %max3A_114 = vector.broadcast %max3A_113 : f32 to vector<16xf32>
      %max3A_115 = arith.maximumf %add3A_112, %max3A_114 : vector<16xf32>
      %mul3A_116 = vector.broadcast %squeeze3A_98 : f32 to vector<16xf32>
      %mul3A_117 = arith.mulf %mul3A_116, %max3A_115 : vector<16xf32>
      %swap3A_118 = arith.index_cast %add3A_96 : i32 to index
      %swap3A_119 = arith.constant 0 : index
      %swap3A_120 = tpu.vector_load %arg16[%swap3A_118, %swap3A_119] {strides = array<i32>} : memref<640x16xf32, #tpu.memory_space<vmem>>, vector<16xf32>,
      tpu.vector_store %arg16[%swap3A_118, %swap3A_119], %mul3A_117 {strides = array<i32>} : memref<640x16xf32, #tpu.memory_space<vmem>>, vector<16xf32>,
      %add3A_121 = arith.constant 2 : i32
      %add3A_122 = arith.addi %mul3A_72, %add3A_121 : i32
      %slice3A_123 = vector.extract_strided_slice %get3A_70 {offsets = [2], sizes = [1], strides = [1]} : vector<16xf32> to vector<1xf32>
      %squeeze3A_124 = vector.extract %slice3A_123[0] : f32 from vector<1xf32>
      %get3A_125 = arith.index_cast %add3A_122 : i32 to index
      %get3A_126 = arith.constant 0 : index
      %get3A_127 = tpu.vector_load %arg14[%get3A_125, %get3A_126] {strides = array<i32>} : memref<640x16xf32, #tpu.memory_space<vmem>>, vector<16xf32>,
      %get3A_128 = arith.index_cast %add3A_122 : i32 to index
      %get3A_129 = arith.constant 0 : index
      %get3A_130 = tpu.vector_load %arg15[%get3A_128, %get3A_129] {strides = array<i32>} : memref<640x16xf32, #tpu.memory_space<vmem>>, vector<16xf32>,
      %add3A_131 = arith.addf %get3A_127, %get3A_130 : vector<16xf32>
      %get3A_132 = arith.index_cast %add3A_122 : i32 to index
      %get3A_133 = arith.constant 0 : index
      %get3A_134 = tpu.vector_load %arg16[%get3A_132, %get3A_133] {strides = array<i32>} : memref<640x16xf32, #tpu.memory_space<vmem>>, vector<16xf32>,
      %add3A_135 = arith.addf %add3A_131, %get3A_134 : vector<16xf32>
      %mul3A_136 = vector.broadcast %squeeze3A_124 : f32 to vector<16xf32>
      %mul3A_137 = arith.mulf %mul3A_136, %add3A_135 : vector<16xf32>
      %add3A_138 = arith.addf %mul3A_137, %get3A_6 : vector<16xf32>
      %max3A_139 = arith.constant 0.000000e+00 : f32
      %max3A_140 = vector.broadcast %max3A_139 : f32 to vector<16xf32>
      %max3A_141 = arith.maximumf %add3A_138, %max3A_140 : vector<16xf32>
      %mul3A_142 = vector.broadcast %squeeze3A_124 : f32 to vector<16xf32>
      %mul3A_143 = arith.mulf %mul3A_142, %max3A_141 : vector<16xf32>
      %swap3A_144 = arith.index_cast %add3A_122 : i32 to index
      %swap3A_145 = arith.constant 0 : index
      %swap3A_146 = tpu.vector_load %arg16[%swap3A_144, %swap3A_145] {strides = array<i32>} : memref<640x16xf32, #tpu.memory_space<vmem>>, vector<16xf32>,
      tpu.vector_store %arg16[%swap3A_144, %swap3A_145], %mul3A_143 {strides = array<i32>} : memref<640x16xf32, #tpu.memory_space<vmem>>, vector<16xf32>,
      %add3A_147 = arith.constant 3 : i32
      %add3A_148 = arith.addi %mul3A_72, %add3A_147 : i32
      %slice3A_149 = vector.extract_strided_slice %get3A_70 {offsets = [3], sizes = [1], strides = [1]} : vector<16xf32> to vector<1xf32>
      %squeeze3A_150 = vector.extract %slice3A_149[0] : f32 from vector<1xf32>
      %get3A_151 = arith.index_cast %add3A_148 : i32 to index
      %get3A_152 = arith.constant 0 : index
      %get3A_153 = tpu.vector_load %arg14[%get3A_151, %get3A_152] {strides = array<i32>} : memref<640x16xf32, #tpu.memory_space<vmem>>, vector<16xf32>,
      %get3A_154 = arith.index_cast %add3A_148 : i32 to index
      %get3A_155 = arith.constant 0 : index
      %get3A_156 = tpu.vector_load %arg15[%get3A_154, %get3A_155] {strides = array<i32>} : memref<640x16xf32, #tpu.memory_space<vmem>>, vector<16xf32>,
      %add3A_157 = arith.addf %get3A_153, %get3A_156 : vector<16xf32>
      %get3A_158 = arith.index_cast %add3A_148 : i32 to index
      %get3A_159 = arith.constant 0 : index
      %get3A_160 = tpu.vector_load %arg16[%get3A_158, %get3A_159] {strides = array<i32>} : memref<640x16xf32, #tpu.memory_space<vmem>>, vector<16xf32>,
      %add3A_161 = arith.addf %add3A_157, %get3A_160 : vector<16xf32>
      %mul3A_162 = vector.broadcast %squeeze3A_150 : f32 to vector<16xf32>
      %mul3A_163 = arith.mulf %mul3A_162, %add3A_161 : vector<16xf32>
      %add3A_164 = arith.addf %mul3A_163, %get3A_6 : vector<16xf32>
      %max3A_165 = arith.constant 0.000000e+00 : f32
      %max3A_166 = vector.broadcast %max3A_165 : f32 to vector<16xf32>
      %max3A_167 = arith.maximumf %add3A_164, %max3A_166 : vector<16xf32>
      %mul3A_168 = vector.broadcast %squeeze3A_150 : f32 to vector<16xf32>
      %mul3A_169 = arith.mulf %mul3A_168, %max3A_167 : vector<16xf32>
      %swap3A_170 = arith.index_cast %add3A_148 : i32 to index
      %swap3A_171 = arith.constant 0 : index
      %swap3A_172 = tpu.vector_load %arg16[%swap3A_170, %swap3A_171] {strides = array<i32>} : memref<640x16xf32, #tpu.memory_space<vmem>>, vector<16xf32>,
      tpu.vector_store %arg16[%swap3A_170, %swap3A_171], %mul3A_169 {strides = array<i32>} : memref<640x16xf32, #tpu.memory_space<vmem>>, vector<16xf32>,
      %add3A_173 = arith.constant 4 : i32
      %add3A_174 = arith.addi %mul3A_72, %add3A_173 : i32
      %slice3A_175 = vector.extract_strided_slice %get3A_70 {offsets = [4], sizes = [1], strides = [1]} : vector<16xf32> to vector<1xf32>
      %squeeze3A_176 = vector.extract %slice3A_175[0] : f32 from vector<1xf32>
      %get3A_177 = arith.index_cast %add3A_174 : i32 to index
      %get3A_178 = arith.constant 0 : index
      %get3A_179 = tpu.vector_load %arg14[%get3A_177, %get3A_178] {strides = array<i32>} : memref<640x16xf32, #tpu.memory_space<vmem>>, vector<16xf32>,
      %get3A_180 = arith.index_cast %add3A_174 : i32 to index
      %get3A_181 = arith.constant 0 : index
      %get3A_182 = tpu.vector_load %arg15[%get3A_180, %get3A_181] {strides = array<i32>} : memref<640x16xf32, #tpu.memory_space<vmem>>, vector<16xf32>,
      %add3A_183 = arith.addf %get3A_179, %get3A_182 : vector<16xf32>
      %get3A_184 = arith.index_cast %add3A_174 : i32 to index
      %get3A_185 = arith.constant 0 : index
      %get3A_186 = tpu.vector_load %arg16[%get3A_184, %get3A_185] {strides = array<i32>} : memref<640x16xf32, #tpu.memory_space<vmem>>, vector<16xf32>,
      %add3A_187 = arith.addf %add3A_183, %get3A_186 : vector<16xf32>
      %mul3A_188 = vector.broadcast %squeeze3A_176 : f32 to vector<16xf32>
      %mul3A_189 = arith.mulf %mul3A_188, %add3A_187 : vector<16xf32>
      %add3A_190 = arith.addf %mul3A_189, %get3A_6 : vector<16xf32>
      %max3A_191 = arith.constant 0.000000e+00 : f32
      %max3A_192 = vector.broadcast %max3A_191 : f32 to vector<16xf32>
      %max3A_193 = arith.maximumf %add3A_190, %max3A_192 : vector<16xf32>
      %mul3A_194 = vector.broadcast %squeeze3A_176 : f32 to vector<16xf32>
      %mul3A_195 = arith.mulf %mul3A_194, %max3A_193 : vector<16xf32>
      %swap3A_196 = arith.index_cast %add3A_174 : i32 to index
      %swap3A_197 = arith.constant 0 : index
      %swap3A_198 = tpu.vector_load %arg16[%swap3A_196, %swap3A_197] {strides = array<i32>} : memref<640x16xf32, #tpu.memory_space<vmem>>, vector<16xf32>,
      tpu.vector_store %arg16[%swap3A_196, %swap3A_197], %mul3A_195 {strides = array<i32>} : memref<640x16xf32, #tpu.memory_space<vmem>>, vector<16xf32>,
      %add3A_199 = arith.constant 5 : i32
      %add3A_200 = arith.addi %mul3A_72, %add3A_199 : i32
      %slice3A_201 = vector.extract_strided_slice %get3A_70 {offsets = [5], sizes = [1], strides = [1]} : vector<16xf32> to vector<1xf32>
      %squeeze3A_202 = vector.extract %slice3A_201[0] : f32 from vector<1xf32>
      %get3A_203 = arith.index_cast %add3A_200 : i32 to index
      %get3A_204 = arith.constant 0 : index
      %get3A_205 = tpu.vector_load %arg14[%get3A_203, %get3A_204] {strides = array<i32>} : memref<640x16xf32, #tpu.memory_space<vmem>>, vector<16xf32>,
      %get3A_206 = arith.index_cast %add3A_200 : i32 to index
      %get3A_207 = arith.constant 0 : index
      %get3A_208 = tpu.vector_load %arg15[%get3A_206, %get3A_207] {strides = array<i32>} : memref<640x16xf32, #tpu.memory_space<vmem>>, vector<16xf32>,
      %add3A_209 = arith.addf %get3A_205, %get3A_208 : vector<16xf32>
      %get3A_210 = arith.index_cast %add3A_200 : i32 to index
      %get3A_211 = arith.constant 0 : index
      %get3A_212 = tpu.vector_load %arg16[%get3A_210, %get3A_211] {strides = array<i32>} : memref<640x16xf32, #tpu.memory_space<vmem>>, vector<16xf32>,
      %add3A_213 = arith.addf %add3A_209, %get3A_212 : vector<16xf32>
      %mul3A_214 = vector.broadcast %squeeze3A_202 : f32 to vector<16xf32>
      %mul3A_215 = arith.mulf %mul3A_214, %add3A_213 : vector<16xf32>
      %add3A_216 = arith.addf %mul3A_215, %get3A_6 : vector<16xf32>
      %max3A_217 = arith.constant 0.000000e+00 : f32
      %max3A_218 = vector.broadcast %max3A_217 : f32 to vector<16xf32>
      %max3A_219 = arith.maximumf %add3A_216, %max3A_218 : vector<16xf32>
      %mul3A_220 = vector.broadcast %squeeze3A_202 : f32 to vector<16xf32>
      %mul3A_221 = arith.mulf %mul3A_220, %max3A_219 : vector<16xf32>
      %swap3A_222 = arith.index_cast %add3A_200 : i32 to index
      %swap3A_223 = arith.constant 0 : index
      %swap3A_224 = tpu.vector_load %arg16[%swap3A_222, %swap3A_223] {strides = array<i32>} : memref<640x16xf32, #tpu.memory_space<vmem>>, vector<16xf32>,
      tpu.vector_store %arg16[%swap3A_222, %swap3A_223], %mul3A_221 {strides = array<i32>} : memref<640x16xf32, #tpu.memory_space<vmem>>, vector<16xf32>,
      %add3A_225 = arith.constant 6 : i32
      %add3A_226 = arith.addi %mul3A_72, %add3A_225 : i32
      %slice3A_227 = vector.extract_strided_slice %get3A_70 {offsets = [6], sizes = [1], strides = [1]} : vector<16xf32> to vector<1xf32>
      %squeeze3A_228 = vector.extract %slice3A_227[0] : f32 from vector<1xf32>
      %get3A_229 = arith.index_cast %add3A_226 : i32 to index
      %get3A_230 = arith.constant 0 : index
      %get3A_231 = tpu.vector_load %arg14[%get3A_229, %get3A_230] {strides = array<i32>} : memref<640x16xf32, #tpu.memory_space<vmem>>, vector<16xf32>,
      %get3A_232 = arith.index_cast %add3A_226 : i32 to index
      %get3A_233 = arith.constant 0 : index
      %get3A_234 = tpu.vector_load %arg15[%get3A_232, %get3A_233] {strides = array<i32>} : memref<640x16xf32, #tpu.memory_space<vmem>>, vector<16xf32>,
      %add3A_235 = arith.addf %get3A_231, %get3A_234 : vector<16xf32>
      %get3A_236 = arith.index_cast %add3A_226 : i32 to index
      %get3A_237 = arith.constant 0 : index
      %get3A_238 = tpu.vector_load %arg16[%get3A_236, %get3A_237] {strides = array<i32>} : memref<640x16xf32, #tpu.memory_space<vmem>>, vector<16xf32>,
      %add3A_239 = arith.addf %add3A_235, %get3A_238 : vector<16xf32>
      %mul3A_240 = vector.broadcast %squeeze3A_228 : f32 to vector<16xf32>
      %mul3A_241 = arith.mulf %mul3A_240, %add3A_239 : vector<16xf32>
      %add3A_242 = arith.addf %mul3A_241, %get3A_6 : vector<16xf32>
      %max3A_243 = arith.constant 0.000000e+00 : f32
      %max3A_244 = vector.broadcast %max3A_243 : f32 to vector<16xf32>
      %max3A_245 = arith.maximumf %add3A_242, %max3A_244 : vector<16xf32>
      %mul3A_246 = vector.broadcast %squeeze3A_228 : f32 to vector<16xf32>
      %mul3A_247 = arith.mulf %mul3A_246, %max3A_245 : vector<16xf32>
      %swap3A_248 = arith.index_cast %add3A_226 : i32 to index
      %swap3A_249 = arith.constant 0 : index
      %swap3A_250 = tpu.vector_load %arg16[%swap3A_248, %swap3A_249] {strides = array<i32>} : memref<640x16xf32, #tpu.memory_space<vmem>>, vector<16xf32>,
      tpu.vector_store %arg16[%swap3A_248, %swap3A_249], %mul3A_247 {strides = array<i32>} : memref<640x16xf32, #tpu.memory_space<vmem>>, vector<16xf32>,
      %add3A_251 = arith.constant 7 : i32
      %add3A_252 = arith.addi %mul3A_72, %add3A_251 : i32
      %slice3A_253 = vector.extract_strided_slice %get3A_70 {offsets = [7], sizes = [1], strides = [1]} : vector<16xf32> to vector<1xf32>
      %squeeze3A_254 = vector.extract %slice3A_253[0] : f32 from vector<1xf32>
      %get3A_255 = arith.index_cast %add3A_252 : i32 to index
      %get3A_256 = arith.constant 0 : index
      %get3A_257 = tpu.vector_load %arg14[%get3A_255, %get3A_256] {strides = array<i32>} : memref<640x16xf32, #tpu.memory_space<vmem>>, vector<16xf32>,
      %get3A_258 = arith.index_cast %add3A_252 : i32 to index
      %get3A_259 = arith.constant 0 : index
      %get3A_260 = tpu.vector_load %arg15[%get3A_258, %get3A_259] {strides = array<i32>} : memref<640x16xf32, #tpu.memory_space<vmem>>, vector<16xf32>,
      %add3A_261 = arith.addf %get3A_257, %get3A_260 : vector<16xf32>
      %get3A_262 = arith.index_cast %add3A_252 : i32 to index
      %get3A_263 = arith.constant 0 : index
      %get3A_264 = tpu.vector_load %arg16[%get3A_262, %get3A_263] {strides = array<i32>} : memref<640x16xf32, #tpu.memory_space<vmem>>, vector<16xf32>,
      %add3A_265 = arith.addf %add3A_261, %get3A_264 : vector<16xf32>
      %mul3A_266 = vector.broadcast %squeeze3A_254 : f32 to vector<16xf32>
      %mul3A_267 = arith.mulf %mul3A_266, %add3A_265 : vector<16xf32>
      %add3A_268 = arith.addf %mul3A_267, %get3A_6 : vector<16xf32>
      %max3A_269 = arith.constant 0.000000e+00 : f32
      %max3A_270 = vector.broadcast %max3A_269 : f32 to vector<16xf32>
      %max3A_271 = arith.maximumf %add3A_268, %max3A_270 : vector<16xf32>
      %mul3A_272 = vector.broadcast %squeeze3A_254 : f32 to vector<16xf32>
      %mul3A_273 = arith.mulf %mul3A_272, %max3A_271 : vector<16xf32>
      %swap3A_274 = arith.index_cast %add3A_252 : i32 to index
      %swap3A_275 = arith.constant 0 : index
      %swap3A_276 = tpu.vector_load %arg16[%swap3A_274, %swap3A_275] {strides = array<i32>} : memref<640x16xf32, #tpu.memory_space<vmem>>, vector<16xf32>,
      tpu.vector_store %arg16[%swap3A_274, %swap3A_275], %mul3A_273 {strides = array<i32>} : memref<640x16xf32, #tpu.memory_space<vmem>>, vector<16xf32>,
      %add3A_277 = arith.constant 8 : i32
      %add3A_278 = arith.addi %mul3A_72, %add3A_277 : i32
      %slice3A_279 = vector.extract_strided_slice %get3A_70 {offsets = [8], sizes = [1], strides = [1]} : vector<16xf32> to vector<1xf32>
      %squeeze3A_280 = vector.extract %slice3A_279[0] : f32 from vector<1xf32>
      %get3A_281 = arith.index_cast %add3A_278 : i32 to index
      %get3A_282 = arith.constant 0 : index
      %get3A_283 = tpu.vector_load %arg14[%get3A_281, %get3A_282] {strides = array<i32>} : memref<640x16xf32, #tpu.memory_space<vmem>>, vector<16xf32>,
      %get3A_284 = arith.index_cast %add3A_278 : i32 to index
      %get3A_285 = arith.constant 0 : index
      %get3A_286 = tpu.vector_load %arg15[%get3A_284, %get3A_285] {strides = array<i32>} : memref<640x16xf32, #tpu.memory_space<vmem>>, vector<16xf32>,
      %add3A_287 = arith.addf %get3A_283, %get3A_286 : vector<16xf32>
      %get3A_288 = arith.index_cast %add3A_278 : i32 to index
      %get3A_289 = arith.constant 0 : index
      %get3A_290 = tpu.vector_load %arg16[%get3A_288, %get3A_289] {strides = array<i32>} : memref<640x16xf32, #tpu.memory_space<vmem>>, vector<16xf32>,
      %add3A_291 = arith.addf %add3A_287, %get3A_290 : vector<16xf32>
      %mul3A_292 = vector.broadcast %squeeze3A_280 : f32 to vector<16xf32>
      %mul3A_293 = arith.mulf %mul3A_292, %add3A_291 : vector<16xf32>
      %add3A_294 = arith.addf %mul3A_293, %get3A_6 : vector<16xf32>
      %max3A_295 = arith.constant 0.000000e+00 : f32
      %max3A_296 = vector.broadcast %max3A_295 : f32 to vector<16xf32>
      %max3A_297 = arith.maximumf %add3A_294, %max3A_296 : vector<16xf32>
      %mul3A_298 = vector.broadcast %squeeze3A_280 : f32 to vector<16xf32>
      %mul3A_299 = arith.mulf %mul3A_298, %max3A_297 : vector<16xf32>
      %swap3A_300 = arith.index_cast %add3A_278 : i32 to index
      %swap3A_301 = arith.constant 0 : index
      %swap3A_302 = tpu.vector_load %arg16[%swap3A_300, %swap3A_301] {strides = array<i32>} : memref<640x16xf32, #tpu.memory_space<vmem>>, vector<16xf32>,
      tpu.vector_store %arg16[%swap3A_300, %swap3A_301], %mul3A_299 {strides = array<i32>} : memref<640x16xf32, #tpu.memory_space<vmem>>, vector<16xf32>,
      %add3A_303 = arith.constant 9 : i32
      %add3A_304 = arith.addi %mul3A_72, %add3A_303 : i32
      %slice3A_305 = vector.extract_strided_slice %get3A_70 {offsets = [9], sizes = [1], strides = [1]} : vector<16xf32> to vector<1xf32>
      %squeeze3A_306 = vector.extract %slice3A_305[0] : f32 from vector<1xf32>
      %get3A_307 = arith.index_cast %add3A_304 : i32 to index
      %get3A_308 = arith.constant 0 : index
      %get3A_309 = tpu.vector_load %arg14[%get3A_307, %get3A_308] {strides = array<i32>} : memref<640x16xf32, #tpu.memory_space<vmem>>, vector<16xf32>,
      %get3A_310 = arith.index_cast %add3A_304 : i32 to index
      %get3A_311 = arith.constant 0 : index
      %get3A_312 = tpu.vector_load %arg15[%get3A_310, %get3A_311] {strides = array<i32>} : memref<640x16xf32, #tpu.memory_space<vmem>>, vector<16xf32>,
      %add3A_313 = arith.addf %get3A_309, %get3A_312 : vector<16xf32>
      %get3A_314 = arith.index_cast %add3A_304 : i32 to index
      %get3A_315 = arith.constant 0 : index
      %get3A_316 = tpu.vector_load %arg16[%get3A_314, %get3A_315] {strides = array<i32>} : memref<640x16xf32, #tpu.memory_space<vmem>>, vector<16xf32>,
      %add3A_317 = arith.addf %add3A_313, %get3A_316 : vector<16xf32>
      %mul3A_318 = vector.broadcast %squeeze3A_306 : f32 to vector<16xf32>
      %mul3A_319 = arith.mulf %mul3A_318, %add3A_317 : vector<16xf32>
      %add3A_320 = arith.addf %mul3A_319, %get3A_6 : vector<16xf32>
      %max3A_321 = arith.constant 0.000000e+00 : f32
      %max3A_322 = vector.broadcast %max3A_321 : f32 to vector<16xf32>
      %max3A_323 = arith.maximumf %add3A_320, %max3A_322 : vector<16xf32>
      %mul3A_324 = vector.broadcast %squeeze3A_306 : f32 to vector<16xf32>
      %mul3A_325 = arith.mulf %mul3A_324, %max3A_323 : vector<16xf32>
      %swap3A_326 = arith.index_cast %add3A_304 : i32 to index
      %swap3A_327 = arith.constant 0 : index
      %swap3A_328 = tpu.vector_load %arg16[%swap3A_326, %swap3A_327] {strides = array<i32>} : memref<640x16xf32, #tpu.memory_space<vmem>>, vector<16xf32>,
      tpu.vector_store %arg16[%swap3A_326, %swap3A_327], %mul3A_325 {strides = array<i32>} : memref<640x16xf32, #tpu.memory_space<vmem>>, vector<16xf32>,
      %add3A_329 = arith.constant 10 : i32
      %add3A_330 = arith.addi %mul3A_72, %add3A_329 : i32
      %slice3A_331 = vector.extract_strided_slice %get3A_70 {offsets = [10], sizes = [1], strides = [1]} : vector<16xf32> to vector<1xf32>
      %squeeze3A_332 = vector.extract %slice3A_331[0] : f32 from vector<1xf32>
      %get3A_333 = arith.index_cast %add3A_330 : i32 to index
      %get3A_334 = arith.constant 0 : index
      %get3A_335 = tpu.vector_load %arg14[%get3A_333, %get3A_334] {strides = array<i32>} : memref<640x16xf32, #tpu.memory_space<vmem>>, vector<16xf32>,
      %get3A_336 = arith.index_cast %add3A_330 : i32 to index
      %get3A_337 = arith.constant 0 : index
      %get3A_338 = tpu.vector_load %arg15[%get3A_336, %get3A_337] {strides = array<i32>} : memref<640x16xf32, #tpu.memory_space<vmem>>, vector<16xf32>,
      %add3A_339 = arith.addf %get3A_335, %get3A_338 : vector<16xf32>
      %get3A_340 = arith.index_cast %add3A_330 : i32 to index
      %get3A_341 = arith.constant 0 : index
      %get3A_342 = tpu.vector_load %arg16[%get3A_340, %get3A_341] {strides = array<i32>} : memref<640x16xf32, #tpu.memory_space<vmem>>, vector<16xf32>,
      %add3A_343 = arith.addf %add3A_339, %get3A_342 : vector<16xf32>
      %mul3A_344 = vector.broadcast %squeeze3A_332 : f32 to vector<16xf32>
      %mul3A_345 = arith.mulf %mul3A_344, %add3A_343 : vector<16xf32>
      %add3A_346 = arith.addf %mul3A_345, %get3A_6 : vector<16xf32>
      %max3A_347 = arith.constant 0.000000e+00 : f32
      %max3A_348 = vector.broadcast %max3A_347 : f32 to vector<16xf32>
      %max3A_349 = arith.maximumf %add3A_346, %max3A_348 : vector<16xf32>
      %mul3A_350 = vector.broadcast %squeeze3A_332 : f32 to vector<16xf32>
      %mul3A_351 = arith.mulf %mul3A_350, %max3A_349 : vector<16xf32>
      %swap3A_352 = arith.index_cast %add3A_330 : i32 to index
      %swap3A_353 = arith.constant 0 : index
      %swap3A_354 = tpu.vector_load %arg16[%swap3A_352, %swap3A_353] {strides = array<i32>} : memref<640x16xf32, #tpu.memory_space<vmem>>, vector<16xf32>,
      tpu.vector_store %arg16[%swap3A_352, %swap3A_353], %mul3A_351 {strides = array<i32>} : memref<640x16xf32, #tpu.memory_space<vmem>>, vector<16xf32>,
      %add3A_355 = arith.constant 11 : i32
      %add3A_356 = arith.addi %mul3A_72, %add3A_355 : i32
      %slice3A_357 = vector.extract_strided_slice %get3A_70 {offsets = [11], sizes = [1], strides = [1]} : vector<16xf32> to vector<1xf32>
      %squeeze3A_358 = vector.extract %slice3A_357[0] : f32 from vector<1xf32>
      %get3A_359 = arith.index_cast %add3A_356 : i32 to index
      %get3A_360 = arith.constant 0 : index
      %get3A_361 = tpu.vector_load %arg14[%get3A_359, %get3A_360] {strides = array<i32>} : memref<640x16xf32, #tpu.memory_space<vmem>>, vector<16xf32>,
      %get3A_362 = arith.index_cast %add3A_356 : i32 to index
      %get3A_363 = arith.constant 0 : index
      %get3A_364 = tpu.vector_load %arg15[%get3A_362, %get3A_363] {strides = array<i32>} : memref<640x16xf32, #tpu.memory_space<vmem>>, vector<16xf32>,
      %add3A_365 = arith.addf %get3A_361, %get3A_364 : vector<16xf32>
      %get3A_366 = arith.index_cast %add3A_356 : i32 to index
      %get3A_367 = arith.constant 0 : index
      %get3A_368 = tpu.vector_load %arg16[%get3A_366, %get3A_367] {strides = array<i32>} : memref<640x16xf32, #tpu.memory_space<vmem>>, vector<16xf32>,
      %add3A_369 = arith.addf %add3A_365, %get3A_368 : vector<16xf32>
      %mul3A_370 = vector.broadcast %squeeze3A_358 : f32 to vector<16xf32>
      %mul3A_371 = arith.mulf %mul3A_370, %add3A_369 : vector<16xf32>
      %add3A_372 = arith.addf %mul3A_371, %get3A_6 : vector<16xf32>
      %max3A_373 = arith.constant 0.000000e+00 : f32
      %max3A_374 = vector.broadcast %max3A_373 : f32 to vector<16xf32>
      %max3A_375 = arith.maximumf %add3A_372, %max3A_374 : vector<16xf32>
      %mul3A_376 = vector.broadcast %squeeze3A_358 : f32 to vector<16xf32>
      %mul3A_377 = arith.mulf %mul3A_376, %max3A_375 : vector<16xf32>
      %swap3A_378 = arith.index_cast %add3A_356 : i32 to index
      %swap3A_379 = arith.constant 0 : index
      %swap3A_380 = tpu.vector_load %arg16[%swap3A_378, %swap3A_379] {strides = array<i32>} : memref<640x16xf32, #tpu.memory_space<vmem>>, vector<16xf32>,
      tpu.vector_store %arg16[%swap3A_378, %swap3A_379], %mul3A_377 {strides = array<i32>} : memref<640x16xf32, #tpu.memory_space<vmem>>, vector<16xf32>,
      %add3A_381 = arith.constant 12 : i32
      %add3A_382 = arith.addi %mul3A_72, %add3A_381 : i32
      %slice3A_383 = vector.extract_strided_slice %get3A_70 {offsets = [12], sizes = [1], strides = [1]} : vector<16xf32> to vector<1xf32>
      %squeeze3A_384 = vector.extract %slice3A_383[0] : f32 from vector<1xf32>
      %get3A_385 = arith.index_cast %add3A_382 : i32 to index
      %get3A_386 = arith.constant 0 : index
      %get3A_387 = tpu.vector_load %arg14[%get3A_385, %get3A_386] {strides = array<i32>} : memref<640x16xf32, #tpu.memory_space<vmem>>, vector<16xf32>,
      %get3A_388 = arith.index_cast %add3A_382 : i32 to index
      %get3A_389 = arith.constant 0 : index
      %get3A_390 = tpu.vector_load %arg15[%get3A_388, %get3A_389] {strides = array<i32>} : memref<640x16xf32, #tpu.memory_space<vmem>>, vector<16xf32>,
      %add3A_391 = arith.addf %get3A_387, %get3A_390 : vector<16xf32>
      %get3A_392 = arith.index_cast %add3A_382 : i32 to index
      %get3A_393 = arith.constant 0 : index
      %get3A_394 = tpu.vector_load %arg16[%get3A_392, %get3A_393] {strides = array<i32>} : memref<640x16xf32, #tpu.memory_space<vmem>>, vector<16xf32>,
      %add3A_395 = arith.addf %add3A_391, %get3A_394 : vector<16xf32>
      %mul3A_396 = vector.broadcast %squeeze3A_384 : f32 to vector<16xf32>
      %mul3A_397 = arith.mulf %mul3A_396, %add3A_395 : vector<16xf32>
      %add3A_398 = arith.addf %mul3A_397, %get3A_6 : vector<16xf32>
      %max3A_399 = arith.constant 0.000000e+00 : f32
      %max3A_400 = vector.broadcast %max3A_399 : f32 to vector<16xf32>
      %max3A_401 = arith.maximumf %add3A_398, %max3A_400 : vector<16xf32>
      %mul3A_402 = vector.broadcast %squeeze3A_384 : f32 to vector<16xf32>
      %mul3A_403 = arith.mulf %mul3A_402, %max3A_401 : vector<16xf32>
      %swap3A_404 = arith.index_cast %add3A_382 : i32 to index
      %swap3A_405 = arith.constant 0 : index
      %swap3A_406 = tpu.vector_load %arg16[%swap3A_404, %swap3A_405] {strides = array<i32>} : memref<640x16xf32, #tpu.memory_space<vmem>>, vector<16xf32>,
      tpu.vector_store %arg16[%swap3A_404, %swap3A_405], %mul3A_403 {strides = array<i32>} : memref<640x16xf32, #tpu.memory_space<vmem>>, vector<16xf32>,
      %add3A_407 = arith.constant 13 : i32
      %add3A_408 = arith.addi %mul3A_72, %add3A_407 : i32
      %slice3A_409 = vector.extract_strided_slice %get3A_70 {offsets = [13], sizes = [1], strides = [1]} : vector<16xf32> to vector<1xf32>
      %squeeze3A_410 = vector.extract %slice3A_409[0] : f32 from vector<1xf32>
      %get3A_411 = arith.index_cast %add3A_408 : i32 to index
      %get3A_412 = arith.constant 0 : index
      %get3A_413 = tpu.vector_load %arg14[%get3A_411, %get3A_412] {strides = array<i32>} : memref<640x16xf32, #tpu.memory_space<vmem>>, vector<16xf32>,
      %get3A_414 = arith.index_cast %add3A_408 : i32 to index
      %get3A_415 = arith.constant 0 : index
      %get3A_416 = tpu.vector_load %arg15[%get3A_414, %get3A_415] {strides = array<i32>} : memref<640x16xf32, #tpu.memory_space<vmem>>, vector<16xf32>,
      %add3A_417 = arith.addf %get3A_413, %get3A_416 : vector<16xf32>
      %get3A_418 = arith.index_cast %add3A_408 : i32 to index
      %get3A_419 = arith.constant 0 : index
      %get3A_420 = tpu.vector_load %arg16[%get3A_418, %get3A_419] {strides = array<i32>} : memref<640x16xf32, #tpu.memory_space<vmem>>, vector<16xf32>,
      %add3A_421 = arith.addf %add3A_417, %get3A_420 : vector<16xf32>
      %mul3A_422 = vector.broadcast %squeeze3A_410 : f32 to vector<16xf32>
      %mul3A_423 = arith.mulf %mul3A_422, %add3A_421 : vector<16xf32>
      %add3A_424 = arith.addf %mul3A_423, %get3A_6 : vector<16xf32>
      %max3A_425 = arith.constant 0.000000e+00 : f32
      %max3A_426 = vector.broadcast %max3A_425 : f32 to vector<16xf32>
      %max3A_427 = arith.maximumf %add3A_424, %max3A_426 : vector<16xf32>
      %mul3A_428 = vector.broadcast %squeeze3A_410 : f32 to vector<16xf32>
      %mul3A_429 = arith.mulf %mul3A_428, %max3A_427 : vector<16xf32>
      %swap3A_430 = arith.index_cast %add3A_408 : i32 to index
      %swap3A_431 = arith.constant 0 : index
      %swap3A_432 = tpu.vector_load %arg16[%swap3A_430, %swap3A_431] {strides = array<i32>} : memref<640x16xf32, #tpu.memory_space<vmem>>, vector<16xf32>,
      tpu.vector_store %arg16[%swap3A_430, %swap3A_431], %mul3A_429 {strides = array<i32>} : memref<640x16xf32, #tpu.memory_space<vmem>>, vector<16xf32>,
      %add3A_433 = arith.constant 14 : i32
      %add3A_434 = arith.addi %mul3A_72, %add3A_433 : i32
      %slice3A_435 = vector.extract_strided_slice %get3A_70 {offsets = [14], sizes = [1], strides = [1]} : vector<16xf32> to vector<1xf32>
      %squeeze3A_436 = vector.extract %slice3A_435[0] : f32 from vector<1xf32>
      %get3A_437 = arith.index_cast %add3A_434 : i32 to index
      %get3A_438 = arith.constant 0 : index
      %get3A_439 = tpu.vector_load %arg14[%get3A_437, %get3A_438] {strides = array<i32>} : memref<640x16xf32, #tpu.memory_space<vmem>>, vector<16xf32>,
      %get3A_440 = arith.index_cast %add3A_434 : i32 to index
      %get3A_441 = arith.constant 0 : index
      %get3A_442 = tpu.vector_load %arg15[%get3A_440, %get3A_441] {strides = array<i32>} : memref<640x16xf32, #tpu.memory_space<vmem>>, vector<16xf32>,
      %add3A_443 = arith.addf %get3A_439, %get3A_442 : vector<16xf32>
      %get3A_444 = arith.index_cast %add3A_434 : i32 to index
      %get3A_445 = arith.constant 0 : index
      %get3A_446 = tpu.vector_load %arg16[%get3A_444, %get3A_445] {strides = array<i32>} : memref<640x16xf32, #tpu.memory_space<vmem>>, vector<16xf32>,
      %add3A_447 = arith.addf %add3A_443, %get3A_446 : vector<16xf32>
      %mul3A_448 = vector.broadcast %squeeze3A_436 : f32 to vector<16xf32>
      %mul3A_449 = arith.mulf %mul3A_448, %add3A_447 : vector<16xf32>
      %add3A_450 = arith.addf %mul3A_449, %get3A_6 : vector<16xf32>
      %max3A_451 = arith.constant 0.000000e+00 : f32
      %max3A_452 = vector.broadcast %max3A_451 : f32 to vector<16xf32>
      %max3A_453 = arith.maximumf %add3A_450, %max3A_452 : vector<16xf32>
      %mul3A_454 = vector.broadcast %squeeze3A_436 : f32 to vector<16xf32>
      %mul3A_455 = arith.mulf %mul3A_454, %max3A_453 : vector<16xf32>
      %swap3A_456 = arith.index_cast %add3A_434 : i32 to index
      %swap3A_457 = arith.constant 0 : index
      %swap3A_458 = tpu.vector_load %arg16[%swap3A_456, %swap3A_457] {strides = array<i32>} : memref<640x16xf32, #tpu.memory_space<vmem>>, vector<16xf32>,
      tpu.vector_store %arg16[%swap3A_456, %swap3A_457], %mul3A_455 {strides = array<i32>} : memref<640x16xf32, #tpu.memory_space<vmem>>, vector<16xf32>,
      %add3A_459 = arith.constant 15 : i32
      %add3A_460 = arith.addi %mul3A_72, %add3A_459 : i32
      %slice3A_461 = vector.extract_strided_slice %get3A_70 {offsets = [15], sizes = [1], strides = [1]} : vector<16xf32> to vector<1xf32>
      %squeeze3A_462 = vector.extract %slice3A_461[0] : f32 from vector<1xf32>
      %get3A_463 = arith.index_cast %add3A_460 : i32 to index
      %get3A_464 = arith.constant 0 : index
      %get3A_465 = tpu.vector_load %arg14[%get3A_463, %get3A_464] {strides = array<i32>} : memref<640x16xf32, #tpu.memory_space<vmem>>, vector<16xf32>,
      %get3A_466 = arith.index_cast %add3A_460 : i32 to index
      %get3A_467 = arith.constant 0 : index
      %get3A_468 = tpu.vector_load %arg15[%get3A_466, %get3A_467] {strides = array<i32>} : memref<640x16xf32, #tpu.memory_space<vmem>>, vector<16xf32>,
      %add3A_469 = arith.addf %get3A_465, %get3A_468 : vector<16xf32>
      %get3A_470 = arith.index_cast %add3A_460 : i32 to index
      %get3A_471 = arith.constant 0 : index
      %get3A_472 = tpu.vector_load %arg16[%get3A_470, %get3A_471] {strides = array<i32>} : memref<640x16xf32, #tpu.memory_space<vmem>>, vector<16xf32>,
      %add3A_473 = arith.addf %add3A_469, %get3A_472 : vector<16xf32>
      %mul3A_474 = vector.broadcast %squeeze3A_462 : f32 to vector<16xf32>
      %mul3A_475 = arith.mulf %mul3A_474, %add3A_473 : vector<16xf32>
      %add3A_476 = arith.addf %mul3A_475, %get3A_6 : vector<16xf32>
      %max3A_477 = arith.constant 0.000000e+00 : f32
      %max3A_478 = vector.broadcast %max3A_477 : f32 to vector<16xf32>
      %max3A_479 = arith.maximumf %add3A_476, %max3A_478 : vector<16xf32>
      %mul3A_480 = vector.broadcast %squeeze3A_462 : f32 to vector<16xf32>
      %mul3A_481 = arith.mulf %mul3A_480, %max3A_479 : vector<16xf32>
      %swap3A_482 = arith.index_cast %add3A_460 : i32 to index
      %swap3A_483 = arith.constant 0 : index
      %swap3A_484 = tpu.vector_load %arg16[%swap3A_482, %swap3A_483] {strides = array<i32>} : memref<640x16xf32, #tpu.memory_space<vmem>>, vector<16xf32>,
      tpu.vector_store %arg16[%swap3A_482, %swap3A_483], %mul3A_481 {strides = array<i32>} : memref<640x16xf32, #tpu.memory_space<vmem>>, vector<16xf32>,
    }
    %scan3A_11 = arith.constant 40 : i32
    "tpu.region"() ({
      %run_scoped3A_66 = tpu.sem_alloc : memref<!tpu.dma_semaphore, #tpu.memory_space<semaphore_mem>>
      %dma_start3A_67 = arith.constant 0 : i32
      %dma_start3A_68 = tpu.memref_slice %arg19[%mul3A_2, %dma_start3A_67] : memref<10240x16xf32, #tpu.memory_space<vmem_shared>> -> memref<640x16xf32, #tpu.memory_space<vmem_shared>>
      %dma_start3A_69 = arith.constant 0 : i32
      %dma_start3A_70 = tpu.memref_slice %arg19[%mul3A_2, %dma_start3A_69] : memref<10240x16xf32, #tpu.memory_space<vmem_shared>> -> memref<640x16xf32, #tpu.memory_space<vmem_shared>>
      tpu.enqueue_dma source(%arg16 : memref<640x16xf32, #tpu.memory_space<vmem>>) target(%dma_start3A_70 : memref<640x16xf32, #tpu.memory_space<vmem_shared>>) target_semaphore(%run_scoped3A_66 : memref<!tpu.dma_semaphore, #tpu.memory_space<semaphore_mem>>)
      %dma_wait3A_71 = arith.constant 0 : i32
      %dma_wait3A_72 = tpu.memref_slice %arg19[%mul3A_2, %dma_wait3A_71] : memref<10240x16xf32, #tpu.memory_space<vmem_shared>> -> memref<640x16xf32, #tpu.memory_space<vmem_shared>>
      %dma_wait3A_73 = arith.constant 0 : i32
      %dma_wait3A_74 = tpu.memref_slice %arg19[%mul3A_2, %dma_wait3A_73] : memref<10240x16xf32, #tpu.memory_space<vmem_shared>> -> memref<640x16xf32, #tpu.memory_space<vmem_shared>>
      tpu.wait_dma2 semaphore(%run_scoped3A_66 : memref<!tpu.dma_semaphore, #tpu.memory_space<semaphore_mem>>) src(%arg16 : memref<640x16xf32, #tpu.memory_space<vmem>>) dst(%dma_wait3A_74 : memref<640x16xf32, #tpu.memory_space<vmem_shared>>)
      tpu.yield
    }) : () -> ()
    "tpu.region"() ({
      %run_scoped3A_66 = tpu.sem_alloc : memref<!tpu.dma_semaphore, #tpu.memory_space<semaphore_mem>>
      %dma_start3A_67 = arith.constant 0 : i32
      %dma_start3A_68 = tpu.memref_slice %arg9[%mul3A_2, %dma_start3A_67] : memref<10240x16xf32, #tpu.memory_space<hbm>> -> memref<640x16xf32, #tpu.memory_space<hbm>>
      %dma_start3A_69 = arith.constant 0 : i32
      %dma_start3A_70 = tpu.memref_slice %arg9[%mul3A_2, %dma_start3A_69] : memref<10240x16xf32, #tpu.memory_space<hbm>> -> memref<640x16xf32, #tpu.memory_space<hbm>>
      tpu.enqueue_dma source(%arg16 : memref<640x16xf32, #tpu.memory_space<vmem>>) target(%dma_start3A_70 : memref<640x16xf32, #tpu.memory_space<hbm>>) target_semaphore(%run_scoped3A_66 : memref<!tpu.dma_semaphore, #tpu.memory_space<semaphore_mem>>)
      %dma_wait3A_71 = arith.constant 0 : i32
      %dma_wait3A_72 = tpu.memref_slice %arg9[%mul3A_2, %dma_wait3A_71] : memref<10240x16xf32, #tpu.memory_space<hbm>> -> memref<640x16xf32, #tpu.memory_space<hbm>>
      %dma_wait3A_73 = arith.constant 0 : i32
      %dma_wait3A_74 = tpu.memref_slice %arg9[%mul3A_2, %dma_wait3A_73] : memref<10240x16xf32, #tpu.memory_space<hbm>> -> memref<640x16xf32, #tpu.memory_space<hbm>>
      tpu.wait_dma2 semaphore(%run_scoped3A_66 : memref<!tpu.dma_semaphore, #tpu.memory_space<semaphore_mem>>) src(%arg16 : memref<640x16xf32, #tpu.memory_space<vmem>>) dst(%dma_wait3A_74 : memref<640x16xf32, #tpu.memory_space<hbm>>)
      tpu.yield
    }) : () -> ()
    %eq3A = arith.constant 0 : i32
    %eq3A_12 = arith.cmpi eq, %arg1, %eq3A : i32
    %convert_element_type3A = arith.extui %eq3A_12 : i1 to i32
    %cond3A = arith.constant 0 : i32
    %cond3A_13 = arith.cmpi ne, %convert_element_type3A, %cond3A : i32
    scf.if %cond3A_13 {
      "tpu.region"() ({
        %run_scoped3A_66 = tpu.sem_alloc : memref<!tpu.dma_semaphore, #tpu.memory_space<semaphore_mem>>
        tpu.enqueue_dma source(%arg6 : memref<10240x16xf32, #tpu.memory_space<hbm>>) target(%arg20 : memref<10240x16xf32, #tpu.memory_space<vmem_shared>>) target_semaphore(%run_scoped3A_66 : memref<!tpu.dma_semaphore, #tpu.memory_space<semaphore_mem>>)
        tpu.wait_dma2 semaphore(%run_scoped3A_66 : memref<!tpu.dma_semaphore, #tpu.memory_space<semaphore_mem>>) src(%arg6 : memref<10240x16xf32, #tpu.memory_space<hbm>>) dst(%arg20 : memref<10240x16xf32, #tpu.memory_space<vmem_shared>>)
        tpu.yield
      }) : () -> ()
    } else {
    }
    %barrier3A = arith.constant 0 : index
    tpu.barrier barrier_id(%barrier3A)
    %run_scoped3A_14 = arith.constant 0 : i32
    "tpu.region"() ({
      %run_scoped3A_66 = tpu.sem_alloc : memref<!tpu.dma_semaphore, #tpu.memory_space<semaphore_mem>>
      %dma_start3A_67 = arith.constant 0 : i32
      %dma_start3A_68 = arith.constant 0 : i32
      %dma_start3A_69 = tpu.memref_slice %arg7[%run_scoped3A_14, %add3A, %dma_start3A_67, %dma_start3A_68] : memref<2x32x125x80xi32, #tpu.memory_space<hbm>> -> memref<1x1x125x80xi32, #tpu.memory_space<hbm>>
      %dma_start3A_70 = tpu.memref_squeeze %dma_start3A_69 : memref<1x1x125x80xi32, #tpu.memory_space<hbm>> -> memref<125x80xi32, #tpu.memory_space<hbm>>
      %dma_start3A_71 = arith.constant 0 : i32
      %dma_start3A_72 = arith.constant 0 : i32
      %dma_start3A_73 = tpu.memref_slice %arg7[%run_scoped3A_14, %add3A, %dma_start3A_71, %dma_start3A_72] : memref<2x32x125x80xi32, #tpu.memory_space<hbm>> -> memref<1x1x125x80xi32, #tpu.memory_space<hbm>>
      %dma_start3A_74 = tpu.memref_squeeze %dma_start3A_73 : memref<1x1x125x80xi32, #tpu.memory_space<hbm>> -> memref<125x80xi32, #tpu.memory_space<hbm>>
      tpu.enqueue_dma source(%dma_start3A_74 : memref<125x80xi32, #tpu.memory_space<hbm>>) target(%arg10 : memref<125x80xi32, #tpu.memory_space<vmem>>) target_semaphore(%run_scoped3A_66 : memref<!tpu.dma_semaphore, #tpu.memory_space<semaphore_mem>>)
      %dma_wait3A_75 = arith.constant 0 : i32
      %dma_wait3A_76 = arith.constant 0 : i32
      %dma_wait3A_77 = tpu.memref_slice %arg7[%run_scoped3A_14, %add3A, %dma_wait3A_75, %dma_wait3A_76] : memref<2x32x125x80xi32, #tpu.memory_space<hbm>> -> memref<1x1x125x80xi32, #tpu.memory_space<hbm>>
      %dma_wait3A_78 = tpu.memref_squeeze %dma_wait3A_77 : memref<1x1x125x80xi32, #tpu.memory_space<hbm>> -> memref<125x80xi32, #tpu.memory_space<hbm>>
      %dma_wait3A_79 = arith.constant 0 : i32
      %dma_wait3A_80 = arith.constant 0 : i32
      %dma_wait3A_81 = tpu.memref_slice %arg7[%run_scoped3A_14, %add3A, %dma_wait3A_79, %dma_wait3A_80] : memref<2x32x125x80xi32, #tpu.memory_space<hbm>> -> memref<1x1x125x80xi32, #tpu.memory_space<hbm>>
      %dma_wait3A_82 = tpu.memref_squeeze %dma_wait3A_81 : memref<1x1x125x80xi32, #tpu.memory_space<hbm>> -> memref<125x80xi32, #tpu.memory_space<hbm>>
      tpu.wait_dma2 semaphore(%run_scoped3A_66 : memref<!tpu.dma_semaphore, #tpu.memory_space<semaphore_mem>>) src(%dma_wait3A_82 : memref<125x80xi32, #tpu.memory_space<hbm>>) dst(%arg10 : memref<125x80xi32, #tpu.memory_space<vmem>>)
      tpu.yield
    }) : () -> ()
    %run_scoped3A_15 = arith.constant 1 : i32
    "tpu.region"() ({
      %run_scoped3A_66 = tpu.sem_alloc : memref<!tpu.dma_semaphore, #tpu.memory_space<semaphore_mem>>
      %dma_start3A_67 = arith.constant 0 : i32
      %dma_start3A_68 = arith.constant 0 : i32
      %dma_start3A_69 = tpu.memref_slice %arg7[%run_scoped3A_15, %add3A, %dma_start3A_67, %dma_start3A_68] : memref<2x32x125x80xi32, #tpu.memory_space<hbm>> -> memref<1x1x125x80xi32, #tpu.memory_space<hbm>>
      %dma_start3A_70 = tpu.memref_squeeze %dma_start3A_69 : memref<1x1x125x80xi32, #tpu.memory_space<hbm>> -> memref<125x80xi32, #tpu.memory_space<hbm>>
      %dma_start3A_71 = arith.constant 0 : i32
      %dma_start3A_72 = arith.constant 0 : i32
      %dma_start3A_73 = tpu.memref_slice %arg7[%run_scoped3A_15, %add3A, %dma_start3A_71, %dma_start3A_72] : memref<2x32x125x80xi32, #tpu.memory_space<hbm>> -> memref<1x1x125x80xi32, #tpu.memory_space<hbm>>
      %dma_start3A_74 = tpu.memref_squeeze %dma_start3A_73 : memref<1x1x125x80xi32, #tpu.memory_space<hbm>> -> memref<125x80xi32, #tpu.memory_space<hbm>>
      tpu.enqueue_dma source(%dma_start3A_74 : memref<125x80xi32, #tpu.memory_space<hbm>>) target(%arg11 : memref<125x80xi32, #tpu.memory_space<vmem>>) target_semaphore(%run_scoped3A_66 : memref<!tpu.dma_semaphore, #tpu.memory_space<semaphore_mem>>)
      %dma_wait3A_75 = arith.constant 0 : i32
      %dma_wait3A_76 = arith.constant 0 : i32
      %dma_wait3A_77 = tpu.memref_slice %arg7[%run_scoped3A_15, %add3A, %dma_wait3A_75, %dma_wait3A_76] : memref<2x32x125x80xi32, #tpu.memory_space<hbm>> -> memref<1x1x125x80xi32, #tpu.memory_space<hbm>>
      %dma_wait3A_78 = tpu.memref_squeeze %dma_wait3A_77 : memref<1x1x125x80xi32, #tpu.memory_space<hbm>> -> memref<125x80xi32, #tpu.memory_space<hbm>>
      %dma_wait3A_79 = arith.constant 0 : i32
      %dma_wait3A_80 = arith.constant 0 : i32
      %dma_wait3A_81 = tpu.memref_slice %arg7[%run_scoped3A_15, %add3A, %dma_wait3A_79, %dma_wait3A_80] : memref<2x32x125x80xi32, #tpu.memory_space<hbm>> -> memref<1x1x125x80xi32, #tpu.memory_space<hbm>>
      %dma_wait3A_82 = tpu.memref_squeeze %dma_wait3A_81 : memref<1x1x125x80xi32, #tpu.memory_space<hbm>> -> memref<125x80xi32, #tpu.memory_space<hbm>>
      tpu.wait_dma2 semaphore(%run_scoped3A_66 : memref<!tpu.dma_semaphore, #tpu.memory_space<semaphore_mem>>) src(%dma_wait3A_82 : memref<125x80xi32, #tpu.memory_space<hbm>>) dst(%arg11 : memref<125x80xi32, #tpu.memory_space<vmem>>)
      tpu.yield
    }) : () -> ()
    %dma_start3A = arith.constant 0 : i32
    %dma_start3A_16 = arith.constant 0 : i32
    %dma_start3A_17 = tpu.memref_slice %arg10[%dma_start3A, %dma_start3A_16] : memref<125x80xi32, #tpu.memory_space<vmem>> -> memref<1x80xi32, #tpu.memory_space<vmem>>
    %dma_start3A_18 = tpu.memref_squeeze %dma_start3A_17 : memref<1x80xi32, #tpu.memory_space<vmem>> -> memref<80xi32, #tpu.memory_space<vmem>>
    %dma_start3A_19 = arith.constant 0 : i32
    %dma_start3A_20 = arith.constant 0 : i32
    %dma_start3A_21 = tpu.memref_slice %arg19[%dma_start3A_19, %dma_start3A_20] : memref<10240x16xf32, #tpu.memory_space<vmem_shared>> -> memref<10240x16xf32, #tpu.memory_space<vmem_shared>>
    tpu.enqueue_indirect_dma source(%dma_start3A_21 : memref<10240x16xf32, #tpu.memory_space<vmem_shared>>) target(%arg12 : memref<80x16xf32, #tpu.memory_space<vmem>>) offsets(%dma_start3A_18 : memref<80xi32, #tpu.memory_space<vmem>>) semaphore(%arg21 : memref<!tpu.dma_semaphore, #tpu.memory_space<semaphore_mem>>)
    %dma_start3A_22 = arith.constant 1 : i32
    %dma_start3A_23 = arith.constant 0 : i32
    %dma_start3A_24 = tpu.memref_slice %arg10[%dma_start3A_22, %dma_start3A_23] : memref<125x80xi32, #tpu.memory_space<vmem>> -> memref<1x80xi32, #tpu.memory_space<vmem>>
    %dma_start3A_25 = tpu.memref_squeeze %dma_start3A_24 : memref<1x80xi32, #tpu.memory_space<vmem>> -> memref<80xi32, #tpu.memory_space<vmem>>
    %dma_start3A_26 = arith.constant 0 : i32
    %dma_start3A_27 = arith.constant 0 : i32
    %dma_start3A_28 = tpu.memref_slice %arg19[%dma_start3A_26, %dma_start3A_27] : memref<10240x16xf32, #tpu.memory_space<vmem_shared>> -> memref<10240x16xf32, #tpu.memory_space<vmem_shared>>
    tpu.enqueue_indirect_dma source(%dma_start3A_28 : memref<10240x16xf32, #tpu.memory_space<vmem_shared>>) target(%arg13 : memref<80x16xf32, #tpu.memory_space<vmem>>) offsets(%dma_start3A_25 : memref<80xi32, #tpu.memory_space<vmem>>) semaphore(%arg22 : memref<!tpu.dma_semaphore, #tpu.memory_space<semaphore_mem>>)
    %scan3A_29 = arith.constant 0 : i32
    %scan3A_30 = arith.constant 0 : i32
    %scan3A_31 = arith.constant 61 : i32
    %scan3A_32 = arith.addi %scan3A_30, %scan3A_31 : i32
    %scan3A_33 = arith.constant 1 : i32
    scf.for %scan3A_66 = %scan3A_30 to %scan3A_32 step %scan3A_33  : i32 {
      %mul3A_67 = arith.constant 2 : i32
      %mul3A_68 = arith.muli %mul3A_67, %scan3A_66 : i32
      %dma_wait3A_69 = arith.constant 0 : i32
      %dma_wait3A_70 = tpu.memref_slice %arg10[%mul3A_68, %dma_wait3A_69] : memref<125x80xi32, #tpu.memory_space<vmem>> -> memref<1x80xi32, #tpu.memory_space<vmem>>
      %dma_wait3A_71 = tpu.memref_squeeze %dma_wait3A_70 : memref<1x80xi32, #tpu.memory_space<vmem>> -> memref<80xi32, #tpu.memory_space<vmem>>
      %dma_wait3A_72 = arith.constant 0 : i32
      %dma_wait3A_73 = arith.constant 0 : i32
      %dma_wait3A_74 = tpu.memref_slice %arg19[%dma_wait3A_72, %dma_wait3A_73] : memref<10240x16xf32, #tpu.memory_space<vmem_shared>> -> memref<10240x16xf32, #tpu.memory_space<vmem_shared>>
      tpu.wait_indirect_dma semaphore(%arg21 : memref<!tpu.dma_semaphore, #tpu.memory_space<semaphore_mem>>) src(%dma_wait3A_74 : memref<10240x16xf32, #tpu.memory_space<vmem_shared>>) dst(%arg12 : memref<80x16xf32, #tpu.memory_space<vmem>>)
      "tpu.region"() ({
        %run_scoped3A_101 = tpu.sem_alloc : memref<!tpu.dma_semaphore, #tpu.memory_space<semaphore_mem>>
        %dma_start3A_102 = arith.constant 0 : i32
        %dma_start3A_103 = tpu.memref_slice %arg11[%mul3A_68, %dma_start3A_102] : memref<125x80xi32, #tpu.memory_space<vmem>> -> memref<1x80xi32, #tpu.memory_space<vmem>>
        %dma_start3A_104 = tpu.memref_squeeze %dma_start3A_103 : memref<1x80xi32, #tpu.memory_space<vmem>> -> memref<80xi32, #tpu.memory_space<vmem>>
        %dma_start3A_105 = arith.constant 0 : i32
        %dma_start3A_106 = arith.constant 0 : i32
        %dma_start3A_107 = tpu.memref_slice %arg20[%dma_start3A_105, %dma_start3A_106] : memref<10240x16xf32, #tpu.memory_space<vmem_shared>> -> memref<10240x16xf32, #tpu.memory_space<vmem_shared>>
        tpu.enqueue_indirect_dma source(%arg12 : memref<80x16xf32, #tpu.memory_space<vmem>>) target(%dma_start3A_107 : memref<10240x16xf32, #tpu.memory_space<vmem_shared>>) offsets(%dma_start3A_104 : memref<80xi32, #tpu.memory_space<vmem>>) semaphore(%run_scoped3A_101 : memref<!tpu.dma_semaphore, #tpu.memory_space<semaphore_mem>>) {add = true}
        %dma_wait3A_108 = arith.constant 0 : i32
        %dma_wait3A_109 = tpu.memref_slice %arg11[%mul3A_68, %dma_wait3A_108] : memref<125x80xi32, #tpu.memory_space<vmem>> -> memref<1x80xi32, #tpu.memory_space<vmem>>
        %dma_wait3A_110 = tpu.memref_squeeze %dma_wait3A_109 : memref<1x80xi32, #tpu.memory_space<vmem>> -> memref<80xi32, #tpu.memory_space<vmem>>
        %dma_wait3A_111 = arith.constant 0 : i32
        %dma_wait3A_112 = arith.constant 0 : i32
        %dma_wait3A_113 = tpu.memref_slice %arg20[%dma_wait3A_111, %dma_wait3A_112] : memref<10240x16xf32, #tpu.memory_space<vmem_shared>> -> memref<10240x16xf32, #tpu.memory_space<vmem_shared>>
        tpu.wait_indirect_dma semaphore(%run_scoped3A_101 : memref<!tpu.dma_semaphore, #tpu.memory_space<semaphore_mem>>) src(%arg12 : memref<80x16xf32, #tpu.memory_space<vmem>>) dst(%dma_wait3A_113 : memref<10240x16xf32, #tpu.memory_space<vmem_shared>>)
        tpu.yield
      }) : () -> ()
      %add3A_75 = arith.constant 2 : i32
      %add3A_76 = arith.addi %mul3A_68, %add3A_75 : i32
      %dma_start3A_77 = arith.constant 0 : i32
      %dma_start3A_78 = tpu.memref_slice %arg10[%add3A_76, %dma_start3A_77] : memref<125x80xi32, #tpu.memory_space<vmem>> -> memref<1x80xi32, #tpu.memory_space<vmem>>
      %dma_start3A_79 = tpu.memref_squeeze %dma_start3A_78 : memref<1x80xi32, #tpu.memory_space<vmem>> -> memref<80xi32, #tpu.memory_space<vmem>>
      %dma_start3A_80 = arith.constant 0 : i32
      %dma_start3A_81 = arith.constant 0 : i32
      %dma_start3A_82 = tpu.memref_slice %arg19[%dma_start3A_80, %dma_start3A_81] : memref<10240x16xf32, #tpu.memory_space<vmem_shared>> -> memref<10240x16xf32, #tpu.memory_space<vmem_shared>>
      tpu.enqueue_indirect_dma source(%dma_start3A_82 : memref<10240x16xf32, #tpu.memory_space<vmem_shared>>) target(%arg12 : memref<80x16xf32, #tpu.memory_space<vmem>>) offsets(%dma_start3A_79 : memref<80xi32, #tpu.memory_space<vmem>>) semaphore(%arg21 : memref<!tpu.dma_semaphore, #tpu.memory_space<semaphore_mem>>)
      %add3A_83 = arith.constant 1 : i32
      %add3A_84 = arith.addi %mul3A_68, %add3A_83 : i32
      %dma_wait3A_85 = arith.constant 0 : i32
      %dma_wait3A_86 = tpu.memref_slice %arg10[%add3A_84, %dma_wait3A_85] : memref<125x80xi32, #tpu.memory_space<vmem>> -> memref<1x80xi32, #tpu.memory_space<vmem>>
      %dma_wait3A_87 = tpu.memref_squeeze %dma_wait3A_86 : memref<1x80xi32, #tpu.memory_space<vmem>> -> memref<80xi32, #tpu.memory_space<vmem>>
      %dma_wait3A_88 = arith.constant 0 : i32
      %dma_wait3A_89 = arith.constant 0 : i32
      %dma_wait3A_90 = tpu.memref_slice %arg19[%dma_wait3A_88, %dma_wait3A_89] : memref<10240x16xf32, #tpu.memory_space<vmem_shared>> -> memref<10240x16xf32, #tpu.memory_space<vmem_shared>>
      tpu.wait_indirect_dma semaphore(%arg22 : memref<!tpu.dma_semaphore, #tpu.memory_space<semaphore_mem>>) src(%dma_wait3A_90 : memref<10240x16xf32, #tpu.memory_space<vmem_shared>>) dst(%arg13 : memref<80x16xf32, #tpu.memory_space<vmem>>)
      %add3A_91 = arith.constant 1 : i32
      %add3A_92 = arith.addi %mul3A_68, %add3A_91 : i32
      "tpu.region"() ({
        %run_scoped3A_101 = tpu.sem_alloc : memref<!tpu.dma_semaphore, #tpu.memory_space<semaphore_mem>>
        %dma_start3A_102 = arith.constant 0 : i32
        %dma_start3A_103 = tpu.memref_slice %arg11[%add3A_92, %dma_start3A_102] : memref<125x80xi32, #tpu.memory_space<vmem>> -> memref<1x80xi32, #tpu.memory_space<vmem>>
        %dma_start3A_104 = tpu.memref_squeeze %dma_start3A_103 : memref<1x80xi32, #tpu.memory_space<vmem>> -> memref<80xi32, #tpu.memory_space<vmem>>
        %dma_start3A_105 = arith.constant 0 : i32
        %dma_start3A_106 = arith.constant 0 : i32
        %dma_start3A_107 = tpu.memref_slice %arg20[%dma_start3A_105, %dma_start3A_106] : memref<10240x16xf32, #tpu.memory_space<vmem_shared>> -> memref<10240x16xf32, #tpu.memory_space<vmem_shared>>
        tpu.enqueue_indirect_dma source(%arg13 : memref<80x16xf32, #tpu.memory_space<vmem>>) target(%dma_start3A_107 : memref<10240x16xf32, #tpu.memory_space<vmem_shared>>) offsets(%dma_start3A_104 : memref<80xi32, #tpu.memory_space<vmem>>) semaphore(%run_scoped3A_101 : memref<!tpu.dma_semaphore, #tpu.memory_space<semaphore_mem>>) {add = true}
        %dma_wait3A_108 = arith.constant 0 : i32
        %dma_wait3A_109 = tpu.memref_slice %arg11[%add3A_92, %dma_wait3A_108] : memref<125x80xi32, #tpu.memory_space<vmem>> -> memref<1x80xi32, #tpu.memory_space<vmem>>
        %dma_wait3A_110 = tpu.memref_squeeze %dma_wait3A_109 : memref<1x80xi32, #tpu.memory_space<vmem>> -> memref<80xi32, #tpu.memory_space<vmem>>
        %dma_wait3A_111 = arith.constant 0 : i32
        %dma_wait3A_112 = arith.constant 0 : i32
        %dma_wait3A_113 = tpu.memref_slice %arg20[%dma_wait3A_111, %dma_wait3A_112] : memref<10240x16xf32, #tpu.memory_space<vmem_shared>> -> memref<10240x16xf32, #tpu.memory_space<vmem_shared>>
        tpu.wait_indirect_dma semaphore(%run_scoped3A_101 : memref<!tpu.dma_semaphore, #tpu.memory_space<semaphore_mem>>) src(%arg13 : memref<80x16xf32, #tpu.memory_space<vmem>>) dst(%dma_wait3A_113 : memref<10240x16xf32, #tpu.memory_space<vmem_shared>>)
        tpu.yield
      }) : () -> ()
      %add3A_93 = arith.constant 3 : i32
      %add3A_94 = arith.addi %mul3A_68, %add3A_93 : i32
      %dma_start3A_95 = arith.constant 0 : i32
      %dma_start3A_96 = tpu.memref_slice %arg10[%add3A_94, %dma_start3A_95] : memref<125x80xi32, #tpu.memory_space<vmem>> -> memref<1x80xi32, #tpu.memory_space<vmem>>
      %dma_start3A_97 = tpu.memref_squeeze %dma_start3A_96 : memref<1x80xi32, #tpu.memory_space<vmem>> -> memref<80xi32, #tpu.memory_space<vmem>>
      %dma_start3A_98 = arith.constant 0 : i32
      %dma_start3A_99 = arith.constant 0 : i32
      %dma_start3A_100 = tpu.memref_slice %arg19[%dma_start3A_98, %dma_start3A_99] : memref<10240x16xf32, #tpu.memory_space<vmem_shared>> -> memref<10240x16xf32, #tpu.memory_space<vmem_shared>>
      tpu.enqueue_indirect_dma source(%dma_start3A_100 : memref<10240x16xf32, #tpu.memory_space<vmem_shared>>) target(%arg13 : memref<80x16xf32, #tpu.memory_space<vmem>>) offsets(%dma_start3A_97 : memref<80xi32, #tpu.memory_space<vmem>>) semaphore(%arg22 : memref<!tpu.dma_semaphore, #tpu.memory_space<semaphore_mem>>)
    }
    %scan3A_34 = arith.constant 61 : i32
    %dma_wait3A = arith.constant 122 : i32
    %dma_wait3A_35 = arith.constant 0 : i32
    %dma_wait3A_36 = tpu.memref_slice %arg10[%dma_wait3A, %dma_wait3A_35] : memref<125x80xi32, #tpu.memory_space<vmem>> -> memref<1x80xi32, #tpu.memory_space<vmem>>
    %dma_wait3A_37 = tpu.memref_squeeze %dma_wait3A_36 : memref<1x80xi32, #tpu.memory_space<vmem>> -> memref<80xi32, #tpu.memory_space<vmem>>
    %dma_wait3A_38 = arith.constant 0 : i32
    %dma_wait3A_39 = arith.constant 0 : i32
    %dma_wait3A_40 = tpu.memref_slice %arg19[%dma_wait3A_38, %dma_wait3A_39] : memref<10240x16xf32, #tpu.memory_space<vmem_shared>> -> memref<10240x16xf32, #tpu.memory_space<vmem_shared>>
    tpu.wait_indirect_dma semaphore(%arg21 : memref<!tpu.dma_semaphore, #tpu.memory_space<semaphore_mem>>) src(%dma_wait3A_40 : memref<10240x16xf32, #tpu.memory_space<vmem_shared>>) dst(%arg12 : memref<80x16xf32, #tpu.memory_space<vmem>>)
    %run_scoped3A_41 = arith.constant 122 : i32
    "tpu.region"() ({
      %run_scoped3A_66 = tpu.sem_alloc : memref<!tpu.dma_semaphore, #tpu.memory_space<semaphore_mem>>
      %dma_start3A_67 = arith.constant 0 : i32
      %dma_start3A_68 = tpu.memref_slice %arg11[%run_scoped3A_41, %dma_start3A_67] : memref<125x80xi32, #tpu.memory_space<vmem>> -> memref<1x80xi32, #tpu.memory_space<vmem>>
      %dma_start3A_69 = tpu.memref_squeeze %dma_start3A_68 : memref<1x80xi32, #tpu.memory_space<vmem>> -> memref<80xi32, #tpu.memory_space<vmem>>
      %dma_start3A_70 = arith.constant 0 : i32
      %dma_start3A_71 = arith.constant 0 : i32
      %dma_start3A_72 = tpu.memref_slice %arg20[%dma_start3A_70, %dma_start3A_71] : memref<10240x16xf32, #tpu.memory_space<vmem_shared>> -> memref<10240x16xf32, #tpu.memory_space<vmem_shared>>
      tpu.enqueue_indirect_dma source(%arg12 : memref<80x16xf32, #tpu.memory_space<vmem>>) target(%dma_start3A_72 : memref<10240x16xf32, #tpu.memory_space<vmem_shared>>) offsets(%dma_start3A_69 : memref<80xi32, #tpu.memory_space<vmem>>) semaphore(%run_scoped3A_66 : memref<!tpu.dma_semaphore, #tpu.memory_space<semaphore_mem>>) {add = true}
      %dma_wait3A_73 = arith.constant 0 : i32
      %dma_wait3A_74 = tpu.memref_slice %arg11[%run_scoped3A_41, %dma_wait3A_73] : memref<125x80xi32, #tpu.memory_space<vmem>> -> memref<1x80xi32, #tpu.memory_space<vmem>>
      %dma_wait3A_75 = tpu.memref_squeeze %dma_wait3A_74 : memref<1x80xi32, #tpu.memory_space<vmem>> -> memref<80xi32, #tpu.memory_space<vmem>>
      %dma_wait3A_76 = arith.constant 0 : i32
      %dma_wait3A_77 = arith.constant 0 : i32
      %dma_wait3A_78 = tpu.memref_slice %arg20[%dma_wait3A_76, %dma_wait3A_77] : memref<10240x16xf32, #tpu.memory_space<vmem_shared>> -> memref<10240x16xf32, #tpu.memory_space<vmem_shared>>
      tpu.wait_indirect_dma semaphore(%run_scoped3A_66 : memref<!tpu.dma_semaphore, #tpu.memory_space<semaphore_mem>>) src(%arg12 : memref<80x16xf32, #tpu.memory_space<vmem>>) dst(%dma_wait3A_78 : memref<10240x16xf32, #tpu.memory_space<vmem_shared>>)
      tpu.yield
    }) : () -> ()
    %dma_wait3A_42 = arith.constant 123 : i32
    %dma_wait3A_43 = arith.constant 0 : i32
    %dma_wait3A_44 = tpu.memref_slice %arg10[%dma_wait3A_42, %dma_wait3A_43] : memref<125x80xi32, #tpu.memory_space<vmem>> -> memref<1x80xi32, #tpu.memory_space<vmem>>
    %dma_wait3A_45 = tpu.memref_squeeze %dma_wait3A_44 : memref<1x80xi32, #tpu.memory_space<vmem>> -> memref<80xi32, #tpu.memory_space<vmem>>
    %dma_wait3A_46 = arith.constant 0 : i32
    %dma_wait3A_47 = arith.constant 0 : i32
    %dma_wait3A_48 = tpu.memref_slice %arg19[%dma_wait3A_46, %dma_wait3A_47] : memref<10240x16xf32, #tpu.memory_space<vmem_shared>> -> memref<10240x16xf32, #tpu.memory_space<vmem_shared>>
    tpu.wait_indirect_dma semaphore(%arg22 : memref<!tpu.dma_semaphore, #tpu.memory_space<semaphore_mem>>) src(%dma_wait3A_48 : memref<10240x16xf32, #tpu.memory_space<vmem_shared>>) dst(%arg13 : memref<80x16xf32, #tpu.memory_space<vmem>>)
    %run_scoped3A_49 = arith.constant 123 : i32
    "tpu.region"() ({
      %run_scoped3A_66 = tpu.sem_alloc : memref<!tpu.dma_semaphore, #tpu.memory_space<semaphore_mem>>
      %dma_start3A_67 = arith.constant 0 : i32
      %dma_start3A_68 = tpu.memref_slice %arg11[%run_scoped3A_49, %dma_start3A_67] : memref<125x80xi32, #tpu.memory_space<vmem>> -> memref<1x80xi32, #tpu.memory_space<vmem>>
      %dma_start3A_69 = tpu.memref_squeeze %dma_start3A_68 : memref<1x80xi32, #tpu.memory_space<vmem>> -> memref<80xi32, #tpu.memory_space<vmem>>
      %dma_start3A_70 = arith.constant 0 : i32
      %dma_start3A_71 = arith.constant 0 : i32
      %dma_start3A_72 = tpu.memref_slice %arg20[%dma_start3A_70, %dma_start3A_71] : memref<10240x16xf32, #tpu.memory_space<vmem_shared>> -> memref<10240x16xf32, #tpu.memory_space<vmem_shared>>
      tpu.enqueue_indirect_dma source(%arg13 : memref<80x16xf32, #tpu.memory_space<vmem>>) target(%dma_start3A_72 : memref<10240x16xf32, #tpu.memory_space<vmem_shared>>) offsets(%dma_start3A_69 : memref<80xi32, #tpu.memory_space<vmem>>) semaphore(%run_scoped3A_66 : memref<!tpu.dma_semaphore, #tpu.memory_space<semaphore_mem>>) {add = true}
      %dma_wait3A_73 = arith.constant 0 : i32
      %dma_wait3A_74 = tpu.memref_slice %arg11[%run_scoped3A_49, %dma_wait3A_73] : memref<125x80xi32, #tpu.memory_space<vmem>> -> memref<1x80xi32, #tpu.memory_space<vmem>>
      %dma_wait3A_75 = tpu.memref_squeeze %dma_wait3A_74 : memref<1x80xi32, #tpu.memory_space<vmem>> -> memref<80xi32, #tpu.memory_space<vmem>>
      %dma_wait3A_76 = arith.constant 0 : i32
      %dma_wait3A_77 = arith.constant 0 : i32
      %dma_wait3A_78 = tpu.memref_slice %arg20[%dma_wait3A_76, %dma_wait3A_77] : memref<10240x16xf32, #tpu.memory_space<vmem_shared>> -> memref<10240x16xf32, #tpu.memory_space<vmem_shared>>
      tpu.wait_indirect_dma semaphore(%run_scoped3A_66 : memref<!tpu.dma_semaphore, #tpu.memory_space<semaphore_mem>>) src(%arg13 : memref<80x16xf32, #tpu.memory_space<vmem>>) dst(%dma_wait3A_78 : memref<10240x16xf32, #tpu.memory_space<vmem_shared>>)
      tpu.yield
    }) : () -> ()
    %dma_start3A_50 = arith.constant 124 : i32
    %dma_start3A_51 = arith.constant 0 : i32
    %dma_start3A_52 = tpu.memref_slice %arg10[%dma_start3A_50, %dma_start3A_51] : memref<125x80xi32, #tpu.memory_space<vmem>> -> memref<1x80xi32, #tpu.memory_space<vmem>>
    %dma_start3A_53 = tpu.memref_squeeze %dma_start3A_52 : memref<1x80xi32, #tpu.memory_space<vmem>> -> memref<80xi32, #tpu.memory_space<vmem>>
    %dma_start3A_54 = arith.constant 0 : i32
    %dma_start3A_55 = arith.constant 0 : i32
    %dma_start3A_56 = tpu.memref_slice %arg19[%dma_start3A_54, %dma_start3A_55] : memref<10240x16xf32, #tpu.memory_space<vmem_shared>> -> memref<10240x16xf32, #tpu.memory_space<vmem_shared>>
    tpu.enqueue_indirect_dma source(%dma_start3A_56 : memref<10240x16xf32, #tpu.memory_space<vmem_shared>>) target(%arg12 : memref<80x16xf32, #tpu.memory_space<vmem>>) offsets(%dma_start3A_53 : memref<80xi32, #tpu.memory_space<vmem>>) semaphore(%arg21 : memref<!tpu.dma_semaphore, #tpu.memory_space<semaphore_mem>>)
    %dma_wait3A_57 = arith.constant 124 : i32
    %dma_wait3A_58 = arith.constant 0 : i32
    %dma_wait3A_59 = tpu.memref_slice %arg10[%dma_wait3A_57, %dma_wait3A_58] : memref<125x80xi32, #tpu.memory_space<vmem>> -> memref<1x80xi32, #tpu.memory_space<vmem>>
    %dma_wait3A_60 = tpu.memref_squeeze %dma_wait3A_59 : memref<1x80xi32, #tpu.memory_space<vmem>> -> memref<80xi32, #tpu.memory_space<vmem>>
    %dma_wait3A_61 = arith.constant 0 : i32
    %dma_wait3A_62 = arith.constant 0 : i32
    %dma_wait3A_63 = tpu.memref_slice %arg19[%dma_wait3A_61, %dma_wait3A_62] : memref<10240x16xf32, #tpu.memory_space<vmem_shared>> -> memref<10240x16xf32, #tpu.memory_space<vmem_shared>>
    tpu.wait_indirect_dma semaphore(%arg21 : memref<!tpu.dma_semaphore, #tpu.memory_space<semaphore_mem>>) src(%dma_wait3A_63 : memref<10240x16xf32, #tpu.memory_space<vmem_shared>>) dst(%arg12 : memref<80x16xf32, #tpu.memory_space<vmem>>)
    %run_scoped3A_64 = arith.constant 124 : i32
    "tpu.region"() ({
      %run_scoped3A_66 = tpu.sem_alloc : memref<!tpu.dma_semaphore, #tpu.memory_space<semaphore_mem>>
      %dma_start3A_67 = arith.constant 0 : i32
      %dma_start3A_68 = tpu.memref_slice %arg11[%run_scoped3A_64, %dma_start3A_67] : memref<125x80xi32, #tpu.memory_space<vmem>> -> memref<1x80xi32, #tpu.memory_space<vmem>>
      %dma_start3A_69 = tpu.memref_squeeze %dma_start3A_68 : memref<1x80xi32, #tpu.memory_space<vmem>> -> memref<80xi32, #tpu.memory_space<vmem>>
      %dma_start3A_70 = arith.constant 0 : i32
      %dma_start3A_71 = arith.constant 0 : i32
      %dma_start3A_72 = tpu.memref_slice %arg20[%dma_start3A_70, %dma_start3A_71] : memref<10240x16xf32, #tpu.memory_space<vmem_shared>> -> memref<10240x16xf32, #tpu.memory_space<vmem_shared>>
      tpu.enqueue_indirect_dma source(%arg12 : memref<80x16xf32, #tpu.memory_space<vmem>>) target(%dma_start3A_72 : memref<10240x16xf32, #tpu.memory_space<vmem_shared>>) offsets(%dma_start3A_69 : memref<80xi32, #tpu.memory_space<vmem>>) semaphore(%run_scoped3A_66 : memref<!tpu.dma_semaphore, #tpu.memory_space<semaphore_mem>>) {add = true}
      %dma_wait3A_73 = arith.constant 0 : i32
      %dma_wait3A_74 = tpu.memref_slice %arg11[%run_scoped3A_64, %dma_wait3A_73] : memref<125x80xi32, #tpu.memory_space<vmem>> -> memref<1x80xi32, #tpu.memory_space<vmem>>
      %dma_wait3A_75 = tpu.memref_squeeze %dma_wait3A_74 : memref<1x80xi32, #tpu.memory_space<vmem>> -> memref<80xi32, #tpu.memory_space<vmem>>
      %dma_wait3A_76 = arith.constant 0 : i32
      %dma_wait3A_77 = arith.constant 0 : i32
      %dma_wait3A_78 = tpu.memref_slice %arg20[%dma_wait3A_76, %dma_wait3A_77] : memref<10240x16xf32, #tpu.memory_space<vmem_shared>> -> memref<10240x16xf32, #tpu.memory_space<vmem_shared>>
      tpu.wait_indirect_dma semaphore(%run_scoped3A_66 : memref<!tpu.dma_semaphore, #tpu.memory_space<semaphore_mem>>) src(%arg12 : memref<80x16xf32, #tpu.memory_space<vmem>>) dst(%dma_wait3A_78 : memref<10240x16xf32, #tpu.memory_space<vmem_shared>>)
      tpu.yield
    }) : () -> ()
    %barrier3A_65 = arith.constant 0 : index
    tpu.barrier barrier_id(%barrier3A_65)
    "tpu.region"() ({
      %run_scoped3A_66 = tpu.sem_alloc : memref<!tpu.dma_semaphore, #tpu.memory_space<semaphore_mem>>
      %dma_start3A_67 = arith.constant 0 : i32
      %dma_start3A_68 = tpu.memref_slice %arg8[%arg0, %mul3A_2, %dma_start3A_67] : memref<2x10240x16xf32, #tpu.memory_space<hbm>> -> memref<1x640x16xf32, #tpu.memory_space<hbm>>
      %dma_start3A_69 = tpu.memref_squeeze %dma_start3A_68 : memref<1x640x16xf32, #tpu.memory_space<hbm>> -> memref<640x16xf32, #tpu.memory_space<hbm>>
      %dma_start3A_70 = arith.constant 0 : i32
      %dma_start3A_71 = tpu.memref_slice %arg20[%mul3A_2, %dma_start3A_70] : memref<10240x16xf32, #tpu.memory_space<vmem_shared>> -> memref<640x16xf32, #tpu.memory_space<vmem_shared>>
      tpu.enqueue_dma source(%dma_start3A_71 : memref<640x16xf32, #tpu.memory_space<vmem_shared>>) target(%dma_start3A_69 : memref<640x16xf32, #tpu.memory_space<hbm>>) target_semaphore(%run_scoped3A_66 : memref<!tpu.dma_semaphore, #tpu.memory_space<semaphore_mem>>)
      %dma_wait3A_72 = arith.constant 0 : i32
      %dma_wait3A_73 = tpu.memref_slice %arg8[%arg0, %mul3A_2, %dma_wait3A_72] : memref<2x10240x16xf32, #tpu.memory_space<hbm>> -> memref<1x640x16xf32, #tpu.memory_space<hbm>>
      %dma_wait3A_74 = tpu.memref_squeeze %dma_wait3A_73 : memref<1x640x16xf32, #tpu.memory_space<hbm>> -> memref<640x16xf32, #tpu.memory_space<hbm>>
      %dma_wait3A_75 = arith.constant 0 : i32
      %dma_wait3A_76 = tpu.memref_slice %arg20[%mul3A_2, %dma_wait3A_75] : memref<10240x16xf32, #tpu.memory_space<vmem_shared>> -> memref<640x16xf32, #tpu.memory_space<vmem_shared>>
      tpu.wait_dma2 semaphore(%run_scoped3A_66 : memref<!tpu.dma_semaphore, #tpu.memory_space<semaphore_mem>>) src(%dma_wait3A_76 : memref<640x16xf32, #tpu.memory_space<vmem_shared>>) dst(%dma_wait3A_74 : memref<640x16xf32, #tpu.memory_space<hbm>>)
      tpu.yield
    }) : () -> ()
    return
  }
}

#map = affine_map<(d0, d1) -> (0, 0)>
#map1 = affine_map<(d0, d1) -> (0, 0, 0, 0)>
#map2 = affine_map<(d0, d1) -> (0, 0, 0)>
#map3 = affine_map<(d0, d1) -> (0)>
module attributes {stable_mosaic.version = 14 : i64} {
  func.func @_agg1_body(%arg0: i32, %arg1: i32, %arg2: memref<2x10240xf32, #tpu.memory_space<hbm>>, %arg3: memref<10240x16xf32, #tpu.memory_space<hbm>>, %arg4: memref<10240x16xf32, #tpu.memory_space<hbm>>, %arg5: memref<2x32x125x80xi32, #tpu.memory_space<hbm>>, %arg6: memref<2x10240x16xf32, #tpu.memory_space<hbm>>, %arg7: memref<10240x16xf32, #tpu.memory_space<hbm>>, %arg8: memref<10240xf32, #tpu.memory_space<hbm>>, %arg9: memref<125x80xi32, #tpu.memory_space<vmem>>, %arg10: memref<125x80xi32, #tpu.memory_space<vmem>>, %arg11: memref<80x16xf32, #tpu.memory_space<vmem>>, %arg12: memref<80x16xf32, #tpu.memory_space<vmem>>, %arg13: memref<640xf32, #tpu.memory_space<vmem>>, %arg14: memref<640xf32, #tpu.memory_space<vmem>>, %arg15: memref<640x16xf32, #tpu.memory_space<vmem>>, %arg16: memref<640xf32, #tpu.memory_space<vmem>>, %arg17: memref<10240x16xf32, #tpu.memory_space<vmem_shared>>, %arg18: memref<10240x16xf32, #tpu.memory_space<vmem_shared>>, %arg19: memref<!tpu.dma_semaphore, #tpu.memory_space<semaphore_mem>>, %arg20: memref<!tpu.dma_semaphore, #tpu.memory_space<semaphore_mem>>) attributes {dimension_semantics = [#tpu.dimension_semantics<core_parallel>, #tpu.dimension_semantics<subcore_parallel>], iteration_bounds = array<i64: 2, 16>, scalar_prefetch = 0 : i64, scratch_operands = 12 : i64, tpu.core_type = #tpu.core_type<sc_vector_subcore>, window_params = [{transform_indices = #map}, {transform_indices = #map}, {transform_indices = #map}, {transform_indices = #map1}, {transform_indices = #map2}, {transform_indices = #map}, {transform_indices = #map3}]} {
    %mul3A = arith.constant 2 : i32
    %mul3A_0 = arith.muli %arg1, %mul3A : i32
    %add3A = arith.addi %mul3A_0, %arg0 : i32
    %mul3A_1 = arith.constant 640 : i32
    %mul3A_2 = arith.muli %arg1, %mul3A_1 : i32
    %run_scoped3A = arith.constant 0 : i32
    "tpu.region"() ({
      %run_scoped3A_69 = tpu.sem_alloc : memref<!tpu.dma_semaphore, #tpu.memory_space<semaphore_mem>>
      %dma_start3A_70 = tpu.memref_slice %arg2[%run_scoped3A, %mul3A_2] : memref<2x10240xf32, #tpu.memory_space<hbm>> -> memref<1x640xf32, #tpu.memory_space<hbm>>
      %dma_start3A_71 = tpu.memref_squeeze %dma_start3A_70 : memref<1x640xf32, #tpu.memory_space<hbm>> -> memref<640xf32, #tpu.memory_space<hbm>>
      %dma_start3A_72 = tpu.memref_slice %arg2[%run_scoped3A, %mul3A_2] : memref<2x10240xf32, #tpu.memory_space<hbm>> -> memref<1x640xf32, #tpu.memory_space<hbm>>
      %dma_start3A_73 = tpu.memref_squeeze %dma_start3A_72 : memref<1x640xf32, #tpu.memory_space<hbm>> -> memref<640xf32, #tpu.memory_space<hbm>>
      tpu.enqueue_dma source(%dma_start3A_73 : memref<640xf32, #tpu.memory_space<hbm>>) target(%arg13 : memref<640xf32, #tpu.memory_space<vmem>>) target_semaphore(%run_scoped3A_69 : memref<!tpu.dma_semaphore, #tpu.memory_space<semaphore_mem>>)
      %dma_wait3A_74 = tpu.memref_slice %arg2[%run_scoped3A, %mul3A_2] : memref<2x10240xf32, #tpu.memory_space<hbm>> -> memref<1x640xf32, #tpu.memory_space<hbm>>
      %dma_wait3A_75 = tpu.memref_squeeze %dma_wait3A_74 : memref<1x640xf32, #tpu.memory_space<hbm>> -> memref<640xf32, #tpu.memory_space<hbm>>
      %dma_wait3A_76 = tpu.memref_slice %arg2[%run_scoped3A, %mul3A_2] : memref<2x10240xf32, #tpu.memory_space<hbm>> -> memref<1x640xf32, #tpu.memory_space<hbm>>
      %dma_wait3A_77 = tpu.memref_squeeze %dma_wait3A_76 : memref<1x640xf32, #tpu.memory_space<hbm>> -> memref<640xf32, #tpu.memory_space<hbm>>
      tpu.wait_dma2 semaphore(%run_scoped3A_69 : memref<!tpu.dma_semaphore, #tpu.memory_space<semaphore_mem>>) src(%dma_wait3A_77 : memref<640xf32, #tpu.memory_space<hbm>>) dst(%arg13 : memref<640xf32, #tpu.memory_space<vmem>>)
      tpu.yield
    }) : () -> ()
    %run_scoped3A_3 = arith.constant 1 : i32
    "tpu.region"() ({
      %run_scoped3A_69 = tpu.sem_alloc : memref<!tpu.dma_semaphore, #tpu.memory_space<semaphore_mem>>
      %dma_start3A_70 = tpu.memref_slice %arg2[%run_scoped3A_3, %mul3A_2] : memref<2x10240xf32, #tpu.memory_space<hbm>> -> memref<1x640xf32, #tpu.memory_space<hbm>>
      %dma_start3A_71 = tpu.memref_squeeze %dma_start3A_70 : memref<1x640xf32, #tpu.memory_space<hbm>> -> memref<640xf32, #tpu.memory_space<hbm>>
      %dma_start3A_72 = tpu.memref_slice %arg2[%run_scoped3A_3, %mul3A_2] : memref<2x10240xf32, #tpu.memory_space<hbm>> -> memref<1x640xf32, #tpu.memory_space<hbm>>
      %dma_start3A_73 = tpu.memref_squeeze %dma_start3A_72 : memref<1x640xf32, #tpu.memory_space<hbm>> -> memref<640xf32, #tpu.memory_space<hbm>>
      tpu.enqueue_dma source(%dma_start3A_73 : memref<640xf32, #tpu.memory_space<hbm>>) target(%arg14 : memref<640xf32, #tpu.memory_space<vmem>>) target_semaphore(%run_scoped3A_69 : memref<!tpu.dma_semaphore, #tpu.memory_space<semaphore_mem>>)
      %dma_wait3A_74 = tpu.memref_slice %arg2[%run_scoped3A_3, %mul3A_2] : memref<2x10240xf32, #tpu.memory_space<hbm>> -> memref<1x640xf32, #tpu.memory_space<hbm>>
      %dma_wait3A_75 = tpu.memref_squeeze %dma_wait3A_74 : memref<1x640xf32, #tpu.memory_space<hbm>> -> memref<640xf32, #tpu.memory_space<hbm>>
      %dma_wait3A_76 = tpu.memref_slice %arg2[%run_scoped3A_3, %mul3A_2] : memref<2x10240xf32, #tpu.memory_space<hbm>> -> memref<1x640xf32, #tpu.memory_space<hbm>>
      %dma_wait3A_77 = tpu.memref_squeeze %dma_wait3A_76 : memref<1x640xf32, #tpu.memory_space<hbm>> -> memref<640xf32, #tpu.memory_space<hbm>>
      tpu.wait_dma2 semaphore(%run_scoped3A_69 : memref<!tpu.dma_semaphore, #tpu.memory_space<semaphore_mem>>) src(%dma_wait3A_77 : memref<640xf32, #tpu.memory_space<hbm>>) dst(%arg14 : memref<640xf32, #tpu.memory_space<vmem>>)
      tpu.yield
    }) : () -> ()
    "tpu.region"() ({
      %run_scoped3A_69 = tpu.sem_alloc : memref<!tpu.dma_semaphore, #tpu.memory_space<semaphore_mem>>
      %dma_start3A_70 = arith.constant 0 : i32
      %dma_start3A_71 = tpu.memref_slice %arg3[%mul3A_2, %dma_start3A_70] : memref<10240x16xf32, #tpu.memory_space<hbm>> -> memref<640x16xf32, #tpu.memory_space<hbm>>
      %dma_start3A_72 = arith.constant 0 : i32
      %dma_start3A_73 = tpu.memref_slice %arg3[%mul3A_2, %dma_start3A_72] : memref<10240x16xf32, #tpu.memory_space<hbm>> -> memref<640x16xf32, #tpu.memory_space<hbm>>
      tpu.enqueue_dma source(%dma_start3A_73 : memref<640x16xf32, #tpu.memory_space<hbm>>) target(%arg15 : memref<640x16xf32, #tpu.memory_space<vmem>>) target_semaphore(%run_scoped3A_69 : memref<!tpu.dma_semaphore, #tpu.memory_space<semaphore_mem>>)
      %dma_wait3A_74 = arith.constant 0 : i32
      %dma_wait3A_75 = tpu.memref_slice %arg3[%mul3A_2, %dma_wait3A_74] : memref<10240x16xf32, #tpu.memory_space<hbm>> -> memref<640x16xf32, #tpu.memory_space<hbm>>
      %dma_wait3A_76 = arith.constant 0 : i32
      %dma_wait3A_77 = tpu.memref_slice %arg3[%mul3A_2, %dma_wait3A_76] : memref<10240x16xf32, #tpu.memory_space<hbm>> -> memref<640x16xf32, #tpu.memory_space<hbm>>
      tpu.wait_dma2 semaphore(%run_scoped3A_69 : memref<!tpu.dma_semaphore, #tpu.memory_space<semaphore_mem>>) src(%dma_wait3A_77 : memref<640x16xf32, #tpu.memory_space<hbm>>) dst(%arg15 : memref<640x16xf32, #tpu.memory_space<vmem>>)
      tpu.yield
    }) : () -> ()
    %scan3A = arith.constant 0 : i32
    %scan3A_4 = arith.constant 0 : i32
    %scan3A_5 = arith.constant 40 : i32
    %scan3A_6 = arith.addi %scan3A_4, %scan3A_5 : i32
    %scan3A_7 = arith.constant 4 : i32
    scf.for %scan3A_69 = %scan3A_4 to %scan3A_6 step %scan3A_7  : i32 {
      %mul3A_70 = arith.constant 16 : i32
      %mul3A_71 = arith.muli %scan3A_69, %mul3A_70 : i32
      %get3A = arith.index_cast %mul3A_71 : i32 to index
      %get3A_72 = tpu.vector_load %arg13[%get3A] {strides = array<i32>} : memref<640xf32, #tpu.memory_space<vmem>>, vector<16xf32>,
      %get3A_73 = arith.index_cast %mul3A_71 : i32 to index
      %get3A_74 = tpu.vector_load %arg14[%get3A_73] {strides = array<i32>} : memref<640xf32, #tpu.memory_space<vmem>>, vector<16xf32>,
      %add3A_75 = arith.addf %get3A_72, %get3A_74 : vector<16xf32>
      %add3A_76 = arith.constant 1.000000e+00 : f32
      %add3A_77 = vector.broadcast %add3A_76 : f32 to vector<16xf32>
      %add3A_78 = arith.addf %add3A_75, %add3A_77 : vector<16xf32>
      %bitcast3A = vector.bitcast %add3A_78 : vector<16xf32> to vector<16xi32>
      %shift_right_arithmetic3A = arith.constant 1 : i32
      %shift_right_arithmetic3A_79 = vector.broadcast %shift_right_arithmetic3A : i32 to vector<16xi32>
      %shift_right_arithmetic3A_80 = arith.shrsi %bitcast3A, %shift_right_arithmetic3A_79 : vector<16xi32>
      %sub3A = arith.constant 1597463007 : i32
      %sub3A_81 = vector.broadcast %sub3A : i32 to vector<16xi32>
      %sub3A_82 = arith.subi %sub3A_81, %shift_right_arithmetic3A_80 : vector<16xi32>
      %bitcast3A_83 = vector.bitcast %sub3A_82 : vector<16xi32> to vector<16xf32>
      %mul3A_84 = arith.constant 5.000000e-01 : f32
      %mul3A_85 = vector.broadcast %mul3A_84 : f32 to vector<16xf32>
      %mul3A_86 = arith.mulf %mul3A_85, %add3A_78 : vector<16xf32>
      %mul3A_87 = arith.mulf %mul3A_86, %bitcast3A_83 : vector<16xf32>
      %mul3A_88 = arith.mulf %mul3A_87, %bitcast3A_83 : vector<16xf32>
      %sub3A_89 = arith.constant 1.500000e+00 : f32
      %sub3A_90 = vector.broadcast %sub3A_89 : f32 to vector<16xf32>
      %sub3A_91 = arith.subf %sub3A_90, %mul3A_88 : vector<16xf32>
      %mul3A_92 = arith.mulf %bitcast3A_83, %sub3A_91 : vector<16xf32>
      %mul3A_93 = arith.mulf %mul3A_86, %mul3A_92 : vector<16xf32>
      %mul3A_94 = arith.mulf %mul3A_93, %mul3A_92 : vector<16xf32>
      %sub3A_95 = arith.constant 1.500000e+00 : f32
      %sub3A_96 = vector.broadcast %sub3A_95 : f32 to vector<16xf32>
      %sub3A_97 = arith.subf %sub3A_96, %mul3A_94 : vector<16xf32>
      %mul3A_98 = arith.mulf %mul3A_92, %sub3A_97 : vector<16xf32>
      %swap3A = arith.index_cast %mul3A_71 : i32 to index
      %swap3A_99 = tpu.vector_load %arg16[%swap3A] {strides = array<i32>} : memref<640xf32, #tpu.memory_space<vmem>>, vector<16xf32>,
      tpu.vector_store %arg16[%swap3A], %mul3A_98 {strides = array<i32>} : memref<640xf32, #tpu.memory_space<vmem>>, vector<16xf32>,
      %scan3A_100 = arith.constant 1 : i32
      %scan3A_101 = arith.addi %scan3A_69, %scan3A_100 : i32
      %mul3A_102 = arith.constant 16 : i32
      %mul3A_103 = arith.muli %scan3A_101, %mul3A_102 : i32
      %get3A_104 = arith.index_cast %mul3A_103 : i32 to index
      %get3A_105 = tpu.vector_load %arg13[%get3A_104] {strides = array<i32>} : memref<640xf32, #tpu.memory_space<vmem>>, vector<16xf32>,
      %get3A_106 = arith.index_cast %mul3A_103 : i32 to index
      %get3A_107 = tpu.vector_load %arg14[%get3A_106] {strides = array<i32>} : memref<640xf32, #tpu.memory_space<vmem>>, vector<16xf32>,
      %add3A_108 = arith.addf %get3A_105, %get3A_107 : vector<16xf32>
      %add3A_109 = arith.constant 1.000000e+00 : f32
      %add3A_110 = vector.broadcast %add3A_109 : f32 to vector<16xf32>
      %add3A_111 = arith.addf %add3A_108, %add3A_110 : vector<16xf32>
      %bitcast3A_112 = vector.bitcast %add3A_111 : vector<16xf32> to vector<16xi32>
      %shift_right_arithmetic3A_113 = arith.constant 1 : i32
      %shift_right_arithmetic3A_114 = vector.broadcast %shift_right_arithmetic3A_113 : i32 to vector<16xi32>
      %shift_right_arithmetic3A_115 = arith.shrsi %bitcast3A_112, %shift_right_arithmetic3A_114 : vector<16xi32>
      %sub3A_116 = arith.constant 1597463007 : i32
      %sub3A_117 = vector.broadcast %sub3A_116 : i32 to vector<16xi32>
      %sub3A_118 = arith.subi %sub3A_117, %shift_right_arithmetic3A_115 : vector<16xi32>
      %bitcast3A_119 = vector.bitcast %sub3A_118 : vector<16xi32> to vector<16xf32>
      %mul3A_120 = arith.constant 5.000000e-01 : f32
      %mul3A_121 = vector.broadcast %mul3A_120 : f32 to vector<16xf32>
      %mul3A_122 = arith.mulf %mul3A_121, %add3A_111 : vector<16xf32>
      %mul3A_123 = arith.mulf %mul3A_122, %bitcast3A_119 : vector<16xf32>
      %mul3A_124 = arith.mulf %mul3A_123, %bitcast3A_119 : vector<16xf32>
      %sub3A_125 = arith.constant 1.500000e+00 : f32
      %sub3A_126 = vector.broadcast %sub3A_125 : f32 to vector<16xf32>
      %sub3A_127 = arith.subf %sub3A_126, %mul3A_124 : vector<16xf32>
      %mul3A_128 = arith.mulf %bitcast3A_119, %sub3A_127 : vector<16xf32>
      %mul3A_129 = arith.mulf %mul3A_122, %mul3A_128 : vector<16xf32>
      %mul3A_130 = arith.mulf %mul3A_129, %mul3A_128 : vector<16xf32>
      %sub3A_131 = arith.constant 1.500000e+00 : f32
      %sub3A_132 = vector.broadcast %sub3A_131 : f32 to vector<16xf32>
      %sub3A_133 = arith.subf %sub3A_132, %mul3A_130 : vector<16xf32>
      %mul3A_134 = arith.mulf %mul3A_128, %sub3A_133 : vector<16xf32>
      %swap3A_135 = arith.index_cast %mul3A_103 : i32 to index
      %swap3A_136 = tpu.vector_load %arg16[%swap3A_135] {strides = array<i32>} : memref<640xf32, #tpu.memory_space<vmem>>, vector<16xf32>,
      tpu.vector_store %arg16[%swap3A_135], %mul3A_134 {strides = array<i32>} : memref<640xf32, #tpu.memory_space<vmem>>, vector<16xf32>,
      %scan3A_137 = arith.constant 2 : i32
      %scan3A_138 = arith.addi %scan3A_69, %scan3A_137 : i32
      %mul3A_139 = arith.constant 16 : i32
      %mul3A_140 = arith.muli %scan3A_138, %mul3A_139 : i32
      %get3A_141 = arith.index_cast %mul3A_140 : i32 to index
      %get3A_142 = tpu.vector_load %arg13[%get3A_141] {strides = array<i32>} : memref<640xf32, #tpu.memory_space<vmem>>, vector<16xf32>,
      %get3A_143 = arith.index_cast %mul3A_140 : i32 to index
      %get3A_144 = tpu.vector_load %arg14[%get3A_143] {strides = array<i32>} : memref<640xf32, #tpu.memory_space<vmem>>, vector<16xf32>,
      %add3A_145 = arith.addf %get3A_142, %get3A_144 : vector<16xf32>
      %add3A_146 = arith.constant 1.000000e+00 : f32
      %add3A_147 = vector.broadcast %add3A_146 : f32 to vector<16xf32>
      %add3A_148 = arith.addf %add3A_145, %add3A_147 : vector<16xf32>
      %bitcast3A_149 = vector.bitcast %add3A_148 : vector<16xf32> to vector<16xi32>
      %shift_right_arithmetic3A_150 = arith.constant 1 : i32
      %shift_right_arithmetic3A_151 = vector.broadcast %shift_right_arithmetic3A_150 : i32 to vector<16xi32>
      %shift_right_arithmetic3A_152 = arith.shrsi %bitcast3A_149, %shift_right_arithmetic3A_151 : vector<16xi32>
      %sub3A_153 = arith.constant 1597463007 : i32
      %sub3A_154 = vector.broadcast %sub3A_153 : i32 to vector<16xi32>
      %sub3A_155 = arith.subi %sub3A_154, %shift_right_arithmetic3A_152 : vector<16xi32>
      %bitcast3A_156 = vector.bitcast %sub3A_155 : vector<16xi32> to vector<16xf32>
      %mul3A_157 = arith.constant 5.000000e-01 : f32
      %mul3A_158 = vector.broadcast %mul3A_157 : f32 to vector<16xf32>
      %mul3A_159 = arith.mulf %mul3A_158, %add3A_148 : vector<16xf32>
      %mul3A_160 = arith.mulf %mul3A_159, %bitcast3A_156 : vector<16xf32>
      %mul3A_161 = arith.mulf %mul3A_160, %bitcast3A_156 : vector<16xf32>
      %sub3A_162 = arith.constant 1.500000e+00 : f32
      %sub3A_163 = vector.broadcast %sub3A_162 : f32 to vector<16xf32>
      %sub3A_164 = arith.subf %sub3A_163, %mul3A_161 : vector<16xf32>
      %mul3A_165 = arith.mulf %bitcast3A_156, %sub3A_164 : vector<16xf32>
      %mul3A_166 = arith.mulf %mul3A_159, %mul3A_165 : vector<16xf32>
      %mul3A_167 = arith.mulf %mul3A_166, %mul3A_165 : vector<16xf32>
      %sub3A_168 = arith.constant 1.500000e+00 : f32
      %sub3A_169 = vector.broadcast %sub3A_168 : f32 to vector<16xf32>
      %sub3A_170 = arith.subf %sub3A_169, %mul3A_167 : vector<16xf32>
      %mul3A_171 = arith.mulf %mul3A_165, %sub3A_170 : vector<16xf32>
      %swap3A_172 = arith.index_cast %mul3A_140 : i32 to index
      %swap3A_173 = tpu.vector_load %arg16[%swap3A_172] {strides = array<i32>} : memref<640xf32, #tpu.memory_space<vmem>>, vector<16xf32>,
      tpu.vector_store %arg16[%swap3A_172], %mul3A_171 {strides = array<i32>} : memref<640xf32, #tpu.memory_space<vmem>>, vector<16xf32>,
      %scan3A_174 = arith.constant 3 : i32
      %scan3A_175 = arith.addi %scan3A_69, %scan3A_174 : i32
      %mul3A_176 = arith.constant 16 : i32
      %mul3A_177 = arith.muli %scan3A_175, %mul3A_176 : i32
      %get3A_178 = arith.index_cast %mul3A_177 : i32 to index
      %get3A_179 = tpu.vector_load %arg13[%get3A_178] {strides = array<i32>} : memref<640xf32, #tpu.memory_space<vmem>>, vector<16xf32>,
      %get3A_180 = arith.index_cast %mul3A_177 : i32 to index
      %get3A_181 = tpu.vector_load %arg14[%get3A_180] {strides = array<i32>} : memref<640xf32, #tpu.memory_space<vmem>>, vector<16xf32>,
      %add3A_182 = arith.addf %get3A_179, %get3A_181 : vector<16xf32>
      %add3A_183 = arith.constant 1.000000e+00 : f32
      %add3A_184 = vector.broadcast %add3A_183 : f32 to vector<16xf32>
      %add3A_185 = arith.addf %add3A_182, %add3A_184 : vector<16xf32>
      %bitcast3A_186 = vector.bitcast %add3A_185 : vector<16xf32> to vector<16xi32>
      %shift_right_arithmetic3A_187 = arith.constant 1 : i32
      %shift_right_arithmetic3A_188 = vector.broadcast %shift_right_arithmetic3A_187 : i32 to vector<16xi32>
      %shift_right_arithmetic3A_189 = arith.shrsi %bitcast3A_186, %shift_right_arithmetic3A_188 : vector<16xi32>
      %sub3A_190 = arith.constant 1597463007 : i32
      %sub3A_191 = vector.broadcast %sub3A_190 : i32 to vector<16xi32>
      %sub3A_192 = arith.subi %sub3A_191, %shift_right_arithmetic3A_189 : vector<16xi32>
      %bitcast3A_193 = vector.bitcast %sub3A_192 : vector<16xi32> to vector<16xf32>
      %mul3A_194 = arith.constant 5.000000e-01 : f32
      %mul3A_195 = vector.broadcast %mul3A_194 : f32 to vector<16xf32>
      %mul3A_196 = arith.mulf %mul3A_195, %add3A_185 : vector<16xf32>
      %mul3A_197 = arith.mulf %mul3A_196, %bitcast3A_193 : vector<16xf32>
      %mul3A_198 = arith.mulf %mul3A_197, %bitcast3A_193 : vector<16xf32>
      %sub3A_199 = arith.constant 1.500000e+00 : f32
      %sub3A_200 = vector.broadcast %sub3A_199 : f32 to vector<16xf32>
      %sub3A_201 = arith.subf %sub3A_200, %mul3A_198 : vector<16xf32>
      %mul3A_202 = arith.mulf %bitcast3A_193, %sub3A_201 : vector<16xf32>
      %mul3A_203 = arith.mulf %mul3A_196, %mul3A_202 : vector<16xf32>
      %mul3A_204 = arith.mulf %mul3A_203, %mul3A_202 : vector<16xf32>
      %sub3A_205 = arith.constant 1.500000e+00 : f32
      %sub3A_206 = vector.broadcast %sub3A_205 : f32 to vector<16xf32>
      %sub3A_207 = arith.subf %sub3A_206, %mul3A_204 : vector<16xf32>
      %mul3A_208 = arith.mulf %mul3A_202, %sub3A_207 : vector<16xf32>
      %swap3A_209 = arith.index_cast %mul3A_177 : i32 to index
      %swap3A_210 = tpu.vector_load %arg16[%swap3A_209] {strides = array<i32>} : memref<640xf32, #tpu.memory_space<vmem>>, vector<16xf32>,
      tpu.vector_store %arg16[%swap3A_209], %mul3A_208 {strides = array<i32>} : memref<640xf32, #tpu.memory_space<vmem>>, vector<16xf32>,
    }
    %scan3A_8 = arith.constant 40 : i32
    %scan3A_9 = arith.constant 0 : i32
    %scan3A_10 = arith.constant 0 : i32
    %scan3A_11 = arith.constant 40 : i32
    %scan3A_12 = arith.addi %scan3A_10, %scan3A_11 : i32
    %scan3A_13 = arith.constant 1 : i32
    scf.for %scan3A_69 = %scan3A_10 to %scan3A_12 step %scan3A_13  : i32 {
      %mul3A_70 = arith.constant 16 : i32
      %mul3A_71 = arith.muli %scan3A_69, %mul3A_70 : i32
      %get3A = arith.index_cast %mul3A_71 : i32 to index
      %get3A_72 = tpu.vector_load %arg16[%get3A] {strides = array<i32>} : memref<640xf32, #tpu.memory_space<vmem>>, vector<16xf32>,
      %mul3A_73 = arith.constant 16 : i32
      %mul3A_74 = arith.muli %scan3A_69, %mul3A_73 : i32
      %slice3A = vector.extract_strided_slice %get3A_72 {offsets = [0], sizes = [1], strides = [1]} : vector<16xf32> to vector<1xf32>
      %squeeze3A = vector.extract %slice3A[0] : f32 from vector<1xf32>
      %add3A_75 = arith.constant 0 : i32
      %add3A_76 = arith.addi %mul3A_74, %add3A_75 : i32
      %get3A_77 = arith.index_cast %add3A_76 : i32 to index
      %get3A_78 = arith.constant 0 : index
      %get3A_79 = tpu.vector_load %arg15[%get3A_77, %get3A_78] {strides = array<i32>} : memref<640x16xf32, #tpu.memory_space<vmem>>, vector<16xf32>,
      %mul3A_80 = vector.broadcast %squeeze3A : f32 to vector<16xf32>
      %mul3A_81 = arith.mulf %mul3A_80, %get3A_79 : vector<16xf32>
      %add3A_82 = arith.constant 0 : i32
      %add3A_83 = arith.addi %mul3A_74, %add3A_82 : i32
      %swap3A = arith.index_cast %add3A_83 : i32 to index
      %swap3A_84 = arith.constant 0 : index
      %swap3A_85 = tpu.vector_load %arg15[%swap3A, %swap3A_84] {strides = array<i32>} : memref<640x16xf32, #tpu.memory_space<vmem>>, vector<16xf32>,
      tpu.vector_store %arg15[%swap3A, %swap3A_84], %mul3A_81 {strides = array<i32>} : memref<640x16xf32, #tpu.memory_space<vmem>>, vector<16xf32>,
      %slice3A_86 = vector.extract_strided_slice %get3A_72 {offsets = [1], sizes = [1], strides = [1]} : vector<16xf32> to vector<1xf32>
      %squeeze3A_87 = vector.extract %slice3A_86[0] : f32 from vector<1xf32>
      %add3A_88 = arith.constant 1 : i32
      %add3A_89 = arith.addi %mul3A_74, %add3A_88 : i32
      %get3A_90 = arith.index_cast %add3A_89 : i32 to index
      %get3A_91 = arith.constant 0 : index
      %get3A_92 = tpu.vector_load %arg15[%get3A_90, %get3A_91] {strides = array<i32>} : memref<640x16xf32, #tpu.memory_space<vmem>>, vector<16xf32>,
      %mul3A_93 = vector.broadcast %squeeze3A_87 : f32 to vector<16xf32>
      %mul3A_94 = arith.mulf %mul3A_93, %get3A_92 : vector<16xf32>
      %add3A_95 = arith.constant 1 : i32
      %add3A_96 = arith.addi %mul3A_74, %add3A_95 : i32
      %swap3A_97 = arith.index_cast %add3A_96 : i32 to index
      %swap3A_98 = arith.constant 0 : index
      %swap3A_99 = tpu.vector_load %arg15[%swap3A_97, %swap3A_98] {strides = array<i32>} : memref<640x16xf32, #tpu.memory_space<vmem>>, vector<16xf32>,
      tpu.vector_store %arg15[%swap3A_97, %swap3A_98], %mul3A_94 {strides = array<i32>} : memref<640x16xf32, #tpu.memory_space<vmem>>, vector<16xf32>,
      %slice3A_100 = vector.extract_strided_slice %get3A_72 {offsets = [2], sizes = [1], strides = [1]} : vector<16xf32> to vector<1xf32>
      %squeeze3A_101 = vector.extract %slice3A_100[0] : f32 from vector<1xf32>
      %add3A_102 = arith.constant 2 : i32
      %add3A_103 = arith.addi %mul3A_74, %add3A_102 : i32
      %get3A_104 = arith.index_cast %add3A_103 : i32 to index
      %get3A_105 = arith.constant 0 : index
      %get3A_106 = tpu.vector_load %arg15[%get3A_104, %get3A_105] {strides = array<i32>} : memref<640x16xf32, #tpu.memory_space<vmem>>, vector<16xf32>,
      %mul3A_107 = vector.broadcast %squeeze3A_101 : f32 to vector<16xf32>
      %mul3A_108 = arith.mulf %mul3A_107, %get3A_106 : vector<16xf32>
      %add3A_109 = arith.constant 2 : i32
      %add3A_110 = arith.addi %mul3A_74, %add3A_109 : i32
      %swap3A_111 = arith.index_cast %add3A_110 : i32 to index
      %swap3A_112 = arith.constant 0 : index
      %swap3A_113 = tpu.vector_load %arg15[%swap3A_111, %swap3A_112] {strides = array<i32>} : memref<640x16xf32, #tpu.memory_space<vmem>>, vector<16xf32>,
      tpu.vector_store %arg15[%swap3A_111, %swap3A_112], %mul3A_108 {strides = array<i32>} : memref<640x16xf32, #tpu.memory_space<vmem>>, vector<16xf32>,
      %slice3A_114 = vector.extract_strided_slice %get3A_72 {offsets = [3], sizes = [1], strides = [1]} : vector<16xf32> to vector<1xf32>
      %squeeze3A_115 = vector.extract %slice3A_114[0] : f32 from vector<1xf32>
      %add3A_116 = arith.constant 3 : i32
      %add3A_117 = arith.addi %mul3A_74, %add3A_116 : i32
      %get3A_118 = arith.index_cast %add3A_117 : i32 to index
      %get3A_119 = arith.constant 0 : index
      %get3A_120 = tpu.vector_load %arg15[%get3A_118, %get3A_119] {strides = array<i32>} : memref<640x16xf32, #tpu.memory_space<vmem>>, vector<16xf32>,
      %mul3A_121 = vector.broadcast %squeeze3A_115 : f32 to vector<16xf32>
      %mul3A_122 = arith.mulf %mul3A_121, %get3A_120 : vector<16xf32>
      %add3A_123 = arith.constant 3 : i32
      %add3A_124 = arith.addi %mul3A_74, %add3A_123 : i32
      %swap3A_125 = arith.index_cast %add3A_124 : i32 to index
      %swap3A_126 = arith.constant 0 : index
      %swap3A_127 = tpu.vector_load %arg15[%swap3A_125, %swap3A_126] {strides = array<i32>} : memref<640x16xf32, #tpu.memory_space<vmem>>, vector<16xf32>,
      tpu.vector_store %arg15[%swap3A_125, %swap3A_126], %mul3A_122 {strides = array<i32>} : memref<640x16xf32, #tpu.memory_space<vmem>>, vector<16xf32>,
      %slice3A_128 = vector.extract_strided_slice %get3A_72 {offsets = [4], sizes = [1], strides = [1]} : vector<16xf32> to vector<1xf32>
      %squeeze3A_129 = vector.extract %slice3A_128[0] : f32 from vector<1xf32>
      %add3A_130 = arith.constant 4 : i32
      %add3A_131 = arith.addi %mul3A_74, %add3A_130 : i32
      %get3A_132 = arith.index_cast %add3A_131 : i32 to index
      %get3A_133 = arith.constant 0 : index
      %get3A_134 = tpu.vector_load %arg15[%get3A_132, %get3A_133] {strides = array<i32>} : memref<640x16xf32, #tpu.memory_space<vmem>>, vector<16xf32>,
      %mul3A_135 = vector.broadcast %squeeze3A_129 : f32 to vector<16xf32>
      %mul3A_136 = arith.mulf %mul3A_135, %get3A_134 : vector<16xf32>
      %add3A_137 = arith.constant 4 : i32
      %add3A_138 = arith.addi %mul3A_74, %add3A_137 : i32
      %swap3A_139 = arith.index_cast %add3A_138 : i32 to index
      %swap3A_140 = arith.constant 0 : index
      %swap3A_141 = tpu.vector_load %arg15[%swap3A_139, %swap3A_140] {strides = array<i32>} : memref<640x16xf32, #tpu.memory_space<vmem>>, vector<16xf32>,
      tpu.vector_store %arg15[%swap3A_139, %swap3A_140], %mul3A_136 {strides = array<i32>} : memref<640x16xf32, #tpu.memory_space<vmem>>, vector<16xf32>,
      %slice3A_142 = vector.extract_strided_slice %get3A_72 {offsets = [5], sizes = [1], strides = [1]} : vector<16xf32> to vector<1xf32>
      %squeeze3A_143 = vector.extract %slice3A_142[0] : f32 from vector<1xf32>
      %add3A_144 = arith.constant 5 : i32
      %add3A_145 = arith.addi %mul3A_74, %add3A_144 : i32
      %get3A_146 = arith.index_cast %add3A_145 : i32 to index
      %get3A_147 = arith.constant 0 : index
      %get3A_148 = tpu.vector_load %arg15[%get3A_146, %get3A_147] {strides = array<i32>} : memref<640x16xf32, #tpu.memory_space<vmem>>, vector<16xf32>,
      %mul3A_149 = vector.broadcast %squeeze3A_143 : f32 to vector<16xf32>
      %mul3A_150 = arith.mulf %mul3A_149, %get3A_148 : vector<16xf32>
      %add3A_151 = arith.constant 5 : i32
      %add3A_152 = arith.addi %mul3A_74, %add3A_151 : i32
      %swap3A_153 = arith.index_cast %add3A_152 : i32 to index
      %swap3A_154 = arith.constant 0 : index
      %swap3A_155 = tpu.vector_load %arg15[%swap3A_153, %swap3A_154] {strides = array<i32>} : memref<640x16xf32, #tpu.memory_space<vmem>>, vector<16xf32>,
      tpu.vector_store %arg15[%swap3A_153, %swap3A_154], %mul3A_150 {strides = array<i32>} : memref<640x16xf32, #tpu.memory_space<vmem>>, vector<16xf32>,
      %slice3A_156 = vector.extract_strided_slice %get3A_72 {offsets = [6], sizes = [1], strides = [1]} : vector<16xf32> to vector<1xf32>
      %squeeze3A_157 = vector.extract %slice3A_156[0] : f32 from vector<1xf32>
      %add3A_158 = arith.constant 6 : i32
      %add3A_159 = arith.addi %mul3A_74, %add3A_158 : i32
      %get3A_160 = arith.index_cast %add3A_159 : i32 to index
      %get3A_161 = arith.constant 0 : index
      %get3A_162 = tpu.vector_load %arg15[%get3A_160, %get3A_161] {strides = array<i32>} : memref<640x16xf32, #tpu.memory_space<vmem>>, vector<16xf32>,
      %mul3A_163 = vector.broadcast %squeeze3A_157 : f32 to vector<16xf32>
      %mul3A_164 = arith.mulf %mul3A_163, %get3A_162 : vector<16xf32>
      %add3A_165 = arith.constant 6 : i32
      %add3A_166 = arith.addi %mul3A_74, %add3A_165 : i32
      %swap3A_167 = arith.index_cast %add3A_166 : i32 to index
      %swap3A_168 = arith.constant 0 : index
      %swap3A_169 = tpu.vector_load %arg15[%swap3A_167, %swap3A_168] {strides = array<i32>} : memref<640x16xf32, #tpu.memory_space<vmem>>, vector<16xf32>,
      tpu.vector_store %arg15[%swap3A_167, %swap3A_168], %mul3A_164 {strides = array<i32>} : memref<640x16xf32, #tpu.memory_space<vmem>>, vector<16xf32>,
      %slice3A_170 = vector.extract_strided_slice %get3A_72 {offsets = [7], sizes = [1], strides = [1]} : vector<16xf32> to vector<1xf32>
      %squeeze3A_171 = vector.extract %slice3A_170[0] : f32 from vector<1xf32>
      %add3A_172 = arith.constant 7 : i32
      %add3A_173 = arith.addi %mul3A_74, %add3A_172 : i32
      %get3A_174 = arith.index_cast %add3A_173 : i32 to index
      %get3A_175 = arith.constant 0 : index
      %get3A_176 = tpu.vector_load %arg15[%get3A_174, %get3A_175] {strides = array<i32>} : memref<640x16xf32, #tpu.memory_space<vmem>>, vector<16xf32>,
      %mul3A_177 = vector.broadcast %squeeze3A_171 : f32 to vector<16xf32>
      %mul3A_178 = arith.mulf %mul3A_177, %get3A_176 : vector<16xf32>
      %add3A_179 = arith.constant 7 : i32
      %add3A_180 = arith.addi %mul3A_74, %add3A_179 : i32
      %swap3A_181 = arith.index_cast %add3A_180 : i32 to index
      %swap3A_182 = arith.constant 0 : index
      %swap3A_183 = tpu.vector_load %arg15[%swap3A_181, %swap3A_182] {strides = array<i32>} : memref<640x16xf32, #tpu.memory_space<vmem>>, vector<16xf32>,
      tpu.vector_store %arg15[%swap3A_181, %swap3A_182], %mul3A_178 {strides = array<i32>} : memref<640x16xf32, #tpu.memory_space<vmem>>, vector<16xf32>,
      %slice3A_184 = vector.extract_strided_slice %get3A_72 {offsets = [8], sizes = [1], strides = [1]} : vector<16xf32> to vector<1xf32>
      %squeeze3A_185 = vector.extract %slice3A_184[0] : f32 from vector<1xf32>
      %add3A_186 = arith.constant 8 : i32
      %add3A_187 = arith.addi %mul3A_74, %add3A_186 : i32
      %get3A_188 = arith.index_cast %add3A_187 : i32 to index
      %get3A_189 = arith.constant 0 : index
      %get3A_190 = tpu.vector_load %arg15[%get3A_188, %get3A_189] {strides = array<i32>} : memref<640x16xf32, #tpu.memory_space<vmem>>, vector<16xf32>,
      %mul3A_191 = vector.broadcast %squeeze3A_185 : f32 to vector<16xf32>
      %mul3A_192 = arith.mulf %mul3A_191, %get3A_190 : vector<16xf32>
      %add3A_193 = arith.constant 8 : i32
      %add3A_194 = arith.addi %mul3A_74, %add3A_193 : i32
      %swap3A_195 = arith.index_cast %add3A_194 : i32 to index
      %swap3A_196 = arith.constant 0 : index
      %swap3A_197 = tpu.vector_load %arg15[%swap3A_195, %swap3A_196] {strides = array<i32>} : memref<640x16xf32, #tpu.memory_space<vmem>>, vector<16xf32>,
      tpu.vector_store %arg15[%swap3A_195, %swap3A_196], %mul3A_192 {strides = array<i32>} : memref<640x16xf32, #tpu.memory_space<vmem>>, vector<16xf32>,
      %slice3A_198 = vector.extract_strided_slice %get3A_72 {offsets = [9], sizes = [1], strides = [1]} : vector<16xf32> to vector<1xf32>
      %squeeze3A_199 = vector.extract %slice3A_198[0] : f32 from vector<1xf32>
      %add3A_200 = arith.constant 9 : i32
      %add3A_201 = arith.addi %mul3A_74, %add3A_200 : i32
      %get3A_202 = arith.index_cast %add3A_201 : i32 to index
      %get3A_203 = arith.constant 0 : index
      %get3A_204 = tpu.vector_load %arg15[%get3A_202, %get3A_203] {strides = array<i32>} : memref<640x16xf32, #tpu.memory_space<vmem>>, vector<16xf32>,
      %mul3A_205 = vector.broadcast %squeeze3A_199 : f32 to vector<16xf32>
      %mul3A_206 = arith.mulf %mul3A_205, %get3A_204 : vector<16xf32>
      %add3A_207 = arith.constant 9 : i32
      %add3A_208 = arith.addi %mul3A_74, %add3A_207 : i32
      %swap3A_209 = arith.index_cast %add3A_208 : i32 to index
      %swap3A_210 = arith.constant 0 : index
      %swap3A_211 = tpu.vector_load %arg15[%swap3A_209, %swap3A_210] {strides = array<i32>} : memref<640x16xf32, #tpu.memory_space<vmem>>, vector<16xf32>,
      tpu.vector_store %arg15[%swap3A_209, %swap3A_210], %mul3A_206 {strides = array<i32>} : memref<640x16xf32, #tpu.memory_space<vmem>>, vector<16xf32>,
      %slice3A_212 = vector.extract_strided_slice %get3A_72 {offsets = [10], sizes = [1], strides = [1]} : vector<16xf32> to vector<1xf32>
      %squeeze3A_213 = vector.extract %slice3A_212[0] : f32 from vector<1xf32>
      %add3A_214 = arith.constant 10 : i32
      %add3A_215 = arith.addi %mul3A_74, %add3A_214 : i32
      %get3A_216 = arith.index_cast %add3A_215 : i32 to index
      %get3A_217 = arith.constant 0 : index
      %get3A_218 = tpu.vector_load %arg15[%get3A_216, %get3A_217] {strides = array<i32>} : memref<640x16xf32, #tpu.memory_space<vmem>>, vector<16xf32>,
      %mul3A_219 = vector.broadcast %squeeze3A_213 : f32 to vector<16xf32>
      %mul3A_220 = arith.mulf %mul3A_219, %get3A_218 : vector<16xf32>
      %add3A_221 = arith.constant 10 : i32
      %add3A_222 = arith.addi %mul3A_74, %add3A_221 : i32
      %swap3A_223 = arith.index_cast %add3A_222 : i32 to index
      %swap3A_224 = arith.constant 0 : index
      %swap3A_225 = tpu.vector_load %arg15[%swap3A_223, %swap3A_224] {strides = array<i32>} : memref<640x16xf32, #tpu.memory_space<vmem>>, vector<16xf32>,
      tpu.vector_store %arg15[%swap3A_223, %swap3A_224], %mul3A_220 {strides = array<i32>} : memref<640x16xf32, #tpu.memory_space<vmem>>, vector<16xf32>,
      %slice3A_226 = vector.extract_strided_slice %get3A_72 {offsets = [11], sizes = [1], strides = [1]} : vector<16xf32> to vector<1xf32>
      %squeeze3A_227 = vector.extract %slice3A_226[0] : f32 from vector<1xf32>
      %add3A_228 = arith.constant 11 : i32
      %add3A_229 = arith.addi %mul3A_74, %add3A_228 : i32
      %get3A_230 = arith.index_cast %add3A_229 : i32 to index
      %get3A_231 = arith.constant 0 : index
      %get3A_232 = tpu.vector_load %arg15[%get3A_230, %get3A_231] {strides = array<i32>} : memref<640x16xf32, #tpu.memory_space<vmem>>, vector<16xf32>,
      %mul3A_233 = vector.broadcast %squeeze3A_227 : f32 to vector<16xf32>
      %mul3A_234 = arith.mulf %mul3A_233, %get3A_232 : vector<16xf32>
      %add3A_235 = arith.constant 11 : i32
      %add3A_236 = arith.addi %mul3A_74, %add3A_235 : i32
      %swap3A_237 = arith.index_cast %add3A_236 : i32 to index
      %swap3A_238 = arith.constant 0 : index
      %swap3A_239 = tpu.vector_load %arg15[%swap3A_237, %swap3A_238] {strides = array<i32>} : memref<640x16xf32, #tpu.memory_space<vmem>>, vector<16xf32>,
      tpu.vector_store %arg15[%swap3A_237, %swap3A_238], %mul3A_234 {strides = array<i32>} : memref<640x16xf32, #tpu.memory_space<vmem>>, vector<16xf32>,
      %slice3A_240 = vector.extract_strided_slice %get3A_72 {offsets = [12], sizes = [1], strides = [1]} : vector<16xf32> to vector<1xf32>
      %squeeze3A_241 = vector.extract %slice3A_240[0] : f32 from vector<1xf32>
      %add3A_242 = arith.constant 12 : i32
      %add3A_243 = arith.addi %mul3A_74, %add3A_242 : i32
      %get3A_244 = arith.index_cast %add3A_243 : i32 to index
      %get3A_245 = arith.constant 0 : index
      %get3A_246 = tpu.vector_load %arg15[%get3A_244, %get3A_245] {strides = array<i32>} : memref<640x16xf32, #tpu.memory_space<vmem>>, vector<16xf32>,
      %mul3A_247 = vector.broadcast %squeeze3A_241 : f32 to vector<16xf32>
      %mul3A_248 = arith.mulf %mul3A_247, %get3A_246 : vector<16xf32>
      %add3A_249 = arith.constant 12 : i32
      %add3A_250 = arith.addi %mul3A_74, %add3A_249 : i32
      %swap3A_251 = arith.index_cast %add3A_250 : i32 to index
      %swap3A_252 = arith.constant 0 : index
      %swap3A_253 = tpu.vector_load %arg15[%swap3A_251, %swap3A_252] {strides = array<i32>} : memref<640x16xf32, #tpu.memory_space<vmem>>, vector<16xf32>,
      tpu.vector_store %arg15[%swap3A_251, %swap3A_252], %mul3A_248 {strides = array<i32>} : memref<640x16xf32, #tpu.memory_space<vmem>>, vector<16xf32>,
      %slice3A_254 = vector.extract_strided_slice %get3A_72 {offsets = [13], sizes = [1], strides = [1]} : vector<16xf32> to vector<1xf32>
      %squeeze3A_255 = vector.extract %slice3A_254[0] : f32 from vector<1xf32>
      %add3A_256 = arith.constant 13 : i32
      %add3A_257 = arith.addi %mul3A_74, %add3A_256 : i32
      %get3A_258 = arith.index_cast %add3A_257 : i32 to index
      %get3A_259 = arith.constant 0 : index
      %get3A_260 = tpu.vector_load %arg15[%get3A_258, %get3A_259] {strides = array<i32>} : memref<640x16xf32, #tpu.memory_space<vmem>>, vector<16xf32>,
      %mul3A_261 = vector.broadcast %squeeze3A_255 : f32 to vector<16xf32>
      %mul3A_262 = arith.mulf %mul3A_261, %get3A_260 : vector<16xf32>
      %add3A_263 = arith.constant 13 : i32
      %add3A_264 = arith.addi %mul3A_74, %add3A_263 : i32
      %swap3A_265 = arith.index_cast %add3A_264 : i32 to index
      %swap3A_266 = arith.constant 0 : index
      %swap3A_267 = tpu.vector_load %arg15[%swap3A_265, %swap3A_266] {strides = array<i32>} : memref<640x16xf32, #tpu.memory_space<vmem>>, vector<16xf32>,
      tpu.vector_store %arg15[%swap3A_265, %swap3A_266], %mul3A_262 {strides = array<i32>} : memref<640x16xf32, #tpu.memory_space<vmem>>, vector<16xf32>,
      %slice3A_268 = vector.extract_strided_slice %get3A_72 {offsets = [14], sizes = [1], strides = [1]} : vector<16xf32> to vector<1xf32>
      %squeeze3A_269 = vector.extract %slice3A_268[0] : f32 from vector<1xf32>
      %add3A_270 = arith.constant 14 : i32
      %add3A_271 = arith.addi %mul3A_74, %add3A_270 : i32
      %get3A_272 = arith.index_cast %add3A_271 : i32 to index
      %get3A_273 = arith.constant 0 : index
      %get3A_274 = tpu.vector_load %arg15[%get3A_272, %get3A_273] {strides = array<i32>} : memref<640x16xf32, #tpu.memory_space<vmem>>, vector<16xf32>,
      %mul3A_275 = vector.broadcast %squeeze3A_269 : f32 to vector<16xf32>
      %mul3A_276 = arith.mulf %mul3A_275, %get3A_274 : vector<16xf32>
      %add3A_277 = arith.constant 14 : i32
      %add3A_278 = arith.addi %mul3A_74, %add3A_277 : i32
      %swap3A_279 = arith.index_cast %add3A_278 : i32 to index
      %swap3A_280 = arith.constant 0 : index
      %swap3A_281 = tpu.vector_load %arg15[%swap3A_279, %swap3A_280] {strides = array<i32>} : memref<640x16xf32, #tpu.memory_space<vmem>>, vector<16xf32>,
      tpu.vector_store %arg15[%swap3A_279, %swap3A_280], %mul3A_276 {strides = array<i32>} : memref<640x16xf32, #tpu.memory_space<vmem>>, vector<16xf32>,
      %slice3A_282 = vector.extract_strided_slice %get3A_72 {offsets = [15], sizes = [1], strides = [1]} : vector<16xf32> to vector<1xf32>
      %squeeze3A_283 = vector.extract %slice3A_282[0] : f32 from vector<1xf32>
      %add3A_284 = arith.constant 15 : i32
      %add3A_285 = arith.addi %mul3A_74, %add3A_284 : i32
      %get3A_286 = arith.index_cast %add3A_285 : i32 to index
      %get3A_287 = arith.constant 0 : index
      %get3A_288 = tpu.vector_load %arg15[%get3A_286, %get3A_287] {strides = array<i32>} : memref<640x16xf32, #tpu.memory_space<vmem>>, vector<16xf32>,
      %mul3A_289 = vector.broadcast %squeeze3A_283 : f32 to vector<16xf32>
      %mul3A_290 = arith.mulf %mul3A_289, %get3A_288 : vector<16xf32>
      %add3A_291 = arith.constant 15 : i32
      %add3A_292 = arith.addi %mul3A_74, %add3A_291 : i32
      %swap3A_293 = arith.index_cast %add3A_292 : i32 to index
      %swap3A_294 = arith.constant 0 : index
      %swap3A_295 = tpu.vector_load %arg15[%swap3A_293, %swap3A_294] {strides = array<i32>} : memref<640x16xf32, #tpu.memory_space<vmem>>, vector<16xf32>,
      tpu.vector_store %arg15[%swap3A_293, %swap3A_294], %mul3A_290 {strides = array<i32>} : memref<640x16xf32, #tpu.memory_space<vmem>>, vector<16xf32>,
    }
    %scan3A_14 = arith.constant 40 : i32
    "tpu.region"() ({
      %run_scoped3A_69 = tpu.sem_alloc : memref<!tpu.dma_semaphore, #tpu.memory_space<semaphore_mem>>
      %dma_start3A_70 = tpu.memref_slice %arg8[%mul3A_2] : memref<10240xf32, #tpu.memory_space<hbm>> -> memref<640xf32, #tpu.memory_space<hbm>>
      %dma_start3A_71 = tpu.memref_slice %arg8[%mul3A_2] : memref<10240xf32, #tpu.memory_space<hbm>> -> memref<640xf32, #tpu.memory_space<hbm>>
      tpu.enqueue_dma source(%arg16 : memref<640xf32, #tpu.memory_space<vmem>>) target(%dma_start3A_71 : memref<640xf32, #tpu.memory_space<hbm>>) target_semaphore(%run_scoped3A_69 : memref<!tpu.dma_semaphore, #tpu.memory_space<semaphore_mem>>)
      %dma_wait3A_72 = tpu.memref_slice %arg8[%mul3A_2] : memref<10240xf32, #tpu.memory_space<hbm>> -> memref<640xf32, #tpu.memory_space<hbm>>
      %dma_wait3A_73 = tpu.memref_slice %arg8[%mul3A_2] : memref<10240xf32, #tpu.memory_space<hbm>> -> memref<640xf32, #tpu.memory_space<hbm>>
      tpu.wait_dma2 semaphore(%run_scoped3A_69 : memref<!tpu.dma_semaphore, #tpu.memory_space<semaphore_mem>>) src(%arg16 : memref<640xf32, #tpu.memory_space<vmem>>) dst(%dma_wait3A_73 : memref<640xf32, #tpu.memory_space<hbm>>)
      tpu.yield
    }) : () -> ()
    "tpu.region"() ({
      %run_scoped3A_69 = tpu.sem_alloc : memref<!tpu.dma_semaphore, #tpu.memory_space<semaphore_mem>>
      %dma_start3A_70 = arith.constant 0 : i32
      %dma_start3A_71 = tpu.memref_slice %arg7[%mul3A_2, %dma_start3A_70] : memref<10240x16xf32, #tpu.memory_space<hbm>> -> memref<640x16xf32, #tpu.memory_space<hbm>>
      %dma_start3A_72 = arith.constant 0 : i32
      %dma_start3A_73 = tpu.memref_slice %arg7[%mul3A_2, %dma_start3A_72] : memref<10240x16xf32, #tpu.memory_space<hbm>> -> memref<640x16xf32, #tpu.memory_space<hbm>>
      tpu.enqueue_dma source(%arg15 : memref<640x16xf32, #tpu.memory_space<vmem>>) target(%dma_start3A_73 : memref<640x16xf32, #tpu.memory_space<hbm>>) target_semaphore(%run_scoped3A_69 : memref<!tpu.dma_semaphore, #tpu.memory_space<semaphore_mem>>)
      %dma_wait3A_74 = arith.constant 0 : i32
      %dma_wait3A_75 = tpu.memref_slice %arg7[%mul3A_2, %dma_wait3A_74] : memref<10240x16xf32, #tpu.memory_space<hbm>> -> memref<640x16xf32, #tpu.memory_space<hbm>>
      %dma_wait3A_76 = arith.constant 0 : i32
      %dma_wait3A_77 = tpu.memref_slice %arg7[%mul3A_2, %dma_wait3A_76] : memref<10240x16xf32, #tpu.memory_space<hbm>> -> memref<640x16xf32, #tpu.memory_space<hbm>>
      tpu.wait_dma2 semaphore(%run_scoped3A_69 : memref<!tpu.dma_semaphore, #tpu.memory_space<semaphore_mem>>) src(%arg15 : memref<640x16xf32, #tpu.memory_space<vmem>>) dst(%dma_wait3A_77 : memref<640x16xf32, #tpu.memory_space<hbm>>)
      tpu.yield
    }) : () -> ()
    "tpu.region"() ({
      %run_scoped3A_69 = tpu.sem_alloc : memref<!tpu.dma_semaphore, #tpu.memory_space<semaphore_mem>>
      %dma_start3A_70 = arith.constant 0 : i32
      %dma_start3A_71 = tpu.memref_slice %arg17[%mul3A_2, %dma_start3A_70] : memref<10240x16xf32, #tpu.memory_space<vmem_shared>> -> memref<640x16xf32, #tpu.memory_space<vmem_shared>>
      %dma_start3A_72 = arith.constant 0 : i32
      %dma_start3A_73 = tpu.memref_slice %arg17[%mul3A_2, %dma_start3A_72] : memref<10240x16xf32, #tpu.memory_space<vmem_shared>> -> memref<640x16xf32, #tpu.memory_space<vmem_shared>>
      tpu.enqueue_dma source(%arg15 : memref<640x16xf32, #tpu.memory_space<vmem>>) target(%dma_start3A_73 : memref<640x16xf32, #tpu.memory_space<vmem_shared>>) target_semaphore(%run_scoped3A_69 : memref<!tpu.dma_semaphore, #tpu.memory_space<semaphore_mem>>)
      %dma_wait3A_74 = arith.constant 0 : i32
      %dma_wait3A_75 = tpu.memref_slice %arg17[%mul3A_2, %dma_wait3A_74] : memref<10240x16xf32, #tpu.memory_space<vmem_shared>> -> memref<640x16xf32, #tpu.memory_space<vmem_shared>>
      %dma_wait3A_76 = arith.constant 0 : i32
      %dma_wait3A_77 = tpu.memref_slice %arg17[%mul3A_2, %dma_wait3A_76] : memref<10240x16xf32, #tpu.memory_space<vmem_shared>> -> memref<640x16xf32, #tpu.memory_space<vmem_shared>>
      tpu.wait_dma2 semaphore(%run_scoped3A_69 : memref<!tpu.dma_semaphore, #tpu.memory_space<semaphore_mem>>) src(%arg15 : memref<640x16xf32, #tpu.memory_space<vmem>>) dst(%dma_wait3A_77 : memref<640x16xf32, #tpu.memory_space<vmem_shared>>)
      tpu.yield
    }) : () -> ()
    %eq3A = arith.constant 0 : i32
    %eq3A_15 = arith.cmpi eq, %arg1, %eq3A : i32
    %convert_element_type3A = arith.extui %eq3A_15 : i1 to i32
    %cond3A = arith.constant 0 : i32
    %cond3A_16 = arith.cmpi ne, %convert_element_type3A, %cond3A : i32
    scf.if %cond3A_16 {
      "tpu.region"() ({
        %run_scoped3A_69 = tpu.sem_alloc : memref<!tpu.dma_semaphore, #tpu.memory_space<semaphore_mem>>
        tpu.enqueue_dma source(%arg4 : memref<10240x16xf32, #tpu.memory_space<hbm>>) target(%arg18 : memref<10240x16xf32, #tpu.memory_space<vmem_shared>>) target_semaphore(%run_scoped3A_69 : memref<!tpu.dma_semaphore, #tpu.memory_space<semaphore_mem>>)
        tpu.wait_dma2 semaphore(%run_scoped3A_69 : memref<!tpu.dma_semaphore, #tpu.memory_space<semaphore_mem>>) src(%arg4 : memref<10240x16xf32, #tpu.memory_space<hbm>>) dst(%arg18 : memref<10240x16xf32, #tpu.memory_space<vmem_shared>>)
        tpu.yield
      }) : () -> ()
    } else {
    }
    %barrier3A = arith.constant 0 : index
    tpu.barrier barrier_id(%barrier3A)
    %run_scoped3A_17 = arith.constant 0 : i32
    "tpu.region"() ({
      %run_scoped3A_69 = tpu.sem_alloc : memref<!tpu.dma_semaphore, #tpu.memory_space<semaphore_mem>>
      %dma_start3A_70 = arith.constant 0 : i32
      %dma_start3A_71 = arith.constant 0 : i32
      %dma_start3A_72 = tpu.memref_slice %arg5[%run_scoped3A_17, %add3A, %dma_start3A_70, %dma_start3A_71] : memref<2x32x125x80xi32, #tpu.memory_space<hbm>> -> memref<1x1x125x80xi32, #tpu.memory_space<hbm>>
      %dma_start3A_73 = tpu.memref_squeeze %dma_start3A_72 : memref<1x1x125x80xi32, #tpu.memory_space<hbm>> -> memref<125x80xi32, #tpu.memory_space<hbm>>
      %dma_start3A_74 = arith.constant 0 : i32
      %dma_start3A_75 = arith.constant 0 : i32
      %dma_start3A_76 = tpu.memref_slice %arg5[%run_scoped3A_17, %add3A, %dma_start3A_74, %dma_start3A_75] : memref<2x32x125x80xi32, #tpu.memory_space<hbm>> -> memref<1x1x125x80xi32, #tpu.memory_space<hbm>>
      %dma_start3A_77 = tpu.memref_squeeze %dma_start3A_76 : memref<1x1x125x80xi32, #tpu.memory_space<hbm>> -> memref<125x80xi32, #tpu.memory_space<hbm>>
      tpu.enqueue_dma source(%dma_start3A_77 : memref<125x80xi32, #tpu.memory_space<hbm>>) target(%arg9 : memref<125x80xi32, #tpu.memory_space<vmem>>) target_semaphore(%run_scoped3A_69 : memref<!tpu.dma_semaphore, #tpu.memory_space<semaphore_mem>>)
      %dma_wait3A_78 = arith.constant 0 : i32
      %dma_wait3A_79 = arith.constant 0 : i32
      %dma_wait3A_80 = tpu.memref_slice %arg5[%run_scoped3A_17, %add3A, %dma_wait3A_78, %dma_wait3A_79] : memref<2x32x125x80xi32, #tpu.memory_space<hbm>> -> memref<1x1x125x80xi32, #tpu.memory_space<hbm>>
      %dma_wait3A_81 = tpu.memref_squeeze %dma_wait3A_80 : memref<1x1x125x80xi32, #tpu.memory_space<hbm>> -> memref<125x80xi32, #tpu.memory_space<hbm>>
      %dma_wait3A_82 = arith.constant 0 : i32
      %dma_wait3A_83 = arith.constant 0 : i32
      %dma_wait3A_84 = tpu.memref_slice %arg5[%run_scoped3A_17, %add3A, %dma_wait3A_82, %dma_wait3A_83] : memref<2x32x125x80xi32, #tpu.memory_space<hbm>> -> memref<1x1x125x80xi32, #tpu.memory_space<hbm>>
      %dma_wait3A_85 = tpu.memref_squeeze %dma_wait3A_84 : memref<1x1x125x80xi32, #tpu.memory_space<hbm>> -> memref<125x80xi32, #tpu.memory_space<hbm>>
      tpu.wait_dma2 semaphore(%run_scoped3A_69 : memref<!tpu.dma_semaphore, #tpu.memory_space<semaphore_mem>>) src(%dma_wait3A_85 : memref<125x80xi32, #tpu.memory_space<hbm>>) dst(%arg9 : memref<125x80xi32, #tpu.memory_space<vmem>>)
      tpu.yield
    }) : () -> ()
    %run_scoped3A_18 = arith.constant 1 : i32
    "tpu.region"() ({
      %run_scoped3A_69 = tpu.sem_alloc : memref<!tpu.dma_semaphore, #tpu.memory_space<semaphore_mem>>
      %dma_start3A_70 = arith.constant 0 : i32
      %dma_start3A_71 = arith.constant 0 : i32
      %dma_start3A_72 = tpu.memref_slice %arg5[%run_scoped3A_18, %add3A, %dma_start3A_70, %dma_start3A_71] : memref<2x32x125x80xi32, #tpu.memory_space<hbm>> -> memref<1x1x125x80xi32, #tpu.memory_space<hbm>>
      %dma_start3A_73 = tpu.memref_squeeze %dma_start3A_72 : memref<1x1x125x80xi32, #tpu.memory_space<hbm>> -> memref<125x80xi32, #tpu.memory_space<hbm>>
      %dma_start3A_74 = arith.constant 0 : i32
      %dma_start3A_75 = arith.constant 0 : i32
      %dma_start3A_76 = tpu.memref_slice %arg5[%run_scoped3A_18, %add3A, %dma_start3A_74, %dma_start3A_75] : memref<2x32x125x80xi32, #tpu.memory_space<hbm>> -> memref<1x1x125x80xi32, #tpu.memory_space<hbm>>
      %dma_start3A_77 = tpu.memref_squeeze %dma_start3A_76 : memref<1x1x125x80xi32, #tpu.memory_space<hbm>> -> memref<125x80xi32, #tpu.memory_space<hbm>>
      tpu.enqueue_dma source(%dma_start3A_77 : memref<125x80xi32, #tpu.memory_space<hbm>>) target(%arg10 : memref<125x80xi32, #tpu.memory_space<vmem>>) target_semaphore(%run_scoped3A_69 : memref<!tpu.dma_semaphore, #tpu.memory_space<semaphore_mem>>)
      %dma_wait3A_78 = arith.constant 0 : i32
      %dma_wait3A_79 = arith.constant 0 : i32
      %dma_wait3A_80 = tpu.memref_slice %arg5[%run_scoped3A_18, %add3A, %dma_wait3A_78, %dma_wait3A_79] : memref<2x32x125x80xi32, #tpu.memory_space<hbm>> -> memref<1x1x125x80xi32, #tpu.memory_space<hbm>>
      %dma_wait3A_81 = tpu.memref_squeeze %dma_wait3A_80 : memref<1x1x125x80xi32, #tpu.memory_space<hbm>> -> memref<125x80xi32, #tpu.memory_space<hbm>>
      %dma_wait3A_82 = arith.constant 0 : i32
      %dma_wait3A_83 = arith.constant 0 : i32
      %dma_wait3A_84 = tpu.memref_slice %arg5[%run_scoped3A_18, %add3A, %dma_wait3A_82, %dma_wait3A_83] : memref<2x32x125x80xi32, #tpu.memory_space<hbm>> -> memref<1x1x125x80xi32, #tpu.memory_space<hbm>>
      %dma_wait3A_85 = tpu.memref_squeeze %dma_wait3A_84 : memref<1x1x125x80xi32, #tpu.memory_space<hbm>> -> memref<125x80xi32, #tpu.memory_space<hbm>>
      tpu.wait_dma2 semaphore(%run_scoped3A_69 : memref<!tpu.dma_semaphore, #tpu.memory_space<semaphore_mem>>) src(%dma_wait3A_85 : memref<125x80xi32, #tpu.memory_space<hbm>>) dst(%arg10 : memref<125x80xi32, #tpu.memory_space<vmem>>)
      tpu.yield
    }) : () -> ()
    %dma_start3A = arith.constant 0 : i32
    %dma_start3A_19 = arith.constant 0 : i32
    %dma_start3A_20 = tpu.memref_slice %arg9[%dma_start3A, %dma_start3A_19] : memref<125x80xi32, #tpu.memory_space<vmem>> -> memref<1x80xi32, #tpu.memory_space<vmem>>
    %dma_start3A_21 = tpu.memref_squeeze %dma_start3A_20 : memref<1x80xi32, #tpu.memory_space<vmem>> -> memref<80xi32, #tpu.memory_space<vmem>>
    %dma_start3A_22 = arith.constant 0 : i32
    %dma_start3A_23 = arith.constant 0 : i32
    %dma_start3A_24 = tpu.memref_slice %arg17[%dma_start3A_22, %dma_start3A_23] : memref<10240x16xf32, #tpu.memory_space<vmem_shared>> -> memref<10240x16xf32, #tpu.memory_space<vmem_shared>>
    tpu.enqueue_indirect_dma source(%dma_start3A_24 : memref<10240x16xf32, #tpu.memory_space<vmem_shared>>) target(%arg11 : memref<80x16xf32, #tpu.memory_space<vmem>>) offsets(%dma_start3A_21 : memref<80xi32, #tpu.memory_space<vmem>>) semaphore(%arg19 : memref<!tpu.dma_semaphore, #tpu.memory_space<semaphore_mem>>)
    %dma_start3A_25 = arith.constant 1 : i32
    %dma_start3A_26 = arith.constant 0 : i32
    %dma_start3A_27 = tpu.memref_slice %arg9[%dma_start3A_25, %dma_start3A_26] : memref<125x80xi32, #tpu.memory_space<vmem>> -> memref<1x80xi32, #tpu.memory_space<vmem>>
    %dma_start3A_28 = tpu.memref_squeeze %dma_start3A_27 : memref<1x80xi32, #tpu.memory_space<vmem>> -> memref<80xi32, #tpu.memory_space<vmem>>
    %dma_start3A_29 = arith.constant 0 : i32
    %dma_start3A_30 = arith.constant 0 : i32
    %dma_start3A_31 = tpu.memref_slice %arg17[%dma_start3A_29, %dma_start3A_30] : memref<10240x16xf32, #tpu.memory_space<vmem_shared>> -> memref<10240x16xf32, #tpu.memory_space<vmem_shared>>
    tpu.enqueue_indirect_dma source(%dma_start3A_31 : memref<10240x16xf32, #tpu.memory_space<vmem_shared>>) target(%arg12 : memref<80x16xf32, #tpu.memory_space<vmem>>) offsets(%dma_start3A_28 : memref<80xi32, #tpu.memory_space<vmem>>) semaphore(%arg20 : memref<!tpu.dma_semaphore, #tpu.memory_space<semaphore_mem>>)
    %scan3A_32 = arith.constant 0 : i32
    %scan3A_33 = arith.constant 0 : i32
    %scan3A_34 = arith.constant 61 : i32
    %scan3A_35 = arith.addi %scan3A_33, %scan3A_34 : i32
    %scan3A_36 = arith.constant 1 : i32
    scf.for %scan3A_69 = %scan3A_33 to %scan3A_35 step %scan3A_36  : i32 {
      %mul3A_70 = arith.constant 2 : i32
      %mul3A_71 = arith.muli %mul3A_70, %scan3A_69 : i32
      %dma_wait3A_72 = arith.constant 0 : i32
      %dma_wait3A_73 = tpu.memref_slice %arg9[%mul3A_71, %dma_wait3A_72] : memref<125x80xi32, #tpu.memory_space<vmem>> -> memref<1x80xi32, #tpu.memory_space<vmem>>
      %dma_wait3A_74 = tpu.memref_squeeze %dma_wait3A_73 : memref<1x80xi32, #tpu.memory_space<vmem>> -> memref<80xi32, #tpu.memory_space<vmem>>
      %dma_wait3A_75 = arith.constant 0 : i32
      %dma_wait3A_76 = arith.constant 0 : i32
      %dma_wait3A_77 = tpu.memref_slice %arg17[%dma_wait3A_75, %dma_wait3A_76] : memref<10240x16xf32, #tpu.memory_space<vmem_shared>> -> memref<10240x16xf32, #tpu.memory_space<vmem_shared>>
      tpu.wait_indirect_dma semaphore(%arg19 : memref<!tpu.dma_semaphore, #tpu.memory_space<semaphore_mem>>) src(%dma_wait3A_77 : memref<10240x16xf32, #tpu.memory_space<vmem_shared>>) dst(%arg11 : memref<80x16xf32, #tpu.memory_space<vmem>>)
      "tpu.region"() ({
        %run_scoped3A_104 = tpu.sem_alloc : memref<!tpu.dma_semaphore, #tpu.memory_space<semaphore_mem>>
        %dma_start3A_105 = arith.constant 0 : i32
        %dma_start3A_106 = tpu.memref_slice %arg10[%mul3A_71, %dma_start3A_105] : memref<125x80xi32, #tpu.memory_space<vmem>> -> memref<1x80xi32, #tpu.memory_space<vmem>>
        %dma_start3A_107 = tpu.memref_squeeze %dma_start3A_106 : memref<1x80xi32, #tpu.memory_space<vmem>> -> memref<80xi32, #tpu.memory_space<vmem>>
        %dma_start3A_108 = arith.constant 0 : i32
        %dma_start3A_109 = arith.constant 0 : i32
        %dma_start3A_110 = tpu.memref_slice %arg18[%dma_start3A_108, %dma_start3A_109] : memref<10240x16xf32, #tpu.memory_space<vmem_shared>> -> memref<10240x16xf32, #tpu.memory_space<vmem_shared>>
        tpu.enqueue_indirect_dma source(%arg11 : memref<80x16xf32, #tpu.memory_space<vmem>>) target(%dma_start3A_110 : memref<10240x16xf32, #tpu.memory_space<vmem_shared>>) offsets(%dma_start3A_107 : memref<80xi32, #tpu.memory_space<vmem>>) semaphore(%run_scoped3A_104 : memref<!tpu.dma_semaphore, #tpu.memory_space<semaphore_mem>>) {add = true}
        %dma_wait3A_111 = arith.constant 0 : i32
        %dma_wait3A_112 = tpu.memref_slice %arg10[%mul3A_71, %dma_wait3A_111] : memref<125x80xi32, #tpu.memory_space<vmem>> -> memref<1x80xi32, #tpu.memory_space<vmem>>
        %dma_wait3A_113 = tpu.memref_squeeze %dma_wait3A_112 : memref<1x80xi32, #tpu.memory_space<vmem>> -> memref<80xi32, #tpu.memory_space<vmem>>
        %dma_wait3A_114 = arith.constant 0 : i32
        %dma_wait3A_115 = arith.constant 0 : i32
        %dma_wait3A_116 = tpu.memref_slice %arg18[%dma_wait3A_114, %dma_wait3A_115] : memref<10240x16xf32, #tpu.memory_space<vmem_shared>> -> memref<10240x16xf32, #tpu.memory_space<vmem_shared>>
        tpu.wait_indirect_dma semaphore(%run_scoped3A_104 : memref<!tpu.dma_semaphore, #tpu.memory_space<semaphore_mem>>) src(%arg11 : memref<80x16xf32, #tpu.memory_space<vmem>>) dst(%dma_wait3A_116 : memref<10240x16xf32, #tpu.memory_space<vmem_shared>>)
        tpu.yield
      }) : () -> ()
      %add3A_78 = arith.constant 2 : i32
      %add3A_79 = arith.addi %mul3A_71, %add3A_78 : i32
      %dma_start3A_80 = arith.constant 0 : i32
      %dma_start3A_81 = tpu.memref_slice %arg9[%add3A_79, %dma_start3A_80] : memref<125x80xi32, #tpu.memory_space<vmem>> -> memref<1x80xi32, #tpu.memory_space<vmem>>
      %dma_start3A_82 = tpu.memref_squeeze %dma_start3A_81 : memref<1x80xi32, #tpu.memory_space<vmem>> -> memref<80xi32, #tpu.memory_space<vmem>>
      %dma_start3A_83 = arith.constant 0 : i32
      %dma_start3A_84 = arith.constant 0 : i32
      %dma_start3A_85 = tpu.memref_slice %arg17[%dma_start3A_83, %dma_start3A_84] : memref<10240x16xf32, #tpu.memory_space<vmem_shared>> -> memref<10240x16xf32, #tpu.memory_space<vmem_shared>>
      tpu.enqueue_indirect_dma source(%dma_start3A_85 : memref<10240x16xf32, #tpu.memory_space<vmem_shared>>) target(%arg11 : memref<80x16xf32, #tpu.memory_space<vmem>>) offsets(%dma_start3A_82 : memref<80xi32, #tpu.memory_space<vmem>>) semaphore(%arg19 : memref<!tpu.dma_semaphore, #tpu.memory_space<semaphore_mem>>)
      %add3A_86 = arith.constant 1 : i32
      %add3A_87 = arith.addi %mul3A_71, %add3A_86 : i32
      %dma_wait3A_88 = arith.constant 0 : i32
      %dma_wait3A_89 = tpu.memref_slice %arg9[%add3A_87, %dma_wait3A_88] : memref<125x80xi32, #tpu.memory_space<vmem>> -> memref<1x80xi32, #tpu.memory_space<vmem>>
      %dma_wait3A_90 = tpu.memref_squeeze %dma_wait3A_89 : memref<1x80xi32, #tpu.memory_space<vmem>> -> memref<80xi32, #tpu.memory_space<vmem>>
      %dma_wait3A_91 = arith.constant 0 : i32
      %dma_wait3A_92 = arith.constant 0 : i32
      %dma_wait3A_93 = tpu.memref_slice %arg17[%dma_wait3A_91, %dma_wait3A_92] : memref<10240x16xf32, #tpu.memory_space<vmem_shared>> -> memref<10240x16xf32, #tpu.memory_space<vmem_shared>>
      tpu.wait_indirect_dma semaphore(%arg20 : memref<!tpu.dma_semaphore, #tpu.memory_space<semaphore_mem>>) src(%dma_wait3A_93 : memref<10240x16xf32, #tpu.memory_space<vmem_shared>>) dst(%arg12 : memref<80x16xf32, #tpu.memory_space<vmem>>)
      %add3A_94 = arith.constant 1 : i32
      %add3A_95 = arith.addi %mul3A_71, %add3A_94 : i32
      "tpu.region"() ({
        %run_scoped3A_104 = tpu.sem_alloc : memref<!tpu.dma_semaphore, #tpu.memory_space<semaphore_mem>>
        %dma_start3A_105 = arith.constant 0 : i32
        %dma_start3A_106 = tpu.memref_slice %arg10[%add3A_95, %dma_start3A_105] : memref<125x80xi32, #tpu.memory_space<vmem>> -> memref<1x80xi32, #tpu.memory_space<vmem>>
        %dma_start3A_107 = tpu.memref_squeeze %dma_start3A_106 : memref<1x80xi32, #tpu.memory_space<vmem>> -> memref<80xi32, #tpu.memory_space<vmem>>
        %dma_start3A_108 = arith.constant 0 : i32
        %dma_start3A_109 = arith.constant 0 : i32
        %dma_start3A_110 = tpu.memref_slice %arg18[%dma_start3A_108, %dma_start3A_109] : memref<10240x16xf32, #tpu.memory_space<vmem_shared>> -> memref<10240x16xf32, #tpu.memory_space<vmem_shared>>
        tpu.enqueue_indirect_dma source(%arg12 : memref<80x16xf32, #tpu.memory_space<vmem>>) target(%dma_start3A_110 : memref<10240x16xf32, #tpu.memory_space<vmem_shared>>) offsets(%dma_start3A_107 : memref<80xi32, #tpu.memory_space<vmem>>) semaphore(%run_scoped3A_104 : memref<!tpu.dma_semaphore, #tpu.memory_space<semaphore_mem>>) {add = true}
        %dma_wait3A_111 = arith.constant 0 : i32
        %dma_wait3A_112 = tpu.memref_slice %arg10[%add3A_95, %dma_wait3A_111] : memref<125x80xi32, #tpu.memory_space<vmem>> -> memref<1x80xi32, #tpu.memory_space<vmem>>
        %dma_wait3A_113 = tpu.memref_squeeze %dma_wait3A_112 : memref<1x80xi32, #tpu.memory_space<vmem>> -> memref<80xi32, #tpu.memory_space<vmem>>
        %dma_wait3A_114 = arith.constant 0 : i32
        %dma_wait3A_115 = arith.constant 0 : i32
        %dma_wait3A_116 = tpu.memref_slice %arg18[%dma_wait3A_114, %dma_wait3A_115] : memref<10240x16xf32, #tpu.memory_space<vmem_shared>> -> memref<10240x16xf32, #tpu.memory_space<vmem_shared>>
        tpu.wait_indirect_dma semaphore(%run_scoped3A_104 : memref<!tpu.dma_semaphore, #tpu.memory_space<semaphore_mem>>) src(%arg12 : memref<80x16xf32, #tpu.memory_space<vmem>>) dst(%dma_wait3A_116 : memref<10240x16xf32, #tpu.memory_space<vmem_shared>>)
        tpu.yield
      }) : () -> ()
      %add3A_96 = arith.constant 3 : i32
      %add3A_97 = arith.addi %mul3A_71, %add3A_96 : i32
      %dma_start3A_98 = arith.constant 0 : i32
      %dma_start3A_99 = tpu.memref_slice %arg9[%add3A_97, %dma_start3A_98] : memref<125x80xi32, #tpu.memory_space<vmem>> -> memref<1x80xi32, #tpu.memory_space<vmem>>
      %dma_start3A_100 = tpu.memref_squeeze %dma_start3A_99 : memref<1x80xi32, #tpu.memory_space<vmem>> -> memref<80xi32, #tpu.memory_space<vmem>>
      %dma_start3A_101 = arith.constant 0 : i32
      %dma_start3A_102 = arith.constant 0 : i32
      %dma_start3A_103 = tpu.memref_slice %arg17[%dma_start3A_101, %dma_start3A_102] : memref<10240x16xf32, #tpu.memory_space<vmem_shared>> -> memref<10240x16xf32, #tpu.memory_space<vmem_shared>>
      tpu.enqueue_indirect_dma source(%dma_start3A_103 : memref<10240x16xf32, #tpu.memory_space<vmem_shared>>) target(%arg12 : memref<80x16xf32, #tpu.memory_space<vmem>>) offsets(%dma_start3A_100 : memref<80xi32, #tpu.memory_space<vmem>>) semaphore(%arg20 : memref<!tpu.dma_semaphore, #tpu.memory_space<semaphore_mem>>)
    }
    %scan3A_37 = arith.constant 61 : i32
    %dma_wait3A = arith.constant 122 : i32
    %dma_wait3A_38 = arith.constant 0 : i32
    %dma_wait3A_39 = tpu.memref_slice %arg9[%dma_wait3A, %dma_wait3A_38] : memref<125x80xi32, #tpu.memory_space<vmem>> -> memref<1x80xi32, #tpu.memory_space<vmem>>
    %dma_wait3A_40 = tpu.memref_squeeze %dma_wait3A_39 : memref<1x80xi32, #tpu.memory_space<vmem>> -> memref<80xi32, #tpu.memory_space<vmem>>
    %dma_wait3A_41 = arith.constant 0 : i32
    %dma_wait3A_42 = arith.constant 0 : i32
    %dma_wait3A_43 = tpu.memref_slice %arg17[%dma_wait3A_41, %dma_wait3A_42] : memref<10240x16xf32, #tpu.memory_space<vmem_shared>> -> memref<10240x16xf32, #tpu.memory_space<vmem_shared>>
    tpu.wait_indirect_dma semaphore(%arg19 : memref<!tpu.dma_semaphore, #tpu.memory_space<semaphore_mem>>) src(%dma_wait3A_43 : memref<10240x16xf32, #tpu.memory_space<vmem_shared>>) dst(%arg11 : memref<80x16xf32, #tpu.memory_space<vmem>>)
    %run_scoped3A_44 = arith.constant 122 : i32
    "tpu.region"() ({
      %run_scoped3A_69 = tpu.sem_alloc : memref<!tpu.dma_semaphore, #tpu.memory_space<semaphore_mem>>
      %dma_start3A_70 = arith.constant 0 : i32
      %dma_start3A_71 = tpu.memref_slice %arg10[%run_scoped3A_44, %dma_start3A_70] : memref<125x80xi32, #tpu.memory_space<vmem>> -> memref<1x80xi32, #tpu.memory_space<vmem>>
      %dma_start3A_72 = tpu.memref_squeeze %dma_start3A_71 : memref<1x80xi32, #tpu.memory_space<vmem>> -> memref<80xi32, #tpu.memory_space<vmem>>
      %dma_start3A_73 = arith.constant 0 : i32
      %dma_start3A_74 = arith.constant 0 : i32
      %dma_start3A_75 = tpu.memref_slice %arg18[%dma_start3A_73, %dma_start3A_74] : memref<10240x16xf32, #tpu.memory_space<vmem_shared>> -> memref<10240x16xf32, #tpu.memory_space<vmem_shared>>
      tpu.enqueue_indirect_dma source(%arg11 : memref<80x16xf32, #tpu.memory_space<vmem>>) target(%dma_start3A_75 : memref<10240x16xf32, #tpu.memory_space<vmem_shared>>) offsets(%dma_start3A_72 : memref<80xi32, #tpu.memory_space<vmem>>) semaphore(%run_scoped3A_69 : memref<!tpu.dma_semaphore, #tpu.memory_space<semaphore_mem>>) {add = true}
      %dma_wait3A_76 = arith.constant 0 : i32
      %dma_wait3A_77 = tpu.memref_slice %arg10[%run_scoped3A_44, %dma_wait3A_76] : memref<125x80xi32, #tpu.memory_space<vmem>> -> memref<1x80xi32, #tpu.memory_space<vmem>>
      %dma_wait3A_78 = tpu.memref_squeeze %dma_wait3A_77 : memref<1x80xi32, #tpu.memory_space<vmem>> -> memref<80xi32, #tpu.memory_space<vmem>>
      %dma_wait3A_79 = arith.constant 0 : i32
      %dma_wait3A_80 = arith.constant 0 : i32
      %dma_wait3A_81 = tpu.memref_slice %arg18[%dma_wait3A_79, %dma_wait3A_80] : memref<10240x16xf32, #tpu.memory_space<vmem_shared>> -> memref<10240x16xf32, #tpu.memory_space<vmem_shared>>
      tpu.wait_indirect_dma semaphore(%run_scoped3A_69 : memref<!tpu.dma_semaphore, #tpu.memory_space<semaphore_mem>>) src(%arg11 : memref<80x16xf32, #tpu.memory_space<vmem>>) dst(%dma_wait3A_81 : memref<10240x16xf32, #tpu.memory_space<vmem_shared>>)
      tpu.yield
    }) : () -> ()
    %dma_wait3A_45 = arith.constant 123 : i32
    %dma_wait3A_46 = arith.constant 0 : i32
    %dma_wait3A_47 = tpu.memref_slice %arg9[%dma_wait3A_45, %dma_wait3A_46] : memref<125x80xi32, #tpu.memory_space<vmem>> -> memref<1x80xi32, #tpu.memory_space<vmem>>
    %dma_wait3A_48 = tpu.memref_squeeze %dma_wait3A_47 : memref<1x80xi32, #tpu.memory_space<vmem>> -> memref<80xi32, #tpu.memory_space<vmem>>
    %dma_wait3A_49 = arith.constant 0 : i32
    %dma_wait3A_50 = arith.constant 0 : i32
    %dma_wait3A_51 = tpu.memref_slice %arg17[%dma_wait3A_49, %dma_wait3A_50] : memref<10240x16xf32, #tpu.memory_space<vmem_shared>> -> memref<10240x16xf32, #tpu.memory_space<vmem_shared>>
    tpu.wait_indirect_dma semaphore(%arg20 : memref<!tpu.dma_semaphore, #tpu.memory_space<semaphore_mem>>) src(%dma_wait3A_51 : memref<10240x16xf32, #tpu.memory_space<vmem_shared>>) dst(%arg12 : memref<80x16xf32, #tpu.memory_space<vmem>>)
    %run_scoped3A_52 = arith.constant 123 : i32
    "tpu.region"() ({
      %run_scoped3A_69 = tpu.sem_alloc : memref<!tpu.dma_semaphore, #tpu.memory_space<semaphore_mem>>
      %dma_start3A_70 = arith.constant 0 : i32
      %dma_start3A_71 = tpu.memref_slice %arg10[%run_scoped3A_52, %dma_start3A_70] : memref<125x80xi32, #tpu.memory_space<vmem>> -> memref<1x80xi32, #tpu.memory_space<vmem>>
      %dma_start3A_72 = tpu.memref_squeeze %dma_start3A_71 : memref<1x80xi32, #tpu.memory_space<vmem>> -> memref<80xi32, #tpu.memory_space<vmem>>
      %dma_start3A_73 = arith.constant 0 : i32
      %dma_start3A_74 = arith.constant 0 : i32
      %dma_start3A_75 = tpu.memref_slice %arg18[%dma_start3A_73, %dma_start3A_74] : memref<10240x16xf32, #tpu.memory_space<vmem_shared>> -> memref<10240x16xf32, #tpu.memory_space<vmem_shared>>
      tpu.enqueue_indirect_dma source(%arg12 : memref<80x16xf32, #tpu.memory_space<vmem>>) target(%dma_start3A_75 : memref<10240x16xf32, #tpu.memory_space<vmem_shared>>) offsets(%dma_start3A_72 : memref<80xi32, #tpu.memory_space<vmem>>) semaphore(%run_scoped3A_69 : memref<!tpu.dma_semaphore, #tpu.memory_space<semaphore_mem>>) {add = true}
      %dma_wait3A_76 = arith.constant 0 : i32
      %dma_wait3A_77 = tpu.memref_slice %arg10[%run_scoped3A_52, %dma_wait3A_76] : memref<125x80xi32, #tpu.memory_space<vmem>> -> memref<1x80xi32, #tpu.memory_space<vmem>>
      %dma_wait3A_78 = tpu.memref_squeeze %dma_wait3A_77 : memref<1x80xi32, #tpu.memory_space<vmem>> -> memref<80xi32, #tpu.memory_space<vmem>>
      %dma_wait3A_79 = arith.constant 0 : i32
      %dma_wait3A_80 = arith.constant 0 : i32
      %dma_wait3A_81 = tpu.memref_slice %arg18[%dma_wait3A_79, %dma_wait3A_80] : memref<10240x16xf32, #tpu.memory_space<vmem_shared>> -> memref<10240x16xf32, #tpu.memory_space<vmem_shared>>
      tpu.wait_indirect_dma semaphore(%run_scoped3A_69 : memref<!tpu.dma_semaphore, #tpu.memory_space<semaphore_mem>>) src(%arg12 : memref<80x16xf32, #tpu.memory_space<vmem>>) dst(%dma_wait3A_81 : memref<10240x16xf32, #tpu.memory_space<vmem_shared>>)
      tpu.yield
    }) : () -> ()
    %dma_start3A_53 = arith.constant 124 : i32
    %dma_start3A_54 = arith.constant 0 : i32
    %dma_start3A_55 = tpu.memref_slice %arg9[%dma_start3A_53, %dma_start3A_54] : memref<125x80xi32, #tpu.memory_space<vmem>> -> memref<1x80xi32, #tpu.memory_space<vmem>>
    %dma_start3A_56 = tpu.memref_squeeze %dma_start3A_55 : memref<1x80xi32, #tpu.memory_space<vmem>> -> memref<80xi32, #tpu.memory_space<vmem>>
    %dma_start3A_57 = arith.constant 0 : i32
    %dma_start3A_58 = arith.constant 0 : i32
    %dma_start3A_59 = tpu.memref_slice %arg17[%dma_start3A_57, %dma_start3A_58] : memref<10240x16xf32, #tpu.memory_space<vmem_shared>> -> memref<10240x16xf32, #tpu.memory_space<vmem_shared>>
    tpu.enqueue_indirect_dma source(%dma_start3A_59 : memref<10240x16xf32, #tpu.memory_space<vmem_shared>>) target(%arg11 : memref<80x16xf32, #tpu.memory_space<vmem>>) offsets(%dma_start3A_56 : memref<80xi32, #tpu.memory_space<vmem>>) semaphore(%arg19 : memref<!tpu.dma_semaphore, #tpu.memory_space<semaphore_mem>>)
    %dma_wait3A_60 = arith.constant 124 : i32
    %dma_wait3A_61 = arith.constant 0 : i32
    %dma_wait3A_62 = tpu.memref_slice %arg9[%dma_wait3A_60, %dma_wait3A_61] : memref<125x80xi32, #tpu.memory_space<vmem>> -> memref<1x80xi32, #tpu.memory_space<vmem>>
    %dma_wait3A_63 = tpu.memref_squeeze %dma_wait3A_62 : memref<1x80xi32, #tpu.memory_space<vmem>> -> memref<80xi32, #tpu.memory_space<vmem>>
    %dma_wait3A_64 = arith.constant 0 : i32
    %dma_wait3A_65 = arith.constant 0 : i32
    %dma_wait3A_66 = tpu.memref_slice %arg17[%dma_wait3A_64, %dma_wait3A_65] : memref<10240x16xf32, #tpu.memory_space<vmem_shared>> -> memref<10240x16xf32, #tpu.memory_space<vmem_shared>>
    tpu.wait_indirect_dma semaphore(%arg19 : memref<!tpu.dma_semaphore, #tpu.memory_space<semaphore_mem>>) src(%dma_wait3A_66 : memref<10240x16xf32, #tpu.memory_space<vmem_shared>>) dst(%arg11 : memref<80x16xf32, #tpu.memory_space<vmem>>)
    %run_scoped3A_67 = arith.constant 124 : i32
    "tpu.region"() ({
      %run_scoped3A_69 = tpu.sem_alloc : memref<!tpu.dma_semaphore, #tpu.memory_space<semaphore_mem>>
      %dma_start3A_70 = arith.constant 0 : i32
      %dma_start3A_71 = tpu.memref_slice %arg10[%run_scoped3A_67, %dma_start3A_70] : memref<125x80xi32, #tpu.memory_space<vmem>> -> memref<1x80xi32, #tpu.memory_space<vmem>>
      %dma_start3A_72 = tpu.memref_squeeze %dma_start3A_71 : memref<1x80xi32, #tpu.memory_space<vmem>> -> memref<80xi32, #tpu.memory_space<vmem>>
      %dma_start3A_73 = arith.constant 0 : i32
      %dma_start3A_74 = arith.constant 0 : i32
      %dma_start3A_75 = tpu.memref_slice %arg18[%dma_start3A_73, %dma_start3A_74] : memref<10240x16xf32, #tpu.memory_space<vmem_shared>> -> memref<10240x16xf32, #tpu.memory_space<vmem_shared>>
      tpu.enqueue_indirect_dma source(%arg11 : memref<80x16xf32, #tpu.memory_space<vmem>>) target(%dma_start3A_75 : memref<10240x16xf32, #tpu.memory_space<vmem_shared>>) offsets(%dma_start3A_72 : memref<80xi32, #tpu.memory_space<vmem>>) semaphore(%run_scoped3A_69 : memref<!tpu.dma_semaphore, #tpu.memory_space<semaphore_mem>>) {add = true}
      %dma_wait3A_76 = arith.constant 0 : i32
      %dma_wait3A_77 = tpu.memref_slice %arg10[%run_scoped3A_67, %dma_wait3A_76] : memref<125x80xi32, #tpu.memory_space<vmem>> -> memref<1x80xi32, #tpu.memory_space<vmem>>
      %dma_wait3A_78 = tpu.memref_squeeze %dma_wait3A_77 : memref<1x80xi32, #tpu.memory_space<vmem>> -> memref<80xi32, #tpu.memory_space<vmem>>
      %dma_wait3A_79 = arith.constant 0 : i32
      %dma_wait3A_80 = arith.constant 0 : i32
      %dma_wait3A_81 = tpu.memref_slice %arg18[%dma_wait3A_79, %dma_wait3A_80] : memref<10240x16xf32, #tpu.memory_space<vmem_shared>> -> memref<10240x16xf32, #tpu.memory_space<vmem_shared>>
      tpu.wait_indirect_dma semaphore(%run_scoped3A_69 : memref<!tpu.dma_semaphore, #tpu.memory_space<semaphore_mem>>) src(%arg11 : memref<80x16xf32, #tpu.memory_space<vmem>>) dst(%dma_wait3A_81 : memref<10240x16xf32, #tpu.memory_space<vmem_shared>>)
      tpu.yield
    }) : () -> ()
    %barrier3A_68 = arith.constant 0 : index
    tpu.barrier barrier_id(%barrier3A_68)
    "tpu.region"() ({
      %run_scoped3A_69 = tpu.sem_alloc : memref<!tpu.dma_semaphore, #tpu.memory_space<semaphore_mem>>
      %dma_start3A_70 = arith.constant 0 : i32
      %dma_start3A_71 = tpu.memref_slice %arg6[%arg0, %mul3A_2, %dma_start3A_70] : memref<2x10240x16xf32, #tpu.memory_space<hbm>> -> memref<1x640x16xf32, #tpu.memory_space<hbm>>
      %dma_start3A_72 = tpu.memref_squeeze %dma_start3A_71 : memref<1x640x16xf32, #tpu.memory_space<hbm>> -> memref<640x16xf32, #tpu.memory_space<hbm>>
      %dma_start3A_73 = arith.constant 0 : i32
      %dma_start3A_74 = tpu.memref_slice %arg18[%mul3A_2, %dma_start3A_73] : memref<10240x16xf32, #tpu.memory_space<vmem_shared>> -> memref<640x16xf32, #tpu.memory_space<vmem_shared>>
      tpu.enqueue_dma source(%dma_start3A_74 : memref<640x16xf32, #tpu.memory_space<vmem_shared>>) target(%dma_start3A_72 : memref<640x16xf32, #tpu.memory_space<hbm>>) target_semaphore(%run_scoped3A_69 : memref<!tpu.dma_semaphore, #tpu.memory_space<semaphore_mem>>)
      %dma_wait3A_75 = arith.constant 0 : i32
      %dma_wait3A_76 = tpu.memref_slice %arg6[%arg0, %mul3A_2, %dma_wait3A_75] : memref<2x10240x16xf32, #tpu.memory_space<hbm>> -> memref<1x640x16xf32, #tpu.memory_space<hbm>>
      %dma_wait3A_77 = tpu.memref_squeeze %dma_wait3A_76 : memref<1x640x16xf32, #tpu.memory_space<hbm>> -> memref<640x16xf32, #tpu.memory_space<hbm>>
      %dma_wait3A_78 = arith.constant 0 : i32
      %dma_wait3A_79 = tpu.memref_slice %arg18[%mul3A_2, %dma_wait3A_78] : memref<10240x16xf32, #tpu.memory_space<vmem_shared>> -> memref<640x16xf32, #tpu.memory_space<vmem_shared>>
      tpu.wait_dma2 semaphore(%run_scoped3A_69 : memref<!tpu.dma_semaphore, #tpu.memory_space<semaphore_mem>>) src(%dma_wait3A_79 : memref<640x16xf32, #tpu.memory_space<vmem_shared>>) dst(%dma_wait3A_77 : memref<640x16xf32, #tpu.memory_space<hbm>>)
      tpu.yield
    }) : () -> ()
    return
  }
}

module attributes {stable_mosaic.version = 14 : i64} {
  func.func @_mm1_body(%arg0: memref<10000x128xf32, #tpu.memory_space<vmem>>, %arg1: memref<128x16xf32, #tpu.memory_space<vmem>>, %arg2: memref<10240x16xf32, #tpu.memory_space<vmem>>) attributes {dimension_semantics = [], scalar_prefetch = 0 : i64, scratch_operands = 0 : i64, tpu.core_type = #tpu.core_type<tc>} {
    %get3A = arith.constant 0 : index
    %get3A_0 = arith.constant 0 : index
    %get3A_1 = vector.load %arg0[%get3A, %get3A_0] : memref<10000x128xf32, #tpu.memory_space<vmem>>, vector<10000x128xf32>
    %get3A_2 = arith.constant 0 : index
    %get3A_3 = arith.constant 0 : index
    %get3A_4 = vector.load %arg1[%get3A_2, %get3A_3] : memref<128x16xf32, #tpu.memory_space<vmem>>, vector<128x16xf32>
    %dot_general3A = arith.constant dense<0.000000e+00> : vector<10000x16xf32>
    %dot_general3A_5 = tpu.matmul %get3A_1, %get3A_4, %dot_general3A {dimension_numbers = #tpu.dot_dimension_numbers<[1], [0], [0], [1], [0, 0, 1, 1], [], []>, transpose_lhs_hint = false} : vector<10000x128xf32>, vector<128x16xf32>, vector<10000x16xf32> -> vector<10000x16xf32>
    %swap3A = arith.constant 0 : index
    %swap3A_6 = arith.constant 0 : index
    %swap3A_7 = vector.load %arg2[%swap3A, %swap3A_6] : memref<10240x16xf32, #tpu.memory_space<vmem>>, vector<10000x16xf32>
    tpu.vector_store %arg2[%swap3A, %swap3A_6], %dot_general3A_5 {strides = array<i32>} : memref<10240x16xf32, #tpu.memory_space<vmem>>, vector<10000x16xf32>,
    %broadcast_in_dim3A = arith.constant 0.000000e+00 : f32
    %broadcast_in_dim3A_8 = vector.broadcast %broadcast_in_dim3A : f32 to vector<240x16xf32>
    %swap3A_9 = arith.constant 10000 : index
    %swap3A_10 = arith.constant 0 : index
    %swap3A_11 = vector.load %arg2[%swap3A_9, %swap3A_10] : memref<10240x16xf32, #tpu.memory_space<vmem>>, vector<240x16xf32>
    tpu.vector_store %arg2[%swap3A_9, %swap3A_10], %broadcast_in_dim3A_8 {strides = array<i32>} : memref<10240x16xf32, #tpu.memory_space<vmem>>, vector<240x16xf32>,
    return
  }
}

module attributes {stable_mosaic.version = 14 : i64} {
  func.func @_fin_body(%arg0: memref<2x10240x16xf32, #tpu.memory_space<vmem>>, %arg1: memref<10240x16xf32, #tpu.memory_space<vmem>>, %arg2: memref<10240x1xf32, #tpu.memory_space<vmem>>, %arg3: memref<16x128xf32, #tpu.memory_space<vmem>>, %arg4: memref<1x128xf32, #tpu.memory_space<vmem>>, %arg5: memref<10000x128xf32, #tpu.memory_space<vmem>>) attributes {dimension_semantics = [], scalar_prefetch = 0 : i64, scratch_operands = 0 : i64, tpu.core_type = #tpu.core_type<tc>} {
    %get3A = arith.constant 0 : index
    %get3A_0 = arith.constant 0 : index
    %get3A_1 = vector.load %arg2[%get3A, %get3A_0] : memref<10240x1xf32, #tpu.memory_space<vmem>>, vector<10000x1xf32>
    %get3A_2 = arith.constant 0 : index
    %get3A_3 = arith.constant 0 : index
    %get3A_4 = arith.constant 0 : index
    %get3A_5 = vector.load %arg0[%get3A_2, %get3A_3, %get3A_4] : memref<2x10240x16xf32, #tpu.memory_space<vmem>>, vector<1x10000x16xf32>
    %get3A_6 = vector.shape_cast %get3A_5 : vector<1x10000x16xf32> to vector<10000x16xf32>
    %get3A_7 = arith.constant 1 : index
    %get3A_8 = arith.constant 0 : index
    %get3A_9 = arith.constant 0 : index
    %get3A_10 = vector.load %arg0[%get3A_7, %get3A_8, %get3A_9] : memref<2x10240x16xf32, #tpu.memory_space<vmem>>, vector<1x10000x16xf32>
    %get3A_11 = vector.shape_cast %get3A_10 : vector<1x10000x16xf32> to vector<10000x16xf32>
    %add3A = arith.addf %get3A_6, %get3A_11 : vector<10000x16xf32>
    %get3A_12 = arith.constant 0 : index
    %get3A_13 = arith.constant 0 : index
    %get3A_14 = vector.load %arg1[%get3A_12, %get3A_13] : memref<10240x16xf32, #tpu.memory_space<vmem>>, vector<10000x16xf32>
    %add3A_15 = arith.addf %add3A, %get3A_14 : vector<10000x16xf32>
    %mul3A = vector.broadcast %get3A_1 : vector<10000x1xf32> to vector<10000x16xf32>
    %mul3A_16 = arith.mulf %mul3A, %add3A_15 : vector<10000x16xf32>
    %get3A_17 = arith.constant 0 : index
    %get3A_18 = arith.constant 0 : index
    %get3A_19 = vector.load %arg3[%get3A_17, %get3A_18] : memref<16x128xf32, #tpu.memory_space<vmem>>, vector<16x128xf32>
    %dot_general3A = arith.constant dense<0.000000e+00> : vector<10000x128xf32>
    %dot_general3A_20 = tpu.matmul %mul3A_16, %get3A_19, %dot_general3A {dimension_numbers = #tpu.dot_dimension_numbers<[1], [0], [0], [1], [0, 0, 1, 1], [], []>, transpose_lhs_hint = false} : vector<10000x16xf32>, vector<16x128xf32>, vector<10000x128xf32> -> vector<10000x128xf32>
    %get3A_21 = arith.constant 0 : index
    %get3A_22 = arith.constant 0 : index
    %get3A_23 = vector.load %arg4[%get3A_21, %get3A_22] : memref<1x128xf32, #tpu.memory_space<vmem>>, vector<1x128xf32>
    %add3A_24 = vector.broadcast %get3A_23 : vector<1x128xf32> to vector<10000x128xf32>
    %add3A_25 = arith.addf %dot_general3A_20, %add3A_24 : vector<10000x128xf32>
    %swap3A = arith.constant 0 : index
    %swap3A_26 = arith.constant 0 : index
    %swap3A_27 = vector.load %arg5[%swap3A, %swap3A_26] : memref<10000x128xf32, #tpu.memory_space<vmem>>, vector<10000x128xf32>
    tpu.vector_store %arg5[%swap3A, %swap3A_26], %add3A_25 {strides = array<i32>} : memref<10000x128xf32, #tpu.memory_space<vmem>>, vector<10000x128xf32>,
    return
  }
}

</mosaic_0001>

<sc_bundles>
// kernel: kernel.10.cloned.1.call-start
scs
__scs_entry_jumppad:
0x0: {  	(pc) =	sbr.rel $0x88, $3  }
0x1: {  	(tag) =	ssettag $0x0;
	lr =	simm.s32 $0x1  }
0x2: {  	[smem:$0x3F9B] =	sst lr;
	_ =	strace $0xD0000000  }
0x3: {  	_ = 	snop  }
0x4: {  	_ = 	snop  }
0x5: {  	_ = 	snop  }
0x6: {  	_ = 	snop  }
0x7: {  	_ = 	snop  }
__scs_overlays_trampoline_lowered:
0x8: {  	[smem:$0x3FAA] =	sst s0  }
0x9: {  	[smem:$0x3FAB] =	sst s1  }
0xa: {  	[smem:$0x3FAC] =	sst s2  }
0xb: {  	[smem:$0x3FAD] =	sst s3  }
0xc: {  	[smem:$0x3FAE] =	sst s4  }
0xd: {  	[smem:$0x3FAF] =	sst s5  }
0xe: {  	[smem:$0x3FB0] =	sst s6  }
0xf: {  	[smem:$0x3FB1] =	sst s7  }
0x10: {  	[smem:$0x3FB2] =	sst s8  }
0x11: {  	[smem:$0x3FB3] =	sst s9;
	s0 =	simm.s32 @!p0 $0x0  }
0x12: {  	s1 =	sld [smem:$0x3F99];
	s0 =	simm.s32 @p0 $0x1  }
0x13: {  	[smem:$0x3FB4] =	sst s0;
	s0 =	simm.s32 @!p1 $0x0  }
0x14: {  	s2 =	sld [smem:$0x3F98];
	s0 =	simm.s32 @p1 $0x1  }
0x15: {  	[smem:$0x3FB5] =	sst s0;
	s0 =	simm.s32 @!p2 $0x0  }
0x16: {  	s3 =	sld [smem:$0x3FDB];
	s0 =	simm.s32 @p2 $0x1  }
0x17: {  	s4 =	simm.s32 $0x1BF5;
	[smem:$0x3FB7] =	sst s0  }
0x18: {  	s0 =	sld [smem:$0x3F9A];
	_ =	swait.ge [sflag:s4], $0x0  }
0x19: {  	s7 =	sld [smem:$0x3F9B]  }
0x1a: {  	s8 =	sadd.s32 $0xFFFFE003, lr  }
0x1b: {  	s9 =	sadd.s32 $0xFFFFFEF7, lr;
	s5 =	simm.s32 $0xFFFFFFFF;
	p2 =	slt.u32 s8, $0xFFFFF086  }
0x1c: {  	p1 =	slt.u32 s9, $0xF7A;
	s5 =	simm.s32 @!p2 $0x0  }
0x1d: {  	s5 =	simm.s32 @p1 $0x1;
	p0 =	seq.s32 s7, s2  }
0x1e: {  	s7 =	smul.u32 @!p0 $0xF7A, s2;
	p2 =	seq.s32 @!p0 s5, $0x0  }
0x1f: {  	s9 =	smul.u32 $0xF7A, s1;
	s8 =	simm.s32 @!p0 $0x1BF5;
	p2 =	por !p2, p0  }
0x20: {  	[sflag:s8] =	ssyncset.s32 @!p0 $0xFFFFF086;
	s6 =	sadd.s32 @!p0 s3, s7;
	s7 =	simm.s32 @!p0 $0x108  }
0x21: {  	s3 =	sadd.s32 s3, s9;
	s6 =	sadd.s32 @!p0 $0x88, s6;
	s7 =	simm.s32 @p2 $0x1082  }
0x22: {  	[simem:s7], [sflag:s8] =	dma.local @!p0 [hbm:s6], $0xF7A  }
0x23: {  	s9 =	sor.u32 $0xD0000000, s2;
	s6 =	simm.s32 $0x108;
	_ =	swait.ge @!p0 [sflag:s8], $0x0  }
0x24: {  	s3 =	sadd.s32 $0x88, s3;
	s6 =	simm.s32 @!p1 $0x1082;
	[sflag:s4] =	ssyncset.s32 $0xFFFFF086  }
0x25: {  	[simem:s6], [sflag:s4] =	dma.local [hbm:s3], $0xF7A  }
0x26: {  	[smem:$0x3F9B] =	sst s1;
	(tag) =	ssettag s2;
	_ =	strace s9  }
0x27: {  	s1 =	sld [smem:$0x3FAB]  }
0x28: {  	s2 =	sld [smem:$0x3FAC]  }
0x29: {  	s4 =	sld [smem:$0x3FAE]  }
0x2a: {  	p0 =	seq.s32 s5, $0x0;
	s5 =	sld [smem:$0x3FAF]  }
0x2b: {  	s6 =	sld [smem:$0x3FB0]  }
0x2c: {  	s7 =	sld [smem:$0x3FB1]  }
0x2d: {  	s3 =	simm.s32 $0x108;
	s8 =	sld [smem:$0x3FB2]  }
0x2e: {  	s3 =	simm.s32 @!p0 $0x1082;
	s9 =	sld [smem:$0x3FB3]  }
0x2f: {  	lr =	sadd.s32 s0, s3;
	s0 =	sld [smem:$0x3FAA]  }
0x30: {  	s3 =	sld [smem:$0x3FAD]  }
0x31: {  	[smem:$0x3FB6] =	sst s10  }
0x32: {  	s10 =	sld [smem:$0x3FB4];
	_ =	sdelay $0x3  }
0x33: {  	p0 =	seq.s32 s10, $0x1;
	s10 =	sld [smem:$0x3FB6];
	_ =	sdelay $0x3  }
0x34: {  	[smem:$0x3FB6] =	sst s10  }
0x35: {  	s10 =	sld [smem:$0x3FB5];
	_ =	sdelay $0x3  }
0x36: {  	p1 =	seq.s32 s10, $0x1;
	s10 =	sld [smem:$0x3FB6];
	_ =	sdelay $0x3  }
0x37: {  	[smem:$0x3FB6] =	sst s10  }
0x38: {  	s10 =	sld [smem:$0x3FB7]  }
0x39: {  	_ = 	snop;
	(pc) =	sbr.ind lr, $3  }
0x3a: {  	_ = 	snop  }
0x3b: {  	_ = 	snop  }
0x3c: {  	p2 =	seq.s32 s10, $0x1;
	s10 =	sld [smem:$0x3FB6]  }
0x3d: {  	_ =	shalt  }
0x3e: {  	_ =	shalt  }
0x3f: {  	_ =	shalt  }
0x40: {  	_ =	shalt  }
0x41: {  	_ =	shalt  }
0x42: {  	_ =	shalt  }
0x43: {  	_ =	shalt  }
0x44: {  	_ =	shalt  }
0x45: {  	_ =	shalt  }
0x46: {  	_ =	shalt  }
0x47: {  	_ =	shalt  }
0x48: {  	_ =	shalt  }
0x49: {  	_ =	shalt  }
0x4a: {  	_ =	shalt  }
0x4b: {  	_ =	shalt  }
0x4c: {  	_ =	shalt  }
0x4d: {  	_ =	shalt  }
0x4e: {  	_ =	shalt  }
0x4f: {  	_ =	shalt  }
0x50: {  	_ =	shalt  }
0x51: {  	_ =	shalt  }
0x52: {  	_ =	shalt  }
0x53: {  	_ =	shalt  }
0x54: {  	_ =	shalt  }
0x55: {  	_ =	shalt  }
0x56: {  	_ =	shalt  }
0x57: {  	_ =	shalt  }
0x58: {  	_ =	shalt  }
0x59: {  	_ =	shalt  }
0x5a: {  	_ =	shalt  }
0x5b: {  	_ =	shalt  }
0x5c: {  	_ =	shalt  }
0x5d: {  	_ =	shalt  }
0x5e: {  	_ =	shalt  }
0x5f: {  	_ =	shalt  }
0x60: {  	_ =	shalt  }
0x61: {  	_ =	shalt  }
0x62: {  	_ =	shalt  }
0x63: {  	_ =	shalt  }
0x64: {  	_ =	shalt  }
0x65: {  	_ =	shalt  }
0x66: {  	_ =	shalt  }
0x67: {  	_ =	shalt  }
0x68: {  	_ =	shalt  }
0x69: {  	_ =	shalt  }
0x6a: {  	_ =	shalt  }
0x6b: {  	_ =	shalt  }
0x6c: {  	_ =	shalt  }
0x6d: {  	_ =	shalt  }
0x6e: {  	_ =	shalt  }
0x6f: {  	_ =	shalt  }
0x70: {  	_ =	shalt  }
0x71: {  	_ =	shalt  }
0x72: {  	_ =	shalt  }
0x73: {  	_ =	shalt  }
0x74: {  	_ =	shalt  }
0x75: {  	_ =	shalt  }
0x76: {  	_ =	shalt  }
0x77: {  	_ =	shalt  }
0x78: {  	_ =	shalt  }
0x79: {  	_ =	shalt  }
0x7a: {  	_ =	shalt  }
0x7b: {  	_ =	shalt  }
0x7c: {  	_ =	shalt  }
0x7d: {  	_ =	shalt  }
0x7e: {  	_ =	shalt  }
0x7f: {  	_ =	shalt  }
0x80: {  	_ =	shalt  }
0x81: {  	_ =	shalt  }
0x82: {  	_ =	shalt  }
0x83: {  	_ =	shalt  }
0x84: {  	_ =	shalt  }
0x85: {  	_ =	shalt  }
0x86: {  	_ =	shalt  }
0x87: {  	_ =	shalt  }
.Lfunc_end0:
.L_simem_size_0:
called_computation.1_lowered:
.L_overlay_start_0:
0x88: {  	s2 =	sld [smem:$0x3FD9]  }
0x89: {  	s3 =	sld [smem:$0x3FFE];
	_ =	sdelay $0x1  }
0x8a: {  	s1 =	srdreg.scid  }
0x8b: {  	s0 =	sand.u32 $0x1, s1  }
0x8c: {  	s17 =	sshll.u32 s0, $0xA;
	s2 =	sadd.s32 s3, s2  }
0x8d: {  	s2 =	sadd.s32 s2, s17  }
0x8e: {  	[smem:$0x3FC2] =	sst s2  }
0x8f: {  	_ = 	snop  }
0x90: {  	s2 =	sld [smem:$0x3FD0];
	(tm) =	ssettm $0x1  }
0x91: {  	s18 =	sld [smem:$0x3FFB];
	_ =	sdelay $0x3  }
0x92: {  	_ =	strace s18  }
0x93: {  	s3 =	sld [smem:$0x3FFC];
	_ =	sdelay $0x3  }
0x94: {  	_ =	strace s3  }
0x95: {  	s3 =	sld [smem:$0x3FFD];
	_ =	sdelay $0x3  }
0x96: {  	_ =	strace s3  }
0x97: {  	_ =	strace $0x8FFFFFFF  }
0x98: {  	s19 =	sld [smem:$0x3FDB];
	_ =	sdelay $0x1  }
0x99: {  	s4 =	simm.s32 $_scs_section_size  }
0x9a: {  	s5 =	simm.s32 $_size__tile_overlayer_lowered;
	s6 =	simm.s32 $_tile_overlayer_lowered  }
0x9b: {  	s22 =	simm.s32 $0x1BFF;
	s21 =	sshll.u32 s6, $0x1;
	s3 =	sadd.s32 s4, s19  }
0x9c: {  	s7 =	simm.s32 $0x0;
	s20 =	sshll.u32 s5, $0x1;
	s5 =	sadd.s32 s21, s3  }
0x9d: {  	[timem:s7], [sflag:s22] =	dma.local [hbm:s5], s20  }
0x9e: {  	_ =	swait.ge [sflag:s22], s20  }
0x9f: {  	s4 =	ssub.s32 $0x0, s20;
	[sflag:s22] =	ssyncset.done $0x0  }
0xa0: {  	[sflag:s22] =	ssyncadd.s32 s4;
	_ =	sdelay $0x1  }
0xa1: {  	s23 =	simm.s32 $0x1B8B  }
0xa2: {  	_ =	swait.ge [sflag:s23], $0x1  }
0xa3: {  	[sflag:s23] =	ssyncset.done $0x0  }
0xa4: {  	s25 =	simm.s32 $0x1B8E;
	s24 =	sld [smem:$0x3FFE];
	[sflag:s23] =	ssyncadd.s32 $0xFFFFFFFF  }
0xa5: {  	s26 =	simm.s32 $execute0_lowered;
	[smem:$0x3FD2] =	sst s25  }
0xa6: {  	s5 =	sshll.u32 s26, $0x1;
	_ =	strace $0x80000049;
	[dreg:$0x1] =	wrdreg $0xFFFFFFFF  }
0xa7: {  	s28 =	simm.s32 $_size_execute0_lowered;
	s3 =	sadd.s32 s3, s5;
	[dreg:$0x0] =	wrdreg $0x0  }
0xa8: {  	s5 =	sshll.u32 s28, $0x1;
	[dreg:$0x2] =	wrdreg s3  }
0xa9: {  	[dreg:$0x3] =	wrdreg s5  }
0xaa: {  	[dreg:$0x4] =	wrdreg $0xC0  }
0xab: {  	_ =	task [dreg:s7], $0x5FFFF  }
0xac: {  	[dreg:$0x1] =	wrdreg $0xFFFFFFFF  }
0xad: {  	[dreg:$0x0] =	wrdreg $0x60  }
0xae: {  	[dreg:$0x2] =	wrdreg s24  }
0xaf: {  	[dreg:$0x3] =	wrdreg s2  }
0xb0: {  	[dreg:$0x4] =	wrdreg $0x87A00  }
0xb1: {  	[dreg:$0x5] =	wrdreg $0xAFA00  }
0xb2: {  	[dreg:$0x6] =	wrdreg $0x9  }
0xb3: {  	_ =	task.clear_ibuf [dreg:s7], $0x7FFFF;
	_ =	strace $0x90000049  }
0xb4: {  	s29 =	simm.s32 $0x9;
	_ =	strace $0x8000004B  }
0xb5: {  	_ =	swait.ge [sflag:s29], $0x1  }
0xb6: {  	[sflag:s29] =	ssyncadd.s32 $0xFFFFFFFF  }
0xb7: {  	_ =	strace $0x9000004B  }
0xb8: {  	_ =	sfence  }
0xb9: {  	s30 =	sld [smem:$0x0];
	_ =	sdelay $0x2  }
0xba: {  	s31 =	sshll.u32 s1, $0xD;
	s1 =	sshrl.u32 s1, $0x2  }
0xbb: {  	s3 =	sand.u32 $0x4000, s31;
	s1 =	sadd.s32 s1, s30  }
0xbc: {  	s0 =	sor.u32 s3, s0;
	s1 =	sshll.u32 s1, $0x11  }
0xbd: {  	s0 =	sor.u32 s1, s0  }
0xbe: {  	s0 =	sadd.s32 $0x8F2B, s0  }
0xbf: {  	[sflag:s0] =	ssyncadd.remote.s32 $0x1  }
0xc0: {  	_ =	sfence.sel $0xFFFF  }
0xc1: {  	[dreg:$0x0] =	wrdreg $0xFFFFFFFF;
	(pc) =	sbr.abs _section_cstart, $3  }
0xc2: {  	[dreg:$0x1] =	wrdreg $0xFFFFFFFF  }
0xc3: {  	_ =	task.clear_ibuf [dreg:s7], $0x2FFFF;
	_ =	strace $0x9FFFFFFF  }
0xc4: {  	(tm) =	ssettm $0x7FFFFFFF  }
0xc5: {  	_ =	shalt  }
tec
execute0_lowered:
.L_overlay_start_1:
0x0: {  	(tag) =	ssettag $0x1  }
0x1: {  	s1 =	rddreg [dreg:$0x0]  }
0x2: {  	s10 =	rddreg [dreg:$0x1];
	s3 =	srdreg.scid  }
0x3: {  	s0 =	stileid.u32;
	s2 =	rddreg [dreg:$0x2]  }
0x4: {  	s4 =	simm.s32 $0x0;
	s17 =	simm.s32 $0x3;
	s19 =	simm.s32 $0x5D20  }
0x5: {  	s22 =	simm.s32 $0x50;
	s23 =	simm.s32 $0x4E20;
	s24 =	simm.s32 $0x5320  }
0x6: {  	s6 =	sand.u32 $0x1, s3;
	s15 =	smul.u32 $0x2800, s0;
	s3 =	rddreg [dreg:$0x3]  }
0x7: {  	s28 =	simm.s32 $0x2;
	[smem:$0x7FF] =	sst s4;
	s26 =	smul.u32 $0x280, s0  }
0x8: {  	s8 =	sshll.u32 s0, $0x1;
	p0 =	sne.s32 s0, $0x0;
	s5 =	smul.u32 $0x28000, s6  }
0x9: {  	_ =	strace $0x8000004A;
	s11 =	ssub.s32 $0x2, s6;
	s6 =	sor.u32 s6, s8  }
0xa: {  	s9 =	sshrl.u32 s15, $0x3;
	s29 =	sshrl.u32 s11, $0x1;
	s12 =	smul.u32 $0x2710, s6  }
0xb: {  	s31 =	sadd.s32 s15, s3;
	s7 =	sadd.s32 s15, s5;
	s5 =	sadd.s32 $0x8800, s1  }
0xc: {  	s13 =	sadd.s32 s9, s1;
	s16 =	ssub.s32 s11, s29;
	s25 =	sshrl.u32 s31, $0x3  }
0xd: {  	s7 =	sshrl.u32 s7, $0x3;
	s30 =	sshrl.u32 s12, $0x3;
	s8 =	sadd.s32 $0x3800, s13  }
0xe: {  	s11 =	sadd.s32 $0x17800, s13;
	s12 =	sadd.s32 s15, s2;
	s15 =	smax.u32 s16, $0x1  }
0xf: {  	s16 =	simm.s32 $0x0;
	s14 =	sadd.s32 s7, s1;
	s7 =	sshrl.u32 s26, $0x3  }
0x10: {  	s10 =	sadd.s32 s10, s30;
	s26 =	simm.s32 $0x1;
	s1 =	sadd.s32 s7, s1  }
0x11: {  	s13 =	sadd.s32 $0x9C40, s10;
	s14 =	sadd.s32 $0xD800, s14;
	s6 =	sadd.s32 $0x2E00, s1  }
0x12: {  	s7 =	sadd.s32 $0x3300, s1;
	s9 =	sadd.s32 $0x2600, s1;
	s1 =	simm.s32 $0x4DD0  }
.LBB2_1:
0x13: {  	s18 =	simm.s32 $0x5820  }
0x14: {  	[tilespmem:s18], [sflag:$0x3] =	stream.linear.gather [hbm4b:s6+s4], $0x280, $0x38;
	[tilespmem:$0xD7A0] =	vst v63  }
0x15: {  	_ =	swait.ge [sflag:s17], $0x280  }
0x16: {  	[sflag:s17] =	ssyncset.done $0x0  }
0x17: {  	s21 =	simm.s32 $0x5AA0;
	[sflag:s17] =	ssyncadd.s32 $0xFFFFFD80  }
0x18: {  	[tilespmem:s21], [sflag:$0x3] =	stream.linear.gather [hbm4b:s7+s4], $0x280, $0x38;
	[tilespmem:$0xD7A0] =	vst v63  }
0x19: {  	_ =	swait.ge [sflag:s17], $0x280  }
0x1a: {  	[sflag:s17] =	ssyncset.done $0x0  }
0x1b: {  	[sflag:s17] =	ssyncadd.s32 $0xFFFFFD80  }
0x1c: {  	[tilespmem:s19], [sflag:$0x3] =	stream.linear.gather [hbm4b:s8+s4], $0x2800, $0x38;
	[tilespmem:$0xD7A0] =	vst v63  }
0x1d: {  	_ =	swait.ge [sflag:s17], $0x2800  }
0x1e: {  	[sflag:s17] =	ssyncset.done $0x0  }
0x1f: {  	s20 =	simm.s32 $0x5840;
	[sflag:s17] =	ssyncadd.s32 $0xFFFFD800  }
0x20: {  	s21 =	simm.s32 $0x5AC0;
	v0 =	vld [tilespmem:s20+$0xFFFFFFE0]  }
0x21: {  	v1 =	vld [tilespmem:s21+$0xFFFFFFE0];
	_ =	sdelay $0x4  }
0x22: {  	v0 =	vadd.f32 v1, v0;
	_ =	sdelay $0x1  }
0x23: {  	v0 =	vadd.f32 $1.000000000e+00, v0;
	_ =	sdelay $0x1  }
0x24: {  	v1 =	vshra.s32 v0, $0x1;
	v0 =	vmul.f32 $5.000000000e-01, v0  }
0x25: {  	v1 =	vsub.s32 $0x5F3759DF, v1  }
0x26: {  	v2 =	vmul.f32 v1, v0;
	_ =	sdelay $0x1  }
0x27: {  	v2 =	vmul.f32 v1, v2;
	_ =	sdelay $0x1  }
0x28: {  	v2 =	vsub.f32 $1.500000000e+00, v2;
	_ =	sdelay $0x1  }
0x29: {  	v1 =	vmul.f32 v1, v2;
	_ =	sdelay $0x1  }
0x2a: {  	v0 =	vmul.f32 v1, v0;
	_ =	sdelay $0x1  }
0x2b: {  	v0 =	vmul.f32 v0, v1;
	_ =	sdelay $0x1  }
0x2c: {  	v0 =	vsub.f32 $1.500000000e+00, v0;
	_ =	sdelay $0x1  }
0x2d: {  	v0 =	vmul.f32 v0, v1  }
0x2e: {  	s29 =	simm.s32 $0x8540  }
0x2f: {  	[tilespmem:s29+$0xFFFFFFE0] =	vst v0  }
0x30: {  	v0 =	vld [tilespmem:s20+$0xFFFFFFF0]  }
0x31: {  	v1 =	vld [tilespmem:s21+$0xFFFFFFF0];
	_ =	sdelay $0x4  }
0x32: {  	v0 =	vadd.f32 v1, v0;
	_ =	sdelay $0x1  }
0x33: {  	v0 =	vadd.f32 $1.000000000e+00, v0;
	_ =	sdelay $0x1  }
0x34: {  	v1 =	vshra.s32 v0, $0x1;
	v0 =	vmul.f32 $5.000000000e-01, v0  }
0x35: {  	v1 =	vsub.s32 $0x5F3759DF, v1  }
0x36: {  	v2 =	vmul.f32 v1, v0;
	_ =	sdelay $0x1  }
0x37: {  	v2 =	vmul.f32 v1, v2;
	_ =	sdelay $0x1  }
0x38: {  	v2 =	vsub.f32 $1.500000000e+00, v2;
	_ =	sdelay $0x1  }
0x39: {  	v1 =	vmul.f32 v1, v2;
	_ =	sdelay $0x1  }
0x3a: {  	v0 =	vmul.f32 v1, v0;
	_ =	sdelay $0x1  }
0x3b: {  	v0 =	vmul.f32 v0, v1;
	_ =	sdelay $0x1  }
0x3c: {  	v0 =	vsub.f32 $1.500000000e+00, v0;
	_ =	sdelay $0x1  }
0x3d: {  	v0 =	vmul.f32 v0, v1;
	_ =	sdelay $0x1  }
0x3e: {  	[tilespmem:s29+$0xFFFFFFF0] =	vst v0  }
0x3f: {  	v0 =	vld [tilespmem:s20+$0x0]  }
0x40: {  	v1 =	vld [tilespmem:s21+$0x0];
	_ =	sdelay $0x4  }
0x41: {  	v0 =	vadd.f32 v1, v0;
	_ =	sdelay $0x1  }
0x42: {  	v0 =	vadd.f32 $1.000000000e+00, v0;
	_ =	sdelay $0x1  }
0x43: {  	v1 =	vshra.s32 v0, $0x1;
	v0 =	vmul.f32 $5.000000000e-01, v0  }
0x44: {  	v1 =	vsub.s32 $0x5F3759DF, v1  }
0x45: {  	v2 =	vmul.f32 v1, v0;
	_ =	sdelay $0x1  }
0x46: {  	v2 =	vmul.f32 v1, v2;
	_ =	sdelay $0x1  }
0x47: {  	v2 =	vsub.f32 $1.500000000e+00, v2;
	_ =	sdelay $0x1  }
0x48: {  	v1 =	vmul.f32 v1, v2;
	_ =	sdelay $0x1  }
0x49: {  	v0 =	vmul.f32 v1, v0;
	_ =	sdelay $0x1  }
0x4a: {  	v0 =	vmul.f32 v0, v1;
	_ =	sdelay $0x1  }
0x4b: {  	v0 =	vsub.f32 $1.500000000e+00, v0;
	_ =	sdelay $0x1  }
0x4c: {  	v0 =	vmul.f32 v0, v1;
	_ =	sdelay $0x1  }
0x4d: {  	[tilespmem:s29+$0x0] =	vst v0  }
0x4e: {  	v0 =	vld [tilespmem:s20+$0x10]  }
0x4f: {  	v1 =	vld [tilespmem:s21+$0x10];
	_ =	sdelay $0x4  }
0x50: {  	v0 =	vadd.f32 v1, v0;
	_ =	sdelay $0x1  }
0x51: {  	v0 =	vadd.f32 $1.000000000e+00, v0;
	_ =	sdelay $0x1  }
0x52: {  	v1 =	vshra.s32 v0, $0x1;
	v2 =	vmul.f32 $5.000000000e-01, v0  }
0x53: {  	v0 =	vsub.s32 $0x5F3759DF, v1  }
0x54: {  	v1 =	vmul.f32 v0, v2;
	_ =	sdelay $0x1  }
0x55: {  	v1 =	vmul.f32 v0, v1;
	_ =	sdelay $0x1  }
0x56: {  	v1 =	vsub.f32 $1.500000000e+00, v1;
	_ =	sdelay $0x1  }
0x57: {  	v0 =	vmul.f32 v0, v1;
	_ =	sdelay $0x1  }
0x58: {  	v1 =	vmul.f32 v0, v2;
	_ =	sdelay $0x1  }
0x59: {  	v1 =	vmul.f32 v1, v0;
	_ =	sdelay $0x1  }
0x5a: {  	s30 =	simm.s32 $0x0;
	s31 =	simm.s32 $0x8580;
	s18 =	simm.s32 $0x5DA0;
	v1 =	vsub.f32 $1.500000000e+00, v1  }
.LBB2_2:
0x5b: {  	s30 =	sadd.s32 $0x4, s30;
	s20 =	sadd.s32 $0x40, s20;
	s21 =	sadd.s32 $0x40, s21  }
0x5c: {  	p1 =	slt.u32 s30, $0x24;
	v0 =	vmul.f32 v1, v0;
	_ =	sdelay $0x1  }
0x5d: {  	[tilespmem:s29+$0x10] =	vst v0;
	s29 =	smov.u32 s31  }
0x5e: {  	v0 =	vld [tilespmem:s20+$0xFFFFFFE0]  }
0x5f: {  	v1 =	vld [tilespmem:s21+$0xFFFFFFE0];
	_ =	sdelay $0x4  }
0x60: {  	v0 =	vadd.f32 v1, v0;
	_ =	sdelay $0x1  }
0x61: {  	v0 =	vadd.f32 $1.000000000e+00, v0;
	_ =	sdelay $0x1  }
0x62: {  	v1 =	vshra.s32 v0, $0x1;
	v0 =	vmul.f32 $5.000000000e-01, v0  }
0x63: {  	v1 =	vsub.s32 $0x5F3759DF, v1  }
0x64: {  	v2 =	vmul.f32 v1, v0;
	_ =	sdelay $0x1  }
0x65: {  	v2 =	vmul.f32 v1, v2;
	_ =	sdelay $0x1  }
0x66: {  	v2 =	vsub.f32 $1.500000000e+00, v2;
	_ =	sdelay $0x1  }
0x67: {  	v1 =	vmul.f32 v1, v2;
	_ =	sdelay $0x1  }
0x68: {  	v0 =	vmul.f32 v1, v0;
	_ =	sdelay $0x1  }
0x69: {  	v0 =	vmul.f32 v0, v1;
	_ =	sdelay $0x1  }
0x6a: {  	v0 =	vsub.f32 $1.500000000e+00, v0;
	_ =	sdelay $0x1  }
0x6b: {  	v0 =	vmul.f32 v0, v1;
	_ =	sdelay $0x1  }
0x6c: {  	[tilespmem:s31+$0xFFFFFFE0] =	vst v0  }
0x6d: {  	v0 =	vld [tilespmem:s20+$0xFFFFFFF0]  }
0x6e: {  	v1 =	vld [tilespmem:s21+$0xFFFFFFF0];
	_ =	sdelay $0x4  }
0x6f: {  	v0 =	vadd.f32 v1, v0;
	_ =	sdelay $0x1  }
0x70: {  	v0 =	vadd.f32 $1.000000000e+00, v0;
	_ =	sdelay $0x1  }
0x71: {  	v1 =	vshra.s32 v0, $0x1;
	v0 =	vmul.f32 $5.000000000e-01, v0  }
0x72: {  	v1 =	vsub.s32 $0x5F3759DF, v1  }
0x73: {  	v2 =	vmul.f32 v1, v0;
	_ =	sdelay $0x1  }
0x74: {  	v2 =	vmul.f32 v1, v2;
	_ =	sdelay $0x1  }
0x75: {  	v2 =	vsub.f32 $1.500000000e+00, v2;
	_ =	sdelay $0x1  }
0x76: {  	v1 =	vmul.f32 v1, v2;
	_ =	sdelay $0x1  }
0x77: {  	v0 =	vmul.f32 v1, v0;
	_ =	sdelay $0x1  }
0x78: {  	v0 =	vmul.f32 v0, v1;
	_ =	sdelay $0x1  }
0x79: {  	v0 =	vsub.f32 $1.500000000e+00, v0;
	_ =	sdelay $0x1  }
0x7a: {  	v0 =	vmul.f32 v0, v1;
	_ =	sdelay $0x1  }
0x7b: {  	[tilespmem:s31+$0xFFFFFFF0] =	vst v0  }
0x7c: {  	v0 =	vld [tilespmem:s20+$0x0]  }
0x7d: {  	v1 =	vld [tilespmem:s21+$0x0];
	_ =	sdelay $0x4  }
0x7e: {  	v0 =	vadd.f32 v1, v0;
	_ =	sdelay $0x1  }
0x7f: {  	v0 =	vadd.f32 $1.000000000e+00, v0;
	_ =	sdelay $0x1  }
0x80: {  	v1 =	vshra.s32 v0, $0x1;
	v0 =	vmul.f32 $5.000000000e-01, v0  }
0x81: {  	v1 =	vsub.s32 $0x5F3759DF, v1  }
0x82: {  	v2 =	vmul.f32 v1, v0;
	_ =	sdelay $0x1  }
0x83: {  	v2 =	vmul.f32 v1, v2;
	_ =	sdelay $0x1  }
0x84: {  	v2 =	vsub.f32 $1.500000000e+00, v2;
	_ =	sdelay $0x1  }
0x85: {  	v1 =	vmul.f32 v1, v2;
	_ =	sdelay $0x1  }
0x86: {  	v0 =	vmul.f32 v1, v0;
	_ =	sdelay $0x1  }
0x87: {  	v0 =	vmul.f32 v0, v1;
	_ =	sdelay $0x1  }
0x88: {  	v0 =	vsub.f32 $1.500000000e+00, v0;
	_ =	sdelay $0x1  }
0x89: {  	v0 =	vmul.f32 v0, v1;
	_ =	sdelay $0x1  }
0x8a: {  	[tilespmem:s31+$0x0] =	vst v0  }
0x8b: {  	v0 =	vld [tilespmem:s20+$0x10]  }
0x8c: {  	v1 =	vld [tilespmem:s21+$0x10];
	_ =	sdelay $0x4  }
0x8d: {  	v0 =	vadd.f32 v1, v0;
	_ =	sdelay $0x1  }
0x8e: {  	v0 =	vadd.f32 $1.000000000e+00, v0;
	_ =	sdelay $0x1  }
0x8f: {  	v1 =	vshra.s32 v0, $0x1;
	v2 =	vmul.f32 $5.000000000e-01, v0  }
0x90: {  	v0 =	vsub.s32 $0x5F3759DF, v1  }
0x91: {  	v1 =	vmul.f32 v0, v2;
	_ =	sdelay $0x1  }
0x92: {  	v1 =	vmul.f32 v0, v1;
	_ =	sdelay $0x1  }
0x93: {  	v1 =	vsub.f32 $1.500000000e+00, v1;
	_ =	sdelay $0x1  }
0x94: {  	v0 =	vmul.f32 v0, v1;
	_ =	sdelay $0x1  }
.Ltmp0:
0x95: {  	v1 =	vmul.f32 v0, v2;
	(pc) =	sbr.rel @p1 .LBB2_2-.Ltmp0, $3  }
0x96: {  	_ = 	snop  }
0x97: {  	v1 =	vmul.f32 v1, v0;
	_ =	sdelay $0x1  }
0x98: {  	s31 =	sadd.s32 $0x40, s31;
	v1 =	vsub.f32 $1.500000000e+00, v1  }
0x99: {  	_ = 	snop  }
0x9a: {  	v0 =	vmul.f32 v1, v0;
	_ =	sdelay $0x1  }
0x9b: {  	[tilespmem:s29+$0x10] =	vst v0  }
0x9c: {  	s21 =	simm.s32 $0x40;
	s20 =	simm.s32 $0x5DA0;
	s29 =	simm.s32 $0x0;
	v0 =	vld [tilespmem:s18+$0xFFFFFFB0]  }
.LBB2_4:
0x9d: {  	p1 =	sne.s32 s21, $0x9C0;
	v1 =	vld [tilespmem:s29+$0x8520]  }
0x9e: {  	v2 =	vld [tilespmem:s18+$0xFFFFFF90]  }
0x9f: {  	v3 =	vld [tilespmem:s18+$0xFFFFFF80]  }
0xa0: {  	v4 =	vld [tilespmem:s18+$0xFFFFFFA0]  }
0xa1: {  	v5 =	vld [tilespmem:s18+$0xFFFFFFF0]  }
0xa2: {  	v6 =	vbroadcast v1, $0x0;
	v7 =	vbroadcast v1, $0x1;
	v8 =	vld [tilespmem:s18+$0xFFFFFFD0]  }
0xa3: {  	v9 =	vbroadcast v1, $0x2;
	v10 =	vbroadcast v1, $0x3;
	v11 =	vld [tilespmem:s18+$0xFFFFFFC0]  }
0xa4: {  	v3 =	vmul.f32 v3, v6;
	v2 =	vmul.f32 v2, v7;
	v6 =	vld [tilespmem:s18+$0xFFFFFFE0]  }
0xa5: {  	v0 =	vmul.f32 v0, v10;
	v4 =	vmul.f32 v4, v9;
	v7 =	vld [tilespmem:s18+$0x30]  }
0xa6: {  	v9 =	vbroadcast v1, $0x5;
	[tilespmem:s18+$0xFFFFFF80] =	vst v3;
	v3 =	vbroadcast v1, $0x4;
	v10 =	vld [tilespmem:s18+$0x10]  }
0xa7: {  	v12 =	vbroadcast v1, $0x7;
	[tilespmem:s18+$0xFFFFFF90] =	vst v2;
	v2 =	vbroadcast v1, $0x6;
	v13 =	vld [tilespmem:s18+$0x0]  }
0xa8: {  	[tilespmem:s18+$0xFFFFFFA0] =	vst v4;
	v3 =	vmul.f32 v11, v3;
	v4 =	vmul.f32 v8, v9;
	v8 =	vld [tilespmem:s18+$0x20]  }
0xa9: {  	[tilespmem:s18+$0xFFFFFFB0] =	vst v0;
	v0 =	vmul.f32 v6, v2;
	v2 =	vmul.f32 v5, v12;
	v5 =	vld [tilespmem:s18+$0x70]  }
0xaa: {  	v6 =	vbroadcast v1, $0x9;
	[tilespmem:s18+$0xFFFFFFC0] =	vst v3;
	v3 =	vbroadcast v1, $0x8;
	v9 =	vld [tilespmem:s18+$0x50]  }
0xab: {  	v11 =	vbroadcast v1, $0xB;
	[tilespmem:s18+$0xFFFFFFD0] =	vst v4;
	v4 =	vbroadcast v1, $0xA;
	v12 =	vld [tilespmem:s18+$0x40]  }
0xac: {  	[tilespmem:s18+$0xFFFFFFE0] =	vst v0;
	v0 =	vmul.f32 v13, v3;
	v3 =	vmul.f32 v10, v6;
	v6 =	vld [tilespmem:s18+$0x60]  }
0xad: {  	[tilespmem:s18+$0xFFFFFFF0] =	vst v2;
	v2 =	vmul.f32 v8, v4;
	v4 =	vmul.f32 v7, v11  }
0xae: {  	v7 =	vbroadcast v1, $0xD;
	[tilespmem:s18+$0x0] =	vst v0;
	v0 =	vbroadcast v1, $0xC  }
0xaf: {  	[tilespmem:s18+$0x10] =	vst v3;
	v3 =	vbroadcast v1, $0xE;
	v1 =	vbroadcast v1, $0xF  }
0xb0: {  	[tilespmem:s18+$0x20] =	vst v2;
	v0 =	vmul.f32 v12, v0;
	v2 =	vmul.f32 v9, v7  }
.Ltmp1:
0xb1: {  	[tilespmem:s18+$0x30] =	vst v4;
	v3 =	vmul.f32 v6, v3;
	v1 =	vmul.f32 v5, v1;
	(pc) =	sbr.rel @p1 .LBB2_4-.Ltmp1, $4  }
0xb2: {  	[tilespmem:s18+$0x40] =	vst v0  }
0xb3: {  	[tilespmem:s18+$0x50] =	vst v2  }
0xb4: {  	s18 =	sadd.s32 $0x100, s18;
	[tilespmem:s20+$0x60] =	vst v3  }
0xb5: {  	s29 =	sshra.s32 s21, $0x2;
	s21 =	sadd.s32 $0x40, s21;
	v0 =	vld [tilespmem:s18+$0xFFFFFFB0];
	[tilespmem:s20+$0x70] =	vst v1;
	s20 =	smov.u32 s18  }
0xb6: {  	v1 =	vld [tilespmem:s29+$0x8520];
	_ =	sdelay $0x1  }
0xb7: {  	v2 =	vld [tilespmem:s18+$0xFFFFFF80]  }
0xb8: {  	v3 =	vld [tilespmem:s18+$0xFFFFFF90]  }
0xb9: {  	v4 =	vld [tilespmem:s18+$0xFFFFFFA0]  }
0xba: {  	v5 =	vbroadcast v1, $0x0  }
0xbb: {  	v8 =	vld [tilespmem:s18+$0xFFFFFFD0];
	v6 =	vbroadcast v1, $0x1  }
0xbc: {  	v43 =	vld [tilespmem:s18+$0xFFFFFFE0];
	v9 =	vbroadcast v1, $0x2;
	v2 =	vmul.f32 v2, v5  }
0xbd: {  	v47 =	vld [tilespmem:s18+$0x10];
	v42 =	vbroadcast v1, $0x3;
	v3 =	vmul.f32 v3, v6  }
0xbe: {  	v7 =	vld [tilespmem:s18+$0xFFFFFFC0];
	v45 =	vbroadcast v1, $0x5;
	v4 =	vmul.f32 v4, v9;
	[tilespmem:s18+$0xFFFFFF80] =	vst v2  }
0xbf: {  	v10 =	vld [tilespmem:s18+$0xFFFFFFF0];
	v11 =	vbroadcast v1, $0x6;
	v0 =	vmul.f32 v0, v42;
	[tilespmem:s18+$0xFFFFFF90] =	vst v3  }
0xc0: {  	v49 =	vld [tilespmem:s18+$0x20];
	v52 =	vbroadcast v1, $0x9;
	v5 =	vmul.f32 v8, v45;
	[tilespmem:s18+$0xFFFFFFA0] =	vst v4  }
0xc1: {  	v50 =	vld [tilespmem:s18+$0x30];
	v44 =	vbroadcast v1, $0x4;
	v6 =	vmul.f32 v43, v11;
	[tilespmem:s18+$0xFFFFFFB0] =	vst v0  }
0xc2: {  	v46 =	vld [tilespmem:s18+$0x0];
	v48 =	vbroadcast v1, $0x7;
	v57 =	vmul.f32 v47, v52;
	[tilespmem:s18+$0xFFFFFFD0] =	vst v5  }
0xc3: {  	v54 =	vld [tilespmem:s18+$0x50];
	v55 =	vbroadcast v1, $0xA;
	v2 =	vmul.f32 v7, v44;
	[tilespmem:s18+$0xFFFFFFE0] =	vst v6  }
0xc4: {  	v53 =	vld [tilespmem:s18+$0x40];
	v56 =	vbroadcast v1, $0xB;
	v4 =	vmul.f32 v10, v48;
	[tilespmem:s18+$0x10] =	vst v57  }
0xc5: {  	v58 =	vld [tilespmem:s18+$0x60];
	v51 =	vbroadcast v1, $0x8;
	v7 =	vmul.f32 v49, v55;
	[tilespmem:s18+$0xFFFFFFC0] =	vst v2  }
0xc6: {  	v59 =	vld [tilespmem:s18+$0x70];
	v61 =	vbroadcast v1, $0xD;
	v0 =	vmul.f32 v50, v56;
	[tilespmem:s18+$0xFFFFFFF0] =	vst v4  }
0xc7: {  	v60 =	vbroadcast v1, $0xC;
	v2 =	vmul.f32 v46, v51;
	[tilespmem:s18+$0x20] =	vst v7  }
0xc8: {  	v62 =	vbroadcast v1, $0xE;
	v3 =	vmul.f32 v54, v61;
	[tilespmem:s18+$0x30] =	vst v0  }
0xc9: {  	v1 =	vbroadcast v1, $0xF;
	[tilespmem:s18+$0x0] =	vst v2;
	v2 =	vmul.f32 v53, v60  }
0xca: {  	v63 =	vmul.f32 v58, v62;
	[tilespmem:s18+$0x50] =	vst v3  }
0xcb: {  	v1 =	vmul.f32 v59, v1;
	[tilespmem:s18+$0x40] =	vst v2  }
0xcc: {  	[tilespmem:s20+$0x60] =	vst v63  }
0xcd: {  	s30 =	simm.s32 $0x8520;
	[tilespmem:s20+$0x70] =	vst v1  }
0xce: {  	[hbm4b:s9+s4] =	stream.linear.scatter [tilespmem:s30], [sflag:$0x3], $0x280, $0x38;
	[tilespmem:$0xD7A0] =	vst v63  }
0xcf: {  	_ =	swait.ge [sflag:s17], $0x280  }
0xd0: {  	[sflag:s17] =	ssyncset.done $0x0  }
0xd1: {  	[sflag:s17] =	ssyncadd.s32 $0xFFFFFD80  }
0xd2: {  	[hbm4b:s11+s4] =	stream.linear.scatter [tilespmem:s19], [sflag:$0x3], $0x2800, $0x38;
	[tilespmem:$0xD7A0] =	vst v63  }
0xd3: {  	_ =	swait.ge [sflag:s17], $0x2800  }
0xd4: {  	[sflag:s17] =	ssyncset.done $0x0  }
0xd5: {  	[sflag:s17] =	ssyncadd.s32 $0xFFFFD800  }
0xd6: {  	[spmem:s12] =	stream.linear.scatter [tilespmem:s19], [sflag:$0x3], $0x2800, $0x38;
	[tilespmem:$0xD7A0] =	vst v63  }
0xd7: {  	_ =	swait.ge [sflag:s17], $0x2800  }
0xd8: {  	[sflag:s17] =	ssyncset.done $0x0  }
0xd9: {  	s18 =	sshrl.u32 @!p0 s3, $0x3;
	s20 =	simm.s32 @!p0 $0x1C03;
	[sflag:s17] =	ssyncadd.s32 $0xFFFFD800  }
0xda: {  	[spmem:s18], [sflag:s20] =	dma.local @!p0 [hbm:s5], $0x5000  }
0xdb: {  	s18 =	simm.s32 @!p0 $0x3  }
0xdc: {  	_ =	swait.ge @!p0 [sflag:s18], $0x5000  }
0xdd: {  	[sflag:s18] =	ssyncset.done @!p0 $0x0  }
0xde: {  	[sflag:s18] =	ssyncadd.s32 @!p0 $0xFFFFB000  }
0xdf: {  	s31 =	simm.s32 $0x0;
	[bflag:$0x0] =	sbarrier.arrive $0xFFFF  }
0xe0: {  	[tilespmem:s31], [sflag:$0x3] =	stream.linear.gather [hbm4b:s10+s31], $0x2710, $0x38;
	[tilespmem:$0xD7A0] =	vst v63  }
0xe1: {  	_ =	swait.ge [sflag:s17], $0x2710  }
0xe2: {  	[sflag:s17] =	ssyncset.done $0x0  }
0xe3: {  	s21 =	simm.s32 $0x2710;
	[sflag:s17] =	ssyncadd.s32 $0xFFFFD8F0  }
0xe4: {  	[tilespmem:s21], [sflag:$0x3] =	stream.linear.gather [hbm4b:s13+s31], $0x2710, $0x38;
	[tilespmem:$0xD7A0] =	vst v63  }
0xe5: {  	_ =	swait.ge [sflag:s17], $0x2710  }
0xe6: {  	[sflag:s17] =	ssyncset.done $0x0  }
0xe7: {  	[sflag:s17] =	ssyncadd.s32 $0xFFFFD8F0  }
0xe8: {  	[tilespmem:s23], [sflag:$0x1] =	stream.indirect.gather [spmem:s2], $0x10, s31, s22, $0xb8;
	[tilespmem:$0xD7A0] =	vst v63  }
0xe9: {  	_ = 	snop  }
0xea: {  	[tilespmem:s24], [sflag:$0x2] =	stream.indirect.gather [spmem:s2], $0x10, s22, s22, $0xb8;
	[tilespmem:$0xD7A0] =	vst v63  }
0xeb: {  	_ =	swait.ge [sflag:s26], $0x500  }
0xec: {  	[sflag:s26] =	ssyncset.done $0x0  }
0xed: {  	s29 =	simm.s32 $0x2710;
	[sflag:s26] =	ssyncadd.s32 $0xFFFFFB00  }
0xee: {  	[spmem:s3] =	stream.indirect.scatter.add.f32 [tilespmem:s23], [sflag:$0x3], $0x10, s29, s22, $0xb8;
	[tilespmem:$0xD7A0] =	vst v63  }
0xef: {  	_ =	swait.ge [sflag:s17], $0x500  }
0xf0: {  	[sflag:s17] =	ssyncset.done $0x0  }
0xf1: {  	s30 =	simm.s32 $0xA0;
	[sflag:s17] =	ssyncadd.s32 $0xFFFFFB00  }
0xf2: {  	[tilespmem:s23], [sflag:$0x1] =	stream.indirect.gather [spmem:s2], $0x10, s30, s22, $0xb8;
	[tilespmem:$0xD7A0] =	vst v63  }
0xf3: {  	_ =	swait.ge [sflag:s28], $0x500  }
0xf4: {  	[sflag:s28] =	ssyncset.done $0x0  }
0xf5: {  	s31 =	simm.s32 $0x2760;
	[sflag:s28] =	ssyncadd.s32 $0xFFFFFB00  }
0xf6: {  	[spmem:s3] =	stream.indirect.scatter.add.f32 [tilespmem:s24], [sflag:$0x3], $0x10, s31, s22, $0xb8;
	[tilespmem:$0xD7A0] =	vst v63  }
0xf7: {  	_ =	swait.ge [sflag:s17], $0x500  }
0xf8: {  	[sflag:s17] =	ssyncset.done $0x0  }
0xf9: {  	s20 =	simm.s32 $0xF0;
	s18 =	simm.s32 $0x280;
	[sflag:s17] =	ssyncadd.s32 $0xFFFFFB00  }
.LBB2_6:
0xfa: {  	[tilespmem:s24], [sflag:$0x2] =	stream.indirect.gather [spmem:s2], $0x10, s20, s22, $0xb8;
	[tilespmem:$0xD7A0] =	vst v63  }
0xfb: {  	s20 =	smov.u32 s18  }
0xfc: {  	p1 =	sne.s32 s18, $0x9600;
	s18 =	sadd.s32 $0x280, s18;
	_ =	swait.ge [sflag:s26], $0x500  }
0xfd: {  	s20 =	sshra.s32 s20, $0x2;
	[sflag:s26] =	ssyncset.done $0x0  }
0xfe: {  	s21 =	sadd.s32 $0x2710, s20;
	[sflag:s26] =	ssyncadd.s32 $0xFFFFFB00  }
0xff: {  	[spmem:s3] =	stream.indirect.scatter.add.f32 [tilespmem:s23], [sflag:$0x3], $0x10, s21, s22, $0xb8;
	[tilespmem:$0xD7A0] =	vst v63  }
0x100: {  	_ =	swait.ge [sflag:s17], $0x500  }
0x101: {  	[sflag:s17] =	ssyncset.done $0x0  }
0x102: {  	s21 =	sadd.s32 $0xA0, s20;
	[sflag:s17] =	ssyncadd.s32 $0xFFFFFB00  }
0x103: {  	[tilespmem:s23], [sflag:$0x1] =	stream.indirect.gather [spmem:s2], $0x10, s21, s22, $0xb8;
	[tilespmem:$0xD7A0] =	vst v63  }
0x104: {  	_ =	swait.ge [sflag:s28], $0x500  }
0x105: {  	[sflag:s28] =	ssyncset.done $0x0  }
.Ltmp2:
0x106: {  	s21 =	sadd.s32 $0x2760, s20;
	[sflag:s28] =	ssyncadd.s32 $0xFFFFFB00;
	(pc) =	sbr.rel @p1 .LBB2_6-.Ltmp2, $4  }
0x107: {  	[spmem:s3] =	stream.indirect.scatter.add.f32 [tilespmem:s24], [sflag:$0x3], $0x10, s21, s22, $0xb8;
	[tilespmem:$0xD7A0] =	vst v63  }
0x108: {  	_ =	swait.ge [sflag:s17], $0x500  }
0x109: {  	[sflag:s17] =	ssyncset.done $0x0  }
0x10a: {  	s20 =	sadd.s32 $0xF0, s20;
	[sflag:s17] =	ssyncadd.s32 $0xFFFFFB00  }
0x10b: {  	[tilespmem:s24], [sflag:$0x2] =	stream.indirect.gather [spmem:s2], $0x10, s20, s22, $0xb8;
	[tilespmem:$0xD7A0] =	vst v63  }
0x10c: {  	_ =	swait.ge [sflag:s26], $0x500  }
0x10d: {  	[sflag:s26] =	ssyncset.done $0x0  }
0x10e: {  	s18 =	simm.s32 $0x4D30;
	[sflag:s26] =	ssyncadd.s32 $0xFFFFFB00  }
0x10f: {  	[spmem:s3] =	stream.indirect.scatter.add.f32 [tilespmem:s23], [sflag:$0x3], $0x10, s18, s22, $0xb8;
	[tilespmem:$0xD7A0] =	vst v63  }
0x110: {  	_ =	swait.ge [sflag:s17], $0x500  }
0x111: {  	[sflag:s17] =	ssyncset.done $0x0  }
0x112: {  	[sflag:s17] =	ssyncadd.s32 $0xFFFFFB00  }
0x113: {  	_ =	swait.ge [sflag:s28], $0x500  }
0x114: {  	[sflag:s28] =	ssyncset.done $0x0  }
0x115: {  	s29 =	simm.s32 $0x4D80;
	[sflag:s28] =	ssyncadd.s32 $0xFFFFFB00  }
0x116: {  	[spmem:s3] =	stream.indirect.scatter.add.f32 [tilespmem:s24], [sflag:$0x3], $0x10, s29, s22, $0xb8;
	[tilespmem:$0xD7A0] =	vst v63  }
0x117: {  	_ =	swait.ge [sflag:s17], $0x500  }
0x118: {  	[sflag:s17] =	ssyncset.done $0x0  }
0x119: {  	s30 =	simm.s32 $0x26C0;
	[sflag:s17] =	ssyncadd.s32 $0xFFFFFB00  }
0x11a: {  	[tilespmem:s23], [sflag:$0x1] =	stream.indirect.gather [spmem:s2], $0x10, s30, s22, $0xb8;
	[tilespmem:$0xD7A0] =	vst v63  }
0x11b: {  	_ =	swait.ge [sflag:s26], $0x500  }
0x11c: {  	[sflag:s26] =	ssyncset.done $0x0  }
0x11d: {  	[sflag:s26] =	ssyncadd.s32 $0xFFFFFB00  }
0x11e: {  	[spmem:s3] =	stream.indirect.scatter.add.f32 [tilespmem:s23], [sflag:$0x3], $0x10, s1, s22, $0xb8;
	[tilespmem:$0xD7A0] =	vst v63  }
0x11f: {  	_ =	swait.ge [sflag:s17], $0x500  }
0x120: {  	s16 =	sadd.s32 $0x1, s16;
	[sflag:s17] =	ssyncset.done $0x0  }
0x121: {  	s31 =	sshll.u32 s0, $0x6;
	p1 =	sne.s32 s16, s15;
	[sflag:s17] =	ssyncadd.s32 $0xFFFFFB00  }
.Ltmp3:
0x122: {  	s18 =	sor.u32 $0x1C03, s31;
	[bflag:$0x0] =	sbarrier.arrive $0xFFFF;
	(pc) =	sbr.rel @p1 .LBB2_1-.Ltmp3, $4  }
0x123: {  	[hbm:s14], [sflag:s18] =	dma.local [spmem:s25], $0x500  }
0x124: {  	_ =	swait.ge [sflag:s17], $0x500  }
0x125: {  	[sflag:s17] =	ssyncset.done $0x0  }
0x126: {  	[sflag:s17] =	ssyncadd.s32 $0xFFFFFB00  }
0x127: {  	_ =	sfence.sel $0x180000  }
0x128: {  	[bflag:$0x0] =	sbarrier.arrive $0xFFFF  }
0x129: {  	_ =	strace $0x9000004A  }
0x12a: {  	[bflag:$0x2] =	sbarrier.arrive $0xFFFF  }
0x12b: {  	s0 =	rddreg [dreg:$0x4]  }
0x12c: {  	s0 =	sadd.s32 @!p0 $0x100000, s0  }
0x12d: {  	[sflag:s0] =	ssyncadd.tile.s32 @!p0 $0x1;
	_ =	shalt  }
.Lfunc_end2:
_tile_overlayer_lowered:
.L_overlay_start_2:
0x12e: {  	(tag) =	ssettag $0x2  }
0x12f: {  	s0 =	rddreg [dreg:$0x0];
	s2 =	stileid.u32  }
0x130: {  	s1 =	rddreg [dreg:$0x1];
	p0 =	sne.s32 s2, $0x0  }
0x131: {  	s3 =	rddreg [dreg:$0x2];
	[bflag:$0x3] =	sbarrier.arrive $0xFFFF;
	s2 =	simm.s32 @!p0 $0x1C03  }
0x132: {  	[timem:s3], [sflag:s2] =	dma.local @!p0 [hbm:s0], s1  }
0x133: {  	s0 =	simm.s32 @!p0 $0x3  }
0x134: {  	_ =	swait.ge @!p0 [sflag:s0], s1  }
0x135: {  	s1 =	ssub.s32 @!p0 $0x0, s1;
	[sflag:s0] =	ssyncset.done @!p0 $0x0  }
0x136: {  	[sflag:s0] =	ssyncadd.s32 @!p0 s1  }
0x137: {  	[bflag:$0x3] =	sbarrier.arrive $0xFFFF  }
0x138: {  	_ =	shalt  }

// kernel: kernel.13.cloned.1.call-start
scs
__scs_entry_jumppad:
0x0: {  	(pc) =	sbr.rel $0x88, $3  }
0x1: {  	(tag) =	ssettag $0x0;
	lr =	simm.s32 $0x1  }
0x2: {  	[smem:$0x3F9B] =	sst lr;
	_ =	strace $0xD0000000  }
0x3: {  	_ = 	snop  }
0x4: {  	_ = 	snop  }
0x5: {  	_ = 	snop  }
0x6: {  	_ = 	snop  }
0x7: {  	_ = 	snop  }
__scs_overlays_trampoline_lowered:
0x8: {  	[smem:$0x3FAA] =	sst s0  }
0x9: {  	[smem:$0x3FAB] =	sst s1  }
0xa: {  	[smem:$0x3FAC] =	sst s2  }
0xb: {  	[smem:$0x3FAD] =	sst s3  }
0xc: {  	[smem:$0x3FAE] =	sst s4  }
0xd: {  	[smem:$0x3FAF] =	sst s5  }
0xe: {  	[smem:$0x3FB0] =	sst s6  }
0xf: {  	[smem:$0x3FB1] =	sst s7  }
0x10: {  	[smem:$0x3FB2] =	sst s8  }
0x11: {  	[smem:$0x3FB3] =	sst s9;
	s0 =	simm.s32 @!p0 $0x0  }
0x12: {  	s1 =	sld [smem:$0x3F99];
	s0 =	simm.s32 @p0 $0x1  }
0x13: {  	[smem:$0x3FB4] =	sst s0;
	s0 =	simm.s32 @!p1 $0x0  }
0x14: {  	s2 =	sld [smem:$0x3F98];
	s0 =	simm.s32 @p1 $0x1  }
0x15: {  	[smem:$0x3FB5] =	sst s0;
	s0 =	simm.s32 @!p2 $0x0  }
0x16: {  	s3 =	sld [smem:$0x3FDB];
	s0 =	simm.s32 @p2 $0x1  }
0x17: {  	s4 =	simm.s32 $0x1BF5;
	[smem:$0x3FB7] =	sst s0  }
0x18: {  	s0 =	sld [smem:$0x3F9A];
	_ =	swait.ge [sflag:s4], $0x0  }
0x19: {  	s7 =	sld [smem:$0x3F9B]  }
0x1a: {  	s8 =	sadd.s32 $0xFFFFE003, lr  }
0x1b: {  	s9 =	sadd.s32 $0xFFFFFEF7, lr;
	s5 =	simm.s32 $0xFFFFFFFF;
	p2 =	slt.u32 s8, $0xFFFFF086  }
0x1c: {  	p1 =	slt.u32 s9, $0xF7A;
	s5 =	simm.s32 @!p2 $0x0  }
0x1d: {  	s5 =	simm.s32 @p1 $0x1;
	p0 =	seq.s32 s7, s2  }
0x1e: {  	s7 =	smul.u32 @!p0 $0xF7A, s2;
	p2 =	seq.s32 @!p0 s5, $0x0  }
0x1f: {  	s9 =	smul.u32 $0xF7A, s1;
	s8 =	simm.s32 @!p0 $0x1BF5;
	p2 =	por !p2, p0  }
0x20: {  	[sflag:s8] =	ssyncset.s32 @!p0 $0xFFFFF086;
	s6 =	sadd.s32 @!p0 s3, s7;
	s7 =	simm.s32 @!p0 $0x108  }
0x21: {  	s3 =	sadd.s32 s3, s9;
	s6 =	sadd.s32 @!p0 $0x88, s6;
	s7 =	simm.s32 @p2 $0x1082  }
0x22: {  	[simem:s7], [sflag:s8] =	dma.local @!p0 [hbm:s6], $0xF7A  }
0x23: {  	s9 =	sor.u32 $0xD0000000, s2;
	s6 =	simm.s32 $0x108;
	_ =	swait.ge @!p0 [sflag:s8], $0x0  }
0x24: {  	s3 =	sadd.s32 $0x88, s3;
	s6 =	simm.s32 @!p1 $0x1082;
	[sflag:s4] =	ssyncset.s32 $0xFFFFF086  }
0x25: {  	[simem:s6], [sflag:s4] =	dma.local [hbm:s3], $0xF7A  }
0x26: {  	[smem:$0x3F9B] =	sst s1;
	(tag) =	ssettag s2;
	_ =	strace s9  }
0x27: {  	s1 =	sld [smem:$0x3FAB]  }
0x28: {  	s2 =	sld [smem:$0x3FAC]  }
0x29: {  	s4 =	sld [smem:$0x3FAE]  }
0x2a: {  	p0 =	seq.s32 s5, $0x0;
	s5 =	sld [smem:$0x3FAF]  }
0x2b: {  	s6 =	sld [smem:$0x3FB0]  }
0x2c: {  	s7 =	sld [smem:$0x3FB1]  }
0x2d: {  	s3 =	simm.s32 $0x108;
	s8 =	sld [smem:$0x3FB2]  }
0x2e: {  	s3 =	simm.s32 @!p0 $0x1082;
	s9 =	sld [smem:$0x3FB3]  }
0x2f: {  	lr =	sadd.s32 s0, s3;
	s0 =	sld [smem:$0x3FAA]  }
0x30: {  	s3 =	sld [smem:$0x3FAD]  }
0x31: {  	[smem:$0x3FB6] =	sst s10  }
0x32: {  	s10 =	sld [smem:$0x3FB4];
	_ =	sdelay $0x3  }
0x33: {  	p0 =	seq.s32 s10, $0x1;
	s10 =	sld [smem:$0x3FB6];
	_ =	sdelay $0x3  }
0x34: {  	[smem:$0x3FB6] =	sst s10  }
0x35: {  	s10 =	sld [smem:$0x3FB5];
	_ =	sdelay $0x3  }
0x36: {  	p1 =	seq.s32 s10, $0x1;
	s10 =	sld [smem:$0x3FB6];
	_ =	sdelay $0x3  }
0x37: {  	[smem:$0x3FB6] =	sst s10  }
0x38: {  	s10 =	sld [smem:$0x3FB7]  }
0x39: {  	_ = 	snop;
	(pc) =	sbr.ind lr, $3  }
0x3a: {  	_ = 	snop  }
0x3b: {  	_ = 	snop  }
0x3c: {  	p2 =	seq.s32 s10, $0x1;
	s10 =	sld [smem:$0x3FB6]  }
0x3d: {  	_ =	shalt  }
0x3e: {  	_ =	shalt  }
0x3f: {  	_ =	shalt  }
0x40: {  	_ =	shalt  }
0x41: {  	_ =	shalt  }
0x42: {  	_ =	shalt  }
0x43: {  	_ =	shalt  }
0x44: {  	_ =	shalt  }
0x45: {  	_ =	shalt  }
0x46: {  	_ =	shalt  }
0x47: {  	_ =	shalt  }
0x48: {  	_ =	shalt  }
0x49: {  	_ =	shalt  }
0x4a: {  	_ =	shalt  }
0x4b: {  	_ =	shalt  }
0x4c: {  	_ =	shalt  }
0x4d: {  	_ =	shalt  }
0x4e: {  	_ =	shalt  }
0x4f: {  	_ =	shalt  }
0x50: {  	_ =	shalt  }
0x51: {  	_ =	shalt  }
0x52: {  	_ =	shalt  }
0x53: {  	_ =	shalt  }
0x54: {  	_ =	shalt  }
0x55: {  	_ =	shalt  }
0x56: {  	_ =	shalt  }
0x57: {  	_ =	shalt  }
0x58: {  	_ =	shalt  }
0x59: {  	_ =	shalt  }
0x5a: {  	_ =	shalt  }
0x5b: {  	_ =	shalt  }
0x5c: {  	_ =	shalt  }
0x5d: {  	_ =	shalt  }
0x5e: {  	_ =	shalt  }
0x5f: {  	_ =	shalt  }
0x60: {  	_ =	shalt  }
0x61: {  	_ =	shalt  }
0x62: {  	_ =	shalt  }
0x63: {  	_ =	shalt  }
0x64: {  	_ =	shalt  }
0x65: {  	_ =	shalt  }
0x66: {  	_ =	shalt  }
0x67: {  	_ =	shalt  }
0x68: {  	_ =	shalt  }
0x69: {  	_ =	shalt  }
0x6a: {  	_ =	shalt  }
0x6b: {  	_ =	shalt  }
0x6c: {  	_ =	shalt  }
0x6d: {  	_ =	shalt  }
0x6e: {  	_ =	shalt  }
0x6f: {  	_ =	shalt  }
0x70: {  	_ =	shalt  }
0x71: {  	_ =	shalt  }
0x72: {  	_ =	shalt  }
0x73: {  	_ =	shalt  }
0x74: {  	_ =	shalt  }
0x75: {  	_ =	shalt  }
0x76: {  	_ =	shalt  }
0x77: {  	_ =	shalt  }
0x78: {  	_ =	shalt  }
0x79: {  	_ =	shalt  }
0x7a: {  	_ =	shalt  }
0x7b: {  	_ =	shalt  }
0x7c: {  	_ =	shalt  }
0x7d: {  	_ =	shalt  }
0x7e: {  	_ =	shalt  }
0x7f: {  	_ =	shalt  }
0x80: {  	_ =	shalt  }
0x81: {  	_ =	shalt  }
0x82: {  	_ =	shalt  }
0x83: {  	_ =	shalt  }
0x84: {  	_ =	shalt  }
0x85: {  	_ =	shalt  }
0x86: {  	_ =	shalt  }
0x87: {  	_ =	shalt  }
.Lfunc_end0:
.L_simem_size_0:
called_computation.2_lowered:
.L_overlay_start_0:
0x88: {  	s2 =	sld [smem:$0x3FD9]  }
0x89: {  	s3 =	sld [smem:$0x3FFE];
	_ =	sdelay $0x1  }
0x8a: {  	s1 =	srdreg.scid  }
0x8b: {  	s0 =	sand.u32 $0x1, s1  }
0x8c: {  	s17 =	sshll.u32 s0, $0xA;
	s2 =	sadd.s32 s3, s2  }
0x8d: {  	s2 =	sadd.s32 s2, s17  }
0x8e: {  	[smem:$0x3FC2] =	sst s2  }
0x8f: {  	_ = 	snop  }
0x90: {  	s2 =	sld [smem:$0x3FC6]  }
0x91: {  	s18 =	sld [smem:$0x3FD0];
	(tm) =	ssettm $0x1  }
0x92: {  	s4 =	sld [smem:$0x3FFB];
	_ =	sdelay $0x3  }
0x93: {  	_ =	strace s4  }
0x94: {  	s4 =	sld [smem:$0x3FFC];
	_ =	sdelay $0x3  }
0x95: {  	_ =	strace s4  }
0x96: {  	s4 =	sld [smem:$0x3FFD];
	_ =	sdelay $0x3  }
0x97: {  	_ =	strace s4  }
0x98: {  	_ =	strace $0x8FFFFFFF  }
0x99: {  	s19 =	sld [smem:$0x3FDB];
	_ =	sdelay $0x1  }
0x9a: {  	s5 =	simm.s32 $_scs_section_size  }
0x9b: {  	s6 =	simm.s32 $_size__tile_overlayer_lowered;
	s7 =	simm.s32 $_tile_overlayer_lowered  }
0x9c: {  	s22 =	simm.s32 $0x1BFF;
	s21 =	sshll.u32 s7, $0x1;
	s4 =	sadd.s32 s5, s19  }
0x9d: {  	s8 =	simm.s32 $0x0;
	s20 =	sshll.u32 s6, $0x1;
	s6 =	sadd.s32 s21, s4  }
0x9e: {  	[timem:s8], [sflag:s22] =	dma.local [hbm:s6], s20  }
0x9f: {  	_ =	swait.ge [sflag:s22], s20  }
0xa0: {  	s5 =	ssub.s32 $0x0, s20;
	[sflag:s22] =	ssyncset.done $0x0  }
0xa1: {  	[sflag:s22] =	ssyncadd.s32 s5;
	_ =	sdelay $0x1  }
0xa2: {  	s23 =	simm.s32 $0x1B8B  }
0xa3: {  	_ =	swait.ge [sflag:s23], $0x1  }
0xa4: {  	[sflag:s23] =	ssyncset.done $0x0  }
0xa5: {  	s25 =	simm.s32 $0x1B8E;
	s24 =	sld [smem:$0x3FFE];
	[sflag:s23] =	ssyncadd.s32 $0xFFFFFFFF  }
0xa6: {  	s26 =	simm.s32 $execute0_lowered;
	[smem:$0x3FD2] =	sst s25  }
0xa7: {  	s6 =	sshll.u32 s26, $0x1;
	_ =	strace $0x8000004C;
	[dreg:$0x1] =	wrdreg $0xFFFFFFFF  }
0xa8: {  	s28 =	simm.s32 $_size_execute0_lowered;
	s4 =	sadd.s32 s4, s6;
	[dreg:$0x0] =	wrdreg $0x0  }
0xa9: {  	s6 =	sshll.u32 s28, $0x1;
	[dreg:$0x2] =	wrdreg s4  }
0xaa: {  	[dreg:$0x3] =	wrdreg s6  }
0xab: {  	[dreg:$0x4] =	wrdreg $0xC0  }
0xac: {  	_ =	task [dreg:s8], $0x5FFFF  }
0xad: {  	[dreg:$0x1] =	wrdreg $0xFFFFFFFF  }
0xae: {  	[dreg:$0x0] =	wrdreg $0x60  }
0xaf: {  	[dreg:$0x2] =	wrdreg s24  }
0xb0: {  	[dreg:$0x3] =	wrdreg s2  }
0xb1: {  	[dreg:$0x4] =	wrdreg s18  }
0xb2: {  	[dreg:$0x5] =	wrdreg $0xD2B00  }
0xb3: {  	[dreg:$0x6] =	wrdreg $0xFAB00  }
0xb4: {  	[dreg:$0x7] =	wrdreg $0x9  }
0xb5: {  	_ =	task.clear_ibuf [dreg:s8], $0x8FFFF;
	_ =	strace $0x9000004C  }
0xb6: {  	s29 =	simm.s32 $0x9;
	_ =	strace $0x8000004E  }
0xb7: {  	_ =	swait.ge [sflag:s29], $0x1  }
0xb8: {  	[sflag:s29] =	ssyncadd.s32 $0xFFFFFFFF  }
0xb9: {  	_ =	strace $0x9000004E  }
0xba: {  	_ =	sfence  }
0xbb: {  	s30 =	sld [smem:$0x0];
	_ =	sdelay $0x2  }
0xbc: {  	s31 =	sshll.u32 s1, $0xD;
	s1 =	sshrl.u32 s1, $0x2  }
0xbd: {  	s3 =	sand.u32 $0x4000, s31;
	s1 =	sadd.s32 s1, s30  }
0xbe: {  	s0 =	sor.u32 s3, s0;
	s1 =	sshll.u32 s1, $0x11  }
0xbf: {  	s0 =	sor.u32 s1, s0  }
0xc0: {  	s0 =	sadd.s32 $0x8F2B, s0  }
0xc1: {  	[sflag:s0] =	ssyncadd.remote.s32 $0x1  }
0xc2: {  	_ =	sfence.sel $0xFFFF  }
0xc3: {  	[dreg:$0x0] =	wrdreg $0xFFFFFFFF;
	(pc) =	sbr.abs _section_cstart, $3  }
0xc4: {  	[dreg:$0x1] =	wrdreg $0xFFFFFFFF  }
0xc5: {  	_ =	task.clear_ibuf [dreg:s8], $0x2FFFF;
	_ =	strace $0x9FFFFFFF  }
0xc6: {  	(tm) =	ssettm $0x7FFFFFFF  }
0xc7: {  	_ =	shalt  }
tec
execute0_lowered:
.L_overlay_start_1:
0x0: {  	(tag) =	ssettag $0x1  }
0x1: {  	s0 =	rddreg [dreg:$0x0]  }
0x2: {  	s3 =	rddreg [dreg:$0x2]  }
0x3: {  	s1 =	rddreg [dreg:$0x3];
	s2 =	stileid.u32  }
0x4: {  	s5 =	srdreg.scid;
	s4 =	rddreg [dreg:$0x4]  }
0x5: {  	s18 =	simm.s32 $0x3;
	s20 =	simm.s32 $0xA820;
	s28 =	simm.s32 $0x5320  }
0x6: {  	s29 =	simm.s32 $0x1;
	s30 =	simm.s32 $0x2;
	s6 =	smul.u32 $0x50, s2  }
0x7: {  	s19 =	simm.s32 $0x0;
	s7 =	sand.u32 $0x1, s5;
	s16 =	smul.u32 $0x2800, s2  }
0x8: {  	s5 =	simm.s32 $0x0;
	s9 =	sshll.u32 s2, $0x1;
	p0 =	sne.s32 s2, $0x0  }
0x9: {  	s8 =	smul.u32 $0x28000, s7;
	[smem:$0x7FF] =	sst s5;
	s12 =	ssub.s32 $0x2, s7  }
0xa: {  	s7 =	sor.u32 s7, s9;
	s22 =	sshrl.u32 @!p0 s4, $0x3;
	_ =	strace $0x8000004D  }
0xb: {  	s10 =	sadd.s32 s6, s0;
	s6 =	sadd.s32 $0x8800, s0;
	s11 =	sshrl.u32 s16, $0x3  }
0xc: {  	s24 =	sshrl.u32 s12, $0x1;
	s25 =	smul.u32 $0x2710, s7;
	s31 =	sadd.s32 s16, s4  }
0xd: {  	s8 =	sadd.s32 s16, s8;
	s13 =	sadd.s32 s11, s0;
	s17 =	ssub.s32 s12, s24  }
0xe: {  	s10 =	sadd.s32 $0x2600, s10;
	s11 =	sadd.s32 s16, s1;
	s24 =	simm.s32 $0x50  }
0xf: {  	s8 =	sshrl.u32 s8, $0x3;
	s7 =	sadd.s32 $0xD800, s13;
	s9 =	sadd.s32 $0x17800, s13  }
0x10: {  	s26 =	sshrl.u32 s25, $0x3;
	s16 =	smax.u32 s17, $0x1;
	s25 =	sshrl.u32 s31, $0x3  }
0x11: {  	s17 =	simm.s32 $0x4DD0;
	s0 =	sadd.s32 s8, s0;
	s8 =	sadd.s32 $0x12800, s13  }
0x12: {  	s12 =	sadd.s32 s3, s26;
	s13 =	sadd.s32 $0x2C00, s13;
	s26 =	simm.s32 $0x4E20  }
0x13: {  	s14 =	sadd.s32 $0x9C40, s12;
	s15 =	sadd.s32 $0x1C800, s0;
	s0 =	simm.s32 $0x26C0  }
.LBB2_1:
0x14: {  	s3 =	simm.s32 $0x5820  }
0x15: {  	[tilespmem:s3], [sflag:$0x3] =	stream.linear.gather [hbm4b:s7+s5], $0x2800, $0x38;
	[tilespmem:$0x122B0] =	vst v63  }
0x16: {  	_ =	swait.ge [sflag:s18], $0x2800  }
0x17: {  	[sflag:s18] =	ssyncset.done $0x0  }
0x18: {  	s23 =	simm.s32 $0x8020;
	[sflag:s18] =	ssyncadd.s32 $0xFFFFD800  }
0x19: {  	[tilespmem:s23], [sflag:$0x3] =	stream.linear.gather [hbm4b:s8+s5], $0x2800, $0x38;
	[tilespmem:$0x122B0] =	vst v63  }
0x1a: {  	_ =	swait.ge [sflag:s18], $0x2800  }
0x1b: {  	[sflag:s18] =	ssyncset.done $0x0  }
0x1c: {  	[sflag:s18] =	ssyncadd.s32 $0xFFFFD800  }
0x1d: {  	[tilespmem:s20], [sflag:$0x3] =	stream.linear.gather [hbm4b:s9+s5], $0x2800, $0x38;
	[tilespmem:$0x122B0] =	vst v63  }
0x1e: {  	_ =	swait.ge [sflag:s18], $0x2800  }
0x1f: {  	[sflag:s18] =	ssyncset.done $0x0  }
0x20: {  	s23 =	simm.s32 $0xD020;
	[sflag:s18] =	ssyncadd.s32 $0xFFFFD800  }
0x21: {  	[tilespmem:s23], [sflag:$0x3] =	stream.linear.gather [hbm4b:s10+s5], $0x280, $0x38;
	[tilespmem:$0x122B0] =	vst v63  }
0x22: {  	_ =	swait.ge [sflag:s18], $0x280  }
0x23: {  	[sflag:s18] =	ssyncset.done $0x0  }
0x24: {  	[sflag:s18] =	ssyncadd.s32 $0xFFFFFD80  }
0x25: {  	s21 =	simm.s32 $0xD2A0;
	s3 =	rddreg [dreg:$0x1]  }
0x26: {  	[tilespmem:s21], [sflag:$0x3] =	stream.linear.gather [hbm4b:s3+s5], $0x10, $0x38;
	[tilespmem:$0x122B0] =	vst v63  }
0x27: {  	_ =	swait.ge [sflag:s18], $0x10  }
0x28: {  	[sflag:s18] =	ssyncset.done $0x0  }
0x29: {  	[sflag:s18] =	ssyncadd.s32 $0xFFFFFFF0  }
0x2a: {  	s31 =	simm.s32 $0x0;
	v0 =	vld [tilespmem:$0xD2A0]  }
0x2b: {  	v1 =	vld [tilespmem:s31+$0x5820]  }
0x2c: {  	v2 =	vld [tilespmem:s31+$0x8020]  }
0x2d: {  	v3 =	vld [tilespmem:s31+$0x5830]  }
0x2e: {  	v4 =	vld [tilespmem:s31+$0x8030]  }
0x2f: {  	v5 =	vld [tilespmem:s31+$0x5840]  }
0x30: {  	v6 =	vld [tilespmem:s31+$0x8040]  }
0x31: {  	v7 =	vld [tilespmem:s31+$0x5850]  }
0x32: {  	v9 =	vld [tilespmem:s31+$0x8050]  }
0x33: {  	v10 =	vld [tilespmem:s31+$0x5860]  }
0x34: {  	v13 =	vld [tilespmem:s31+$0x8060]  }
0x35: {  	v14 =	vld [tilespmem:s31+$0x5870]  }
0x36: {  	v16 =	vld [tilespmem:s31+$0x8070]  }
0x37: {  	v17 =	vld [tilespmem:s31+$0x5880]  }
0x38: {  	v18 =	vld [tilespmem:s31+$0x8080]  }
0x39: {  	v19 =	vld [tilespmem:s31+$0x5890]  }
0x3a: {  	v20 =	vld [tilespmem:s31+$0x8090]  }
0x3b: {  	v21 =	vld [tilespmem:s31+$0x58A0]  }
0x3c: {  	v22 =	vld [tilespmem:s31+$0x80A0]  }
0x3d: {  	v23 =	vld [tilespmem:s31+$0x58B0]  }
0x3e: {  	v24 =	vld [tilespmem:s31+$0x80B0]  }
0x3f: {  	v25 =	vld [tilespmem:s31+$0x58C0]  }
0x40: {  	v26 =	vld [tilespmem:s31+$0x80C0]  }
0x41: {  	v27 =	vld [tilespmem:s31+$0x58D0]  }
0x42: {  	v28 =	vld [tilespmem:s31+$0x80D0]  }
0x43: {  	v29 =	vld [tilespmem:s31+$0x58E0]  }
0x44: {  	v30 =	vld [tilespmem:s31+$0x80E0]  }
0x45: {  	v12 =	vld [tilespmem:s31+$0x58F0]  }
0x46: {  	v31 =	vld [tilespmem:s31+$0x80F0]  }
0x47: {  	v11 =	vld [tilespmem:s31+$0x5900]  }
0x48: {  	v15 =	vld [tilespmem:s31+$0x8100]  }
0x49: {  	v32 =	vld [tilespmem:s31+$0xA850]  }
0x4a: {  	v8 =	vld [tilespmem:s23+$0x0]  }
0x4b: {  	v33 =	vld [tilespmem:s31+$0xA820]  }
0x4c: {  	v34 =	vld [tilespmem:s31+$0xA830]  }
0x4d: {  	v35 =	vld [tilespmem:s31+$0xA840]  }
0x4e: {  	v36 =	vld [tilespmem:s31+$0xA870];
	v2 =	vadd.f32 v2, v1  }
0x4f: {  	v39 =	vld [tilespmem:s31+$0xA880];
	v3 =	vadd.f32 v4, v3;
	v7 =	vadd.f32 v9, v7;
	v50 =	vbroadcast v8, $0x0  }
0x50: {  	v53 =	vld [tilespmem:s31+$0xA890];
	v5 =	vadd.f32 v6, v5;
	v51 =	vbroadcast v8, $0x1;
	v10 =	vadd.f32 v13, v10  }
0x51: {  	s21 =	simm.s32 $0x100;
	v4 =	vld [tilespmem:s31+$0xA860];
	v52 =	vbroadcast v8, $0x2;
	v14 =	vadd.f32 v16, v14;
	v9 =	vadd.f32 v33, v2  }
0x52: {  	v1 =	vld [tilespmem:s21+$0x5820];
	v37 =	vbroadcast v8, $0x3;
	v17 =	vadd.f32 v18, v17;
	v6 =	vadd.f32 v34, v3  }
0x53: {  	v18 =	vadd.f32 v20, v19;
	v19 =	vld [tilespmem:s31+$0xA8A0];
	v35 =	vadd.f32 v35, v5;
	v9 =	vmul.f32 v9, v50  }
0x54: {  	v40 =	vbroadcast v8, $0x4;
	v2 =	vld [tilespmem:s21+$0x8020];
	v7 =	vadd.f32 v32, v7;
	v38 =	vmul.f32 v6, v51  }
0x55: {  	v3 =	vld [tilespmem:s21+$0x5830];
	v55 =	vadd.f32 v36, v14;
	v35 =	vmul.f32 v35, v52;
	v13 =	vadd.f32 v9, v0  }
0x56: {  	v56 =	vbroadcast v8, $0x5;
	v5 =	vld [tilespmem:s21+$0x8030];
	v4 =	vadd.f32 v4, v10;
	v38 =	vadd.f32 v38, v0  }
0x57: {  	v6 =	vld [tilespmem:s21+$0x5840];
	v7 =	vmul.f32 v7, v37;
	v35 =	vadd.f32 v35, v0;
	v10 =	vmax.f32 v13, $0.0e+00  }
0x58: {  	v9 =	vld [tilespmem:s21+$0x8040];
	v4 =	vmul.f32 v4, v40;
	v13 =	vmax.f32 v38, $0.0e+00;
	v33 =	vmul.f32 v10, v50  }
0x59: {  	v7 =	vadd.f32 v7, v0;
	v54 =	vmax.f32 v35, $0.0e+00;
	v10 =	vld [tilespmem:s21+$0x5850];
	v16 =	vmul.f32 v13, v51  }
0x5a: {  	v20 =	vmul.f32 v55, v56;
	v13 =	vld [tilespmem:s21+$0x8050];
	v32 =	vmul.f32 v54, v52;
	v4 =	vadd.f32 v4, v0;
	[tilespmem:s31+$0xA820] =	vst v33  }
0x5b: {  	v57 =	vbroadcast v8, $0x6;
	v17 =	vadd.f32 v39, v17;
	v7 =	vmax.f32 v7, $0.0e+00;
	v14 =	vld [tilespmem:s21+$0x5860];
	[tilespmem:s31+$0xA830] =	vst v16  }
0x5c: {  	v20 =	vadd.f32 v20, v0;
	v7 =	vmul.f32 v7, v37;
	v4 =	vmax.f32 v4, $0.0e+00;
	v16 =	vld [tilespmem:s31+$0xA8B0];
	[tilespmem:s31+$0xA840] =	vst v32  }
0x5d: {  	v21 =	vadd.f32 v22, v21;
	v17 =	vmul.f32 v17, v57;
	v4 =	vmul.f32 v4, v40;
	v32 =	vld [tilespmem:s21+$0x8060]  }
0x5e: {  	v18 =	vadd.f32 v53, v18;
	v20 =	vmax.f32 v20, $0.0e+00;
	[tilespmem:s31+$0xA850] =	vst v7;
	v7 =	vadd.f32 v24, v23;
	v24 =	vld [tilespmem:s31+$0xA8C0]  }
0x5f: {  	v17 =	vadd.f32 v17, v0;
	v20 =	vmul.f32 v20, v56;
	v23 =	vbroadcast v8, $0x7;
	v58 =	vld [tilespmem:s21+$0x5870];
	[tilespmem:s31+$0xA860] =	vst v4  }
0x60: {  	v19 =	vadd.f32 v19, v21;
	v4 =	vbroadcast v8, $0x8;
	v59 =	vld [tilespmem:s21+$0x8070]  }
0x61: {  	v17 =	vmax.f32 v17, $0.0e+00;
	v18 =	vmul.f32 v18, v23;
	v60 =	vld [tilespmem:s21+$0x5880];
	[tilespmem:s31+$0xA870] =	vst v20  }
0x62: {  	v21 =	vadd.f32 v26, v25;
	v17 =	vmul.f32 v17, v57;
	v19 =	vmul.f32 v19, v4;
	v61 =	vld [tilespmem:s21+$0x8080]  }
0x63: {  	v62 =	vld [tilespmem:s21+$0x5890];
	v7 =	vadd.f32 v16, v7;
	v16 =	vbroadcast v8, $0x9;
	v18 =	vadd.f32 v18, v0  }
0x64: {  	v63 =	vld [tilespmem:s21+$0x8090];
	[tilespmem:s31+$0xA880] =	vst v17;
	v17 =	vbroadcast v8, $0xA;
	v19 =	vadd.f32 v19, v0  }
0x65: {  	v20 =	vld [tilespmem:s31+$0xA8D0];
	v21 =	vadd.f32 v24, v21;
	v7 =	vmul.f32 v7, v16;
	v18 =	vmax.f32 v18, $0.0e+00  }
0x66: {  	v22 =	vld [tilespmem:s31+$0x5910];
	v18 =	vmul.f32 v18, v23  }
0x67: {  	v23 =	vld [tilespmem:s31+$0xA8E0];
	v19 =	vmax.f32 v19, $0.0e+00;
	v21 =	vmul.f32 v21, v17;
	v7 =	vadd.f32 v7, v0  }
0x68: {  	v26 =	vld [tilespmem:s31+$0xA900];
	v24 =	vadd.f32 v28, v27;
	v19 =	vmul.f32 v19, v4  }
0x69: {  	v25 =	vadd.f32 v30, v29;
	[tilespmem:s31+$0xA890] =	vst v18;
	v18 =	vld [tilespmem:s31+$0xA8F0];
	v21 =	vadd.f32 v21, v0;
	v7 =	vmax.f32 v7, $0.0e+00  }
0x6a: {  	v4 =	vld [tilespmem:s21+$0x58A0];
	[tilespmem:s31+$0xA8A0] =	vst v19;
	v19 =	vadd.f32 v20, v24;
	v20 =	vbroadcast v8, $0xB;
	v16 =	vmul.f32 v7, v16  }
0x6b: {  	v11 =	vadd.f32 v15, v11;
	v27 =	vadd.f32 v31, v12;
	v24 =	vld [tilespmem:s31+$0x8110];
	v21 =	vmax.f32 v21, $0.0e+00  }
0x6c: {  	v7 =	vld [tilespmem:s21+$0x80A0];
	v23 =	vadd.f32 v23, v25;
	v19 =	vmul.f32 v19, v20;
	[tilespmem:s31+$0xA8B0] =	vst v16;
	v16 =	vbroadcast v8, $0xC  }
0x6d: {  	v11 =	vadd.f32 v26, v11;
	v26 =	vld [tilespmem:s31+$0xA910];
	v21 =	vmul.f32 v21, v17;
	v25 =	vbroadcast v8, $0xD  }
0x6e: {  	v12 =	vld [tilespmem:s21+$0x58B0];
	v15 =	vadd.f32 v18, v27;
	v19 =	vadd.f32 v19, v0;
	v23 =	vmul.f32 v23, v16  }
0x6f: {  	v17 =	vld [tilespmem:s21+$0x80B0];
	v27 =	vbroadcast v8, $0xE  }
0x70: {  	v18 =	vld [tilespmem:s21+$0x58C0];
	[tilespmem:s31+$0xA8C0] =	vst v21;
	v15 =	vmul.f32 v15, v25;
	v19 =	vmax.f32 v19, $0.0e+00;
	v23 =	vadd.f32 v23, v0  }
0x71: {  	v21 =	vld [tilespmem:s21+$0x80C0];
	v24 =	vadd.f32 v24, v22;
	v19 =	vmul.f32 v19, v20  }
0x72: {  	v22 =	vld [tilespmem:s21+$0x58D0];
	v11 =	vmul.f32 v11, v27;
	v15 =	vadd.f32 v15, v0;
	v20 =	vmax.f32 v23, $0.0e+00  }
0x73: {  	v8 =	vbroadcast v8, $0xF;
	v23 =	vld [tilespmem:s21+$0x80D0];
	[tilespmem:s31+$0xA8D0] =	vst v19;
	v19 =	vadd.f32 v26, v24;
	v16 =	vmul.f32 v20, v16  }
0x74: {  	v11 =	vadd.f32 v11, v0;
	v15 =	vmax.f32 v15, $0.0e+00  }
0x75: {  	v24 =	vld [tilespmem:s21+$0x58E0];
	v15 =	vmul.f32 v15, v25;
	[tilespmem:s31+$0xA8E0] =	vst v16;
	v16 =	vmul.f32 v19, v8  }
0x76: {  	v11 =	vmax.f32 v11, $0.0e+00  }
0x77: {  	v11 =	vmul.f32 v11, v27;
	v25 =	vld [tilespmem:s21+$0x80E0];
	[tilespmem:s31+$0xA8F0] =	vst v15;
	v15 =	vadd.f32 v16, v0;
	_ =	sdelay $0x1  }
0x78: {  	v26 =	vld [tilespmem:s21+$0x58F0];
	[tilespmem:s31+$0xA900] =	vst v11;
	v11 =	vmax.f32 v15, $0.0e+00  }
0x79: {  	v27 =	vld [tilespmem:s21+$0x80F0];
	v8 =	vmul.f32 v11, v8  }
0x7a: {  	v29 =	vld [tilespmem:s21+$0x5900]  }
0x7b: {  	v30 =	vld [tilespmem:s21+$0x8100];
	[tilespmem:s31+$0xA910] =	vst v8  }
0x7c: {  	v19 =	vld [tilespmem:s21+$0x5910]  }
0x7d: {  	v20 =	vld [tilespmem:s21+$0x8110]  }
0x7e: {  	v11 =	vld [tilespmem:s21+$0xA900]  }
0x7f: {  	v3 =	vadd.f32 v5, v3;
	v28 =	vadd.f32 v2, v1;
	v1 =	vld [tilespmem:s21+$0xA8E0]  }
0x80: {  	v5 =	vadd.f32 v9, v6;
	v13 =	vadd.f32 v13, v10;
	v2 =	vld [tilespmem:s21+$0xA8D0]  }
0x81: {  	v6 =	vadd.f32 v59, v58;
	v16 =	vadd.f32 v63, v62;
	v31 =	vld [tilespmem:s21+$0xA8B0]  }
0x82: {  	v8 =	vadd.f32 v32, v14;
	v14 =	vadd.f32 v61, v60;
	s31 =	simm.s32 $0x800;
	v15 =	vld [tilespmem:s21+$0xA850]  }
.LBB2_2:
0x83: {  	p1 =	sne.s32 s31, $0x9C00;
	v32 =	vld [tilespmem:s21+$0xA830];
	v4 =	vadd.f32 v7, v4;
	v17 =	vadd.f32 v17, v12  }
0x84: {  	v18 =	vadd.f32 v21, v18;
	v21 =	vadd.f32 v23, v22;
	s23 =	sadd.s32 $0x10, s23;
	v33 =	vld [tilespmem:s21+$0xA820]  }
0x85: {  	v12 =	vadd.f32 v25, v24;
	v22 =	vadd.f32 v30, v29;
	v9 =	vld [tilespmem:s23+$0x0]  }
0x86: {  	v7 =	vadd.f32 v27, v26;
	v10 =	vadd.f32 v20, v19;
	v23 =	vld [tilespmem:s21+$0xA840]  }
0x87: {  	v12 =	vadd.f32 v1, v12;
	v11 =	vadd.f32 v11, v22;
	v19 =	vld [tilespmem:s21+$0xA870]  }
0x88: {  	s3 =	sshra.s32 s31, $0x2;
	v21 =	vadd.f32 v2, v21;
	v17 =	vadd.f32 v31, v17;
	v20 =	vld [tilespmem:s21+$0xA860]  }
0x89: {  	v13 =	vadd.f32 v15, v13;
	v22 =	vadd.f32 v32, v3;
	v1 =	vld [tilespmem:s3+$0x5820]  }
0x8a: {  	v15 =	vadd.f32 v33, v28;
	v2 =	vld [tilespmem:s3+$0x8020];
	v24 =	vbroadcast v9, $0x0;
	v25 =	vbroadcast v9, $0x1  }
0x8b: {  	v26 =	vbroadcast v9, $0x2;
	v27 =	vbroadcast v9, $0x3;
	v3 =	vld [tilespmem:s3+$0x5830];
	v23 =	vadd.f32 v23, v5  }
0x8c: {  	v5 =	vld [tilespmem:s3+$0x8030];
	v15 =	vmul.f32 v15, v24;
	v22 =	vmul.f32 v22, v25;
	v19 =	vadd.f32 v19, v6  }
0x8d: {  	v13 =	vmul.f32 v13, v27;
	v6 =	vld [tilespmem:s3+$0x5840];
	v23 =	vmul.f32 v23, v26;
	v20 =	vadd.f32 v20, v8  }
0x8e: {  	v28 =	vbroadcast v9, $0x4;
	v15 =	vadd.f32 v15, v0;
	v22 =	vadd.f32 v22, v0;
	v29 =	vld [tilespmem:s21+$0xA890]  }
0x8f: {  	v31 =	vbroadcast v9, $0x5;
	v30 =	vadd.f32 v13, v0;
	v23 =	vadd.f32 v23, v0;
	v32 =	vld [tilespmem:s21+$0xA880]  }
0x90: {  	v20 =	vmul.f32 v20, v28;
	v8 =	vld [tilespmem:s3+$0x8040];
	v13 =	vmax.f32 v15, $0.0e+00;
	v15 =	vmax.f32 v22, $0.0e+00  }
0x91: {  	v22 =	vmul.f32 v13, v24;
	v24 =	vmul.f32 v15, v25;
	v15 =	vmax.f32 v23, $0.0e+00;
	v23 =	vld [tilespmem:s21+$0xA8A0]  }
0x92: {  	v20 =	vadd.f32 v20, v0;
	v13 =	vld [tilespmem:s3+$0x5850];
	v25 =	vmul.f32 v15, v26;
	v26 =	vmax.f32 v30, $0.0e+00  }
0x93: {  	v19 =	vmul.f32 v19, v31;
	v15 =	vld [tilespmem:s3+$0x8050];
	[tilespmem:s21+$0xA820] =	vst v22;
	v22 =	vmul.f32 v26, v27;
	v26 =	vadd.f32 v29, v16  }
0x94: {  	v20 =	vmax.f32 v20, $0.0e+00;
	v16 =	vld [tilespmem:s3+$0x5860];
	[tilespmem:s21+$0xA830] =	vst v24;
	v14 =	vadd.f32 v32, v14;
	v24 =	vbroadcast v9, $0x6  }
0x95: {  	v19 =	vadd.f32 v19, v0;
	v20 =	vmul.f32 v20, v28;
	[tilespmem:s21+$0xA840] =	vst v25;
	v25 =	vbroadcast v9, $0x7;
	v27 =	vld [tilespmem:s21+$0xA8C0]  }
0x96: {  	v32 =	vld [tilespmem:s3+$0x8060];
	[tilespmem:s21+$0xA850] =	vst v22;
	v14 =	vmul.f32 v14, v24;
	v4 =	vadd.f32 v23, v4;
	v22 =	vbroadcast v9, $0x8  }
0x97: {  	v19 =	vmax.f32 v19, $0.0e+00;
	v23 =	vbroadcast v9, $0x9;
	v33 =	vld [tilespmem:s3+$0x5870];
	[tilespmem:s21+$0xA860] =	vst v20;
	v20 =	vmul.f32 v26, v25  }
0x98: {  	v19 =	vmul.f32 v19, v31;
	v34 =	vld [tilespmem:s3+$0x8070];
	v14 =	vadd.f32 v14, v0;
	v4 =	vmul.f32 v4, v22  }
0x99: {  	v26 =	vbroadcast v9, $0xA;
	v17 =	vmul.f32 v17, v23;
	v35 =	vld [tilespmem:s3+$0x5880];
	v20 =	vadd.f32 v20, v0  }
0x9a: {  	[tilespmem:s21+$0xA870] =	vst v19;
	v14 =	vmax.f32 v14, $0.0e+00;
	v4 =	vadd.f32 v4, v0;
	v18 =	vadd.f32 v27, v18;
	v19 =	vld [tilespmem:s21+$0xA8F0]  }
0x9b: {  	v17 =	vadd.f32 v17, v0;
	v36 =	vld [tilespmem:s3+$0x8080];
	v14 =	vmul.f32 v14, v24;
	v20 =	vmax.f32 v20, $0.0e+00  }
0x9c: {  	v37 =	vld [tilespmem:s3+$0x5890];
	v20 =	vmul.f32 v20, v25;
	v4 =	vmax.f32 v4, $0.0e+00;
	v18 =	vmul.f32 v18, v26  }
0x9d: {  	v38 =	vld [tilespmem:s3+$0x8090];
	[tilespmem:s21+$0xA880] =	vst v14;
	v14 =	vmul.f32 v4, v22;
	v4 =	vmax.f32 v17, $0.0e+00;
	v22 =	vbroadcast v9, $0xB  }
0x9e: {  	[tilespmem:s21+$0xA890] =	vst v20;
	v17 =	vmul.f32 v4, v23;
	v18 =	vadd.f32 v18, v0;
	v20 =	vbroadcast v9, $0xC;
	v23 =	vld [tilespmem:s21+$0xA910]  }
0x9f: {  	v24 =	vbroadcast v9, $0xD;
	v4 =	vld [tilespmem:s3+$0x58A0];
	[tilespmem:s21+$0xA8A0] =	vst v14;
	v14 =	vmul.f32 v21, v22;
	v19 =	vadd.f32 v19, v7  }
0xa0: {  	v25 =	vbroadcast v9, $0xE;
	v7 =	vld [tilespmem:s3+$0x80A0];
	[tilespmem:s21+$0xA8B0] =	vst v17;
	v17 =	vmax.f32 v18, $0.0e+00;
	v18 =	vmul.f32 v12, v20  }
0xa1: {  	v12 =	vld [tilespmem:s3+$0x58B0];
	v21 =	vmul.f32 v17, v26;
	v14 =	vadd.f32 v14, v0;
	v19 =	vmul.f32 v19, v24  }
0xa2: {  	v11 =	vmul.f32 v11, v25;
	v9 =	vbroadcast v9, $0xF;
	v17 =	vld [tilespmem:s3+$0x80B0];
	v26 =	vadd.f32 v18, v0  }
0xa3: {  	v18 =	vld [tilespmem:s3+$0x58C0];
	[tilespmem:s21+$0xA8C0] =	vst v21;
	v14 =	vmax.f32 v14, $0.0e+00;
	v19 =	vadd.f32 v19, v0;
	v10 =	vadd.f32 v23, v10  }
0xa4: {  	v11 =	vadd.f32 v11, v0;
	v21 =	vld [tilespmem:s3+$0x80C0];
	v14 =	vmul.f32 v14, v22;
	v23 =	vmax.f32 v26, $0.0e+00  }
0xa5: {  	v22 =	vld [tilespmem:s3+$0x58D0];
	v20 =	vmul.f32 v23, v20;
	v19 =	vmax.f32 v19, $0.0e+00;
	v10 =	vmul.f32 v10, v9  }
0xa6: {  	v11 =	vmax.f32 v11, $0.0e+00;
	v23 =	vld [tilespmem:s3+$0x80D0];
	[tilespmem:s21+$0xA8D0] =	vst v14;
	v14 =	vmul.f32 v19, v24  }
0xa7: {  	v11 =	vmul.f32 v11, v25;
	v24 =	vld [tilespmem:s3+$0x58E0];
	[tilespmem:s21+$0xA8E0] =	vst v20;
	v10 =	vadd.f32 v10, v0  }
0xa8: {  	v25 =	vld [tilespmem:s3+$0x80E0];
	[tilespmem:s21+$0xA8F0] =	vst v14  }
0xa9: {  	v26 =	vld [tilespmem:s3+$0x58F0];
	[tilespmem:s21+$0xA900] =	vst v11;
	v10 =	vmax.f32 v10, $0.0e+00  }
0xaa: {  	v27 =	vld [tilespmem:s3+$0x80F0];
	v9 =	vmul.f32 v10, v9  }
0xab: {  	v29 =	vld [tilespmem:s3+$0x5900]  }
0xac: {  	v30 =	vld [tilespmem:s3+$0x8100];
	[tilespmem:s21+$0xA910] =	vst v9;
	s21 =	smov.u32 s3  }
0xad: {  	v19 =	vld [tilespmem:s21+$0x5910]  }
0xae: {  	v20 =	vld [tilespmem:s21+$0x8110]  }
.Ltmp0:
0xaf: {  	v11 =	vld [tilespmem:s21+$0xA900];
	(pc) =	sbr.rel @p1 .LBB2_2-.Ltmp0, $4  }
0xb0: {  	v3 =	vadd.f32 v5, v3;
	v28 =	vadd.f32 v2, v1;
	v1 =	vld [tilespmem:s21+$0xA8E0]  }
0xb1: {  	v5 =	vadd.f32 v8, v6;
	v13 =	vadd.f32 v15, v13;
	v2 =	vld [tilespmem:s21+$0xA8D0]  }
0xb2: {  	v8 =	vadd.f32 v32, v16;
	v6 =	vadd.f32 v34, v33;
	v31 =	vld [tilespmem:s21+$0xA8B0]  }
0xb3: {  	s31 =	sadd.s32 $0x400, s31;
	v16 =	vadd.f32 v38, v37;
	v14 =	vadd.f32 v36, v35;
	v15 =	vld [tilespmem:s21+$0xA850]  }
0xb4: {  	s3 =	sadd.s32 $0x10, s23;
	v4 =	vadd.f32 v7, v4;
	v47 =	vadd.f32 v17, v12  }
0xb5: {  	v48 =	vadd.f32 v21, v18;
	v49 =	vadd.f32 v23, v22;
	v12 =	vld [tilespmem:s3+$0x0]  }
0xb6: {  	v9 =	vld [tilespmem:s21+$0xA830];
	v51 =	vadd.f32 v25, v24;
	v52 =	vadd.f32 v30, v29  }
0xb7: {  	v10 =	vld [tilespmem:s21+$0xA820];
	v25 =	vadd.f32 v27, v26;
	v41 =	vadd.f32 v20, v19  }
0xb8: {  	v50 =	vld [tilespmem:s21+$0xA840];
	v1 =	vadd.f32 v1, v51;
	v2 =	vadd.f32 v2, v49  }
0xb9: {  	v53 =	vld [tilespmem:s21+$0xA870];
	v52 =	vadd.f32 v11, v52;
	v7 =	vadd.f32 v31, v47  }
0xba: {  	v54 =	vld [tilespmem:s21+$0xA860];
	v55 =	vadd.f32 v15, v13;
	v56 =	vbroadcast v12, $0x0;
	v57 =	vbroadcast v12, $0x1  }
0xbb: {  	v61 =	vld [tilespmem:s21+$0xA880];
	v3 =	vadd.f32 v9, v3;
	v58 =	vbroadcast v12, $0x2;
	v59 =	vbroadcast v12, $0x3  }
0xbc: {  	v62 =	vld [tilespmem:s21+$0xA890];
	v10 =	vadd.f32 v10, v28;
	v60 =	vbroadcast v12, $0x4;
	v63 =	vbroadcast v12, $0x5  }
0xbd: {  	v30 =	vld [tilespmem:s21+$0xA8A0];
	v5 =	vadd.f32 v50, v5;
	v32 =	vbroadcast v12, $0x6;
	v34 =	vbroadcast v12, $0x7  }
0xbe: {  	v45 =	vld [tilespmem:s21+$0xA8F0];
	v6 =	vadd.f32 v53, v6;
	v39 =	vbroadcast v12, $0x8;
	v40 =	vbroadcast v12, $0x9  }
0xbf: {  	v8 =	vadd.f32 v54, v8;
	v44 =	vbroadcast v12, $0xA;
	v50 =	vbroadcast v12, $0xB  }
0xc0: {  	v31 =	vadd.f32 v61, v14;
	v53 =	vbroadcast v12, $0xC;
	v10 =	vmul.f32 v10, v56  }
0xc1: {  	v33 =	vadd.f32 v62, v16;
	v3 =	vmul.f32 v3, v57;
	v5 =	vmul.f32 v5, v58  }
0xc2: {  	v4 =	vadd.f32 v30, v4;
	v9 =	vmul.f32 v55, v59;
	v8 =	vmul.f32 v8, v60  }
0xc3: {  	v54 =	vadd.f32 v45, v25;
	v6 =	vmul.f32 v6, v63;
	v36 =	vmul.f32 v31, v32  }
0xc4: {  	v38 =	vmul.f32 v33, v34;
	v4 =	vmul.f32 v4, v39;
	v10 =	vadd.f32 v10, v0  }
0xc5: {  	v7 =	vmul.f32 v7, v40;
	v3 =	vadd.f32 v3, v0;
	v5 =	vadd.f32 v5, v0  }
0xc6: {  	v51 =	vld [tilespmem:s21+$0xA910];
	v2 =	vmul.f32 v2, v50;
	v9 =	vadd.f32 v9, v0;
	v8 =	vadd.f32 v8, v0  }
0xc7: {  	v55 =	vbroadcast v12, $0xD;
	v35 =	vadd.f32 v6, v0;
	v6 =	vadd.f32 v36, v0  }
0xc8: {  	v1 =	vmul.f32 v1, v53;
	v13 =	vadd.f32 v38, v0;
	v4 =	vadd.f32 v4, v0  }
0xc9: {  	v46 =	vadd.f32 v7, v0;
	v2 =	vadd.f32 v2, v0;
	v10 =	vmax.f32 v10, $0.0e+00  }
0xca: {  	v11 =	vmul.f32 v54, v55;
	v3 =	vmax.f32 v3, $0.0e+00;
	v10 =	vmul.f32 v10, v56  }
0xcb: {  	v7 =	vadd.f32 v51, v41;
	v5 =	vmax.f32 v5, $0.0e+00;
	v3 =	vmul.f32 v3, v57  }
0xcc: {  	v1 =	vadd.f32 v1, v0;
	v9 =	vmax.f32 v9, $0.0e+00;
	v5 =	vmul.f32 v5, v58;
	[tilespmem:s21+$0xA820] =	vst v10  }
0xcd: {  	v37 =	vld [tilespmem:s21+$0xA8C0];
	v8 =	vmax.f32 v8, $0.0e+00;
	v6 =	vmax.f32 v6, $0.0e+00;
	v9 =	vmul.f32 v9, v59;
	[tilespmem:s21+$0xA830] =	vst v3  }
0xce: {  	v43 =	vmax.f32 v13, $0.0e+00;
	v49 =	vmax.f32 v46, $0.0e+00;
	v8 =	vmul.f32 v8, v60;
	[tilespmem:s21+$0xA840] =	vst v5  }
0xcf: {  	v2 =	vmax.f32 v2, $0.0e+00;
	v42 =	vmul.f32 v6, v32;
	v56 =	vbroadcast v12, $0xE;
	[tilespmem:s21+$0xA850] =	vst v9  }
0xd0: {  	v1 =	vmax.f32 v1, $0.0e+00;
	v12 =	vbroadcast v12, $0xF;
	v2 =	vmul.f32 v2, v50;
	[tilespmem:s21+$0xA860] =	vst v8  }
0xd1: {  	v58 =	vadd.f32 v11, v0;
	v1 =	vmul.f32 v1, v53;
	v3 =	vmul.f32 v43, v34;
	[tilespmem:s21+$0xA880] =	vst v42  }
0xd2: {  	v10 =	vadd.f32 v37, v48;
	v48 =	vmax.f32 v4, $0.0e+00;
	v57 =	vmul.f32 v52, v56;
	[tilespmem:s21+$0xA8D0] =	vst v2  }
0xd3: {  	v5 =	vmax.f32 v35, $0.0e+00;
	v7 =	vmul.f32 v7, v12;
	[tilespmem:s21+$0xA890] =	vst v3;
	v3 =	vmul.f32 v48, v39  }
0xd4: {  	[tilespmem:s21+$0xA8E0] =	vst v1;
	v5 =	vmul.f32 v5, v63;
	v47 =	vmul.f32 v10, v44;
	v59 =	vadd.f32 v57, v0  }
0xd5: {  	v4 =	vmul.f32 v49, v40;
	v60 =	vadd.f32 v7, v0;
	[tilespmem:s21+$0xA8A0] =	vst v3;
	v3 =	vmax.f32 v58, $0.0e+00  }
0xd6: {  	[tilespmem:s21+$0xA870] =	vst v5;
	v5 =	vadd.f32 v47, v0;
	v62 =	vmax.f32 v59, $0.0e+00;
	v61 =	vmul.f32 v3, v55  }
0xd7: {  	[tilespmem:s21+$0xA8B0] =	vst v4;
	v0 =	vmax.f32 v60, $0.0e+00;
	v63 =	vmul.f32 v62, v56  }
0xd8: {  	v0 =	vmul.f32 v0, v12;
	v5 =	vmax.f32 v5, $0.0e+00;
	[tilespmem:s21+$0xA8F0] =	vst v61  }
0xd9: {  	v5 =	vmul.f32 v5, v44;
	[tilespmem:s21+$0xA900] =	vst v63  }
0xda: {  	[tilespmem:s21+$0xA910] =	vst v0  }
0xdb: {  	[tilespmem:s21+$0xA8C0] =	vst v5  }
0xdc: {  	[spmem:s11] =	stream.linear.scatter [tilespmem:s20], [sflag:$0x3], $0x2800, $0x38;
	[tilespmem:$0x122B0] =	vst v63  }
0xdd: {  	_ =	swait.ge [sflag:s18], $0x2800  }
0xde: {  	[sflag:s18] =	ssyncset.done $0x0  }
0xdf: {  	[sflag:s18] =	ssyncadd.s32 $0xFFFFD800  }
0xe0: {  	[hbm4b:s13+s5] =	stream.linear.scatter [tilespmem:s20], [sflag:$0x3], $0x2800, $0x38;
	[tilespmem:$0x122B0] =	vst v63  }
0xe1: {  	_ =	swait.ge [sflag:s18], $0x2800  }
0xe2: {  	[sflag:s18] =	ssyncset.done $0x0  }
0xe3: {  	s3 =	simm.s32 @!p0 $0x1C03;
	[sflag:s18] =	ssyncadd.s32 $0xFFFFD800  }
0xe4: {  	[spmem:s22], [sflag:s3] =	dma.local @!p0 [hbm:s6], $0x5000  }
0xe5: {  	s3 =	simm.s32 @!p0 $0x3  }
0xe6: {  	_ =	swait.ge @!p0 [sflag:s3], $0x5000  }
0xe7: {  	[sflag:s3] =	ssyncset.done @!p0 $0x0  }
0xe8: {  	[sflag:s3] =	ssyncadd.s32 @!p0 $0xFFFFB000  }
0xe9: {  	s23 =	simm.s32 $0x0;
	[bflag:$0x0] =	sbarrier.arrive $0xFFFF  }
0xea: {  	[tilespmem:s23], [sflag:$0x3] =	stream.linear.gather [hbm4b:s12+s23], $0x2710, $0x38;
	[tilespmem:$0x122B0] =	vst v63  }
0xeb: {  	_ =	swait.ge [sflag:s18], $0x2710  }
0xec: {  	[sflag:s18] =	ssyncset.done $0x0  }
0xed: {  	s31 =	simm.s32 $0x2710;
	[sflag:s18] =	ssyncadd.s32 $0xFFFFD8F0  }
0xee: {  	[tilespmem:s31], [sflag:$0x3] =	stream.linear.gather [hbm4b:s14+s23], $0x2710, $0x38;
	[tilespmem:$0x122B0] =	vst v63  }
0xef: {  	_ =	swait.ge [sflag:s18], $0x2710  }
0xf0: {  	[sflag:s18] =	ssyncset.done $0x0  }
0xf1: {  	[sflag:s18] =	ssyncadd.s32 $0xFFFFD8F0  }
0xf2: {  	[tilespmem:s26], [sflag:$0x1] =	stream.indirect.gather [spmem:s1], $0x10, s23, s24, $0xb8;
	[tilespmem:$0x122B0] =	vst v63  }
0xf3: {  	_ = 	snop  }
0xf4: {  	[tilespmem:s28], [sflag:$0x2] =	stream.indirect.gather [spmem:s1], $0x10, s24, s24, $0xb8;
	[tilespmem:$0x122B0] =	vst v63  }
0xf5: {  	_ =	swait.ge [sflag:s29], $0x500  }
0xf6: {  	[sflag:s29] =	ssyncset.done $0x0  }
0xf7: {  	s21 =	simm.s32 $0x2710;
	[sflag:s29] =	ssyncadd.s32 $0xFFFFFB00  }
0xf8: {  	[spmem:s4] =	stream.indirect.scatter.add.f32 [tilespmem:s26], [sflag:$0x3], $0x10, s21, s24, $0xb8;
	[tilespmem:$0x122B0] =	vst v63  }
0xf9: {  	_ =	swait.ge [sflag:s18], $0x500  }
0xfa: {  	[sflag:s18] =	ssyncset.done $0x0  }
0xfb: {  	s23 =	simm.s32 $0xA0;
	[sflag:s18] =	ssyncadd.s32 $0xFFFFFB00  }
0xfc: {  	[tilespmem:s26], [sflag:$0x1] =	stream.indirect.gather [spmem:s1], $0x10, s23, s24, $0xb8;
	[tilespmem:$0x122B0] =	vst v63  }
0xfd: {  	_ =	swait.ge [sflag:s30], $0x500  }
0xfe: {  	[sflag:s30] =	ssyncset.done $0x0  }
0xff: {  	s31 =	simm.s32 $0x2760;
	[sflag:s30] =	ssyncadd.s32 $0xFFFFFB00  }
0x100: {  	[spmem:s4] =	stream.indirect.scatter.add.f32 [tilespmem:s28], [sflag:$0x3], $0x10, s31, s24, $0xb8;
	[tilespmem:$0x122B0] =	vst v63  }
0x101: {  	_ =	swait.ge [sflag:s18], $0x500  }
0x102: {  	[sflag:s18] =	ssyncset.done $0x0  }
0x103: {  	s3 =	simm.s32 $0x280;
	s21 =	simm.s32 $0xF0;
	[sflag:s18] =	ssyncadd.s32 $0xFFFFFB00  }
.LBB2_4:
0x104: {  	[tilespmem:s28], [sflag:$0x2] =	stream.indirect.gather [spmem:s1], $0x10, s21, s24, $0xb8;
	[tilespmem:$0x122B0] =	vst v63  }
0x105: {  	s21 =	smov.u32 s3  }
0x106: {  	p1 =	sne.s32 s3, $0x9600;
	s3 =	sadd.s32 $0x280, s3;
	_ =	swait.ge [sflag:s29], $0x500  }
0x107: {  	s21 =	sshra.s32 s21, $0x2;
	[sflag:s29] =	ssyncset.done $0x0  }
0x108: {  	s23 =	sadd.s32 $0x2710, s21;
	[sflag:s29] =	ssyncadd.s32 $0xFFFFFB00  }
0x109: {  	[spmem:s4] =	stream.indirect.scatter.add.f32 [tilespmem:s26], [sflag:$0x3], $0x10, s23, s24, $0xb8;
	[tilespmem:$0x122B0] =	vst v63  }
0x10a: {  	_ =	swait.ge [sflag:s18], $0x500  }
0x10b: {  	[sflag:s18] =	ssyncset.done $0x0  }
0x10c: {  	s23 =	sadd.s32 $0xA0, s21;
	[sflag:s18] =	ssyncadd.s32 $0xFFFFFB00  }
0x10d: {  	[tilespmem:s26], [sflag:$0x1] =	stream.indirect.gather [spmem:s1], $0x10, s23, s24, $0xb8;
	[tilespmem:$0x122B0] =	vst v63  }
0x10e: {  	_ =	swait.ge [sflag:s30], $0x500  }
0x10f: {  	[sflag:s30] =	ssyncset.done $0x0  }
.Ltmp1:
0x110: {  	s23 =	sadd.s32 $0x2760, s21;
	[sflag:s30] =	ssyncadd.s32 $0xFFFFFB00;
	(pc) =	sbr.rel @p1 .LBB2_4-.Ltmp1, $4  }
0x111: {  	[spmem:s4] =	stream.indirect.scatter.add.f32 [tilespmem:s28], [sflag:$0x3], $0x10, s23, s24, $0xb8;
	[tilespmem:$0x122B0] =	vst v63  }
0x112: {  	_ =	swait.ge [sflag:s18], $0x500  }
0x113: {  	[sflag:s18] =	ssyncset.done $0x0  }
0x114: {  	s21 =	sadd.s32 $0xF0, s21;
	[sflag:s18] =	ssyncadd.s32 $0xFFFFFB00  }
0x115: {  	[tilespmem:s28], [sflag:$0x2] =	stream.indirect.gather [spmem:s1], $0x10, s21, s24, $0xb8;
	[tilespmem:$0x122B0] =	vst v63  }
0x116: {  	_ =	swait.ge [sflag:s29], $0x500  }
0x117: {  	[sflag:s29] =	ssyncset.done $0x0  }
0x118: {  	s3 =	simm.s32 $0x4D30;
	[sflag:s29] =	ssyncadd.s32 $0xFFFFFB00  }
0x119: {  	[spmem:s4] =	stream.indirect.scatter.add.f32 [tilespmem:s26], [sflag:$0x3], $0x10, s3, s24, $0xb8;
	[tilespmem:$0x122B0] =	vst v63  }
0x11a: {  	_ =	swait.ge [sflag:s18], $0x500  }
0x11b: {  	[sflag:s18] =	ssyncset.done $0x0  }
0x11c: {  	[sflag:s18] =	ssyncadd.s32 $0xFFFFFB00  }
0x11d: {  	_ =	swait.ge [sflag:s30], $0x500  }
0x11e: {  	[sflag:s30] =	ssyncset.done $0x0  }
0x11f: {  	s23 =	simm.s32 $0x4D80;
	[sflag:s30] =	ssyncadd.s32 $0xFFFFFB00  }
0x120: {  	[spmem:s4] =	stream.indirect.scatter.add.f32 [tilespmem:s28], [sflag:$0x3], $0x10, s23, s24, $0xb8;
	[tilespmem:$0x122B0] =	vst v63  }
0x121: {  	_ =	swait.ge [sflag:s18], $0x500  }
0x122: {  	[sflag:s18] =	ssyncset.done $0x0  }
0x123: {  	[sflag:s18] =	ssyncadd.s32 $0xFFFFFB00  }
0x124: {  	[tilespmem:s26], [sflag:$0x1] =	stream.indirect.gather [spmem:s1], $0x10, s0, s24, $0xb8;
	[tilespmem:$0x122B0] =	vst v63  }
0x125: {  	_ =	swait.ge [sflag:s29], $0x500  }
0x126: {  	[sflag:s29] =	ssyncset.done $0x0  }
0x127: {  	[sflag:s29] =	ssyncadd.s32 $0xFFFFFB00  }
0x128: {  	[spmem:s4] =	stream.indirect.scatter.add.f32 [tilespmem:s26], [sflag:$0x3], $0x10, s17, s24, $0xb8;
	[tilespmem:$0x122B0] =	vst v63  }
0x129: {  	_ =	swait.ge [sflag:s18], $0x500  }
0x12a: {  	s19 =	sadd.s32 $0x1, s19;
	[sflag:s18] =	ssyncset.done $0x0  }
0x12b: {  	s31 =	sshll.u32 s2, $0x6;
	p1 =	sne.s32 s19, s16;
	[sflag:s18] =	ssyncadd.s32 $0xFFFFFB00  }
.Ltmp2:
0x12c: {  	s3 =	sor.u32 $0x1C03, s31;
	[bflag:$0x0] =	sbarrier.arrive $0xFFFF;
	(pc) =	sbr.rel @p1 .LBB2_1-.Ltmp2, $4  }
0x12d: {  	[hbm:s15], [sflag:s3] =	dma.local [spmem:s25], $0x500  }
0x12e: {  	_ =	swait.ge [sflag:s18], $0x500  }
0x12f: {  	[sflag:s18] =	ssyncset.done $0x0  }
0x130: {  	[sflag:s18] =	ssyncadd.s32 $0xFFFFFB00  }
0x131: {  	_ =	sfence.sel $0x180000  }
0x132: {  	[bflag:$0x0] =	sbarrier.arrive $0xFFFF  }
0x133: {  	_ =	strace $0x9000004D  }
0x134: {  	[bflag:$0x2] =	sbarrier.arrive $0xFFFF  }
0x135: {  	s0 =	rddreg [dreg:$0x5]  }
0x136: {  	s0 =	sadd.s32 @!p0 $0x100000, s0  }
0x137: {  	[sflag:s0] =	ssyncadd.tile.s32 @!p0 $0x1;
	_ =	shalt  }
.Lfunc_end2:
_tile_overlayer_lowered:
.L_overlay_start_2:
0x138: {  	(tag) =	ssettag $0x2  }
0x139: {  	s0 =	rddreg [dreg:$0x0];
	s2 =	stileid.u32  }
0x13a: {  	s1 =	rddreg [dreg:$0x1];
	p0 =	sne.s32 s2, $0x0  }
0x13b: {  	s3 =	rddreg [dreg:$0x2];
	[bflag:$0x3] =	sbarrier.arrive $0xFFFF;
	s2 =	simm.s32 @!p0 $0x1C03  }
0x13c: {  	[timem:s3], [sflag:s2] =	dma.local @!p0 [hbm:s0], s1  }
0x13d: {  	s0 =	simm.s32 @!p0 $0x3  }
0x13e: {  	_ =	swait.ge @!p0 [sflag:s0], s1  }
0x13f: {  	s1 =	ssub.s32 @!p0 $0x0, s1;
	[sflag:s0] =	ssyncset.done @!p0 $0x0  }
0x140: {  	[sflag:s0] =	ssyncadd.s32 @!p0 s1  }
0x141: {  	[bflag:$0x3] =	sbarrier.arrive $0xFFFF  }
0x142: {  	_ =	shalt  }

// kernel: kernel.7.cloned.1.call-start
scs
__scs_entry_jumppad:
0x0: {  	(pc) =	sbr.rel $0x88, $3  }
0x1: {  	(tag) =	ssettag $0x0;
	lr =	simm.s32 $0x1  }
0x2: {  	[smem:$0x3F9B] =	sst lr;
	_ =	strace $0xD0000000  }
0x3: {  	_ = 	snop  }
0x4: {  	_ = 	snop  }
0x5: {  	_ = 	snop  }
0x6: {  	_ = 	snop  }
0x7: {  	_ = 	snop  }
__scs_overlays_trampoline_lowered:
0x8: {  	[smem:$0x3FAA] =	sst s0  }
0x9: {  	[smem:$0x3FAB] =	sst s1  }
0xa: {  	[smem:$0x3FAC] =	sst s2  }
0xb: {  	[smem:$0x3FAD] =	sst s3  }
0xc: {  	[smem:$0x3FAE] =	sst s4  }
0xd: {  	[smem:$0x3FAF] =	sst s5  }
0xe: {  	[smem:$0x3FB0] =	sst s6  }
0xf: {  	[smem:$0x3FB1] =	sst s7  }
0x10: {  	[smem:$0x3FB2] =	sst s8  }
0x11: {  	[smem:$0x3FB3] =	sst s9;
	s0 =	simm.s32 @!p0 $0x0  }
0x12: {  	s1 =	sld [smem:$0x3F99];
	s0 =	simm.s32 @p0 $0x1  }
0x13: {  	[smem:$0x3FB4] =	sst s0;
	s0 =	simm.s32 @!p1 $0x0  }
0x14: {  	s2 =	sld [smem:$0x3F98];
	s0 =	simm.s32 @p1 $0x1  }
0x15: {  	[smem:$0x3FB5] =	sst s0;
	s0 =	simm.s32 @!p2 $0x0  }
0x16: {  	s3 =	sld [smem:$0x3FDB];
	s0 =	simm.s32 @p2 $0x1  }
0x17: {  	s4 =	simm.s32 $0x1BF5;
	[smem:$0x3FB7] =	sst s0  }
0x18: {  	s0 =	sld [smem:$0x3F9A];
	_ =	swait.ge [sflag:s4], $0x0  }
0x19: {  	s7 =	sld [smem:$0x3F9B]  }
0x1a: {  	s8 =	sadd.s32 $0xFFFFE003, lr  }
0x1b: {  	s9 =	sadd.s32 $0xFFFFFEF7, lr;
	s5 =	simm.s32 $0xFFFFFFFF;
	p2 =	slt.u32 s8, $0xFFFFF086  }
0x1c: {  	p1 =	slt.u32 s9, $0xF7A;
	s5 =	simm.s32 @!p2 $0x0  }
0x1d: {  	s5 =	simm.s32 @p1 $0x1;
	p0 =	seq.s32 s7, s2  }
0x1e: {  	s7 =	smul.u32 @!p0 $0xF7A, s2;
	p2 =	seq.s32 @!p0 s5, $0x0  }
0x1f: {  	s9 =	smul.u32 $0xF7A, s1;
	s8 =	simm.s32 @!p0 $0x1BF5;
	p2 =	por !p2, p0  }
0x20: {  	[sflag:s8] =	ssyncset.s32 @!p0 $0xFFFFF086;
	s6 =	sadd.s32 @!p0 s3, s7;
	s7 =	simm.s32 @!p0 $0x108  }
0x21: {  	s3 =	sadd.s32 s3, s9;
	s6 =	sadd.s32 @!p0 $0x88, s6;
	s7 =	simm.s32 @p2 $0x1082  }
0x22: {  	[simem:s7], [sflag:s8] =	dma.local @!p0 [hbm:s6], $0xF7A  }
0x23: {  	s9 =	sor.u32 $0xD0000000, s2;
	s6 =	simm.s32 $0x108;
	_ =	swait.ge @!p0 [sflag:s8], $0x0  }
0x24: {  	s3 =	sadd.s32 $0x88, s3;
	s6 =	simm.s32 @!p1 $0x1082;
	[sflag:s4] =	ssyncset.s32 $0xFFFFF086  }
0x25: {  	[simem:s6], [sflag:s4] =	dma.local [hbm:s3], $0xF7A  }
0x26: {  	[smem:$0x3F9B] =	sst s1;
	(tag) =	ssettag s2;
	_ =	strace s9  }
0x27: {  	s1 =	sld [smem:$0x3FAB]  }
0x28: {  	s2 =	sld [smem:$0x3FAC]  }
0x29: {  	s4 =	sld [smem:$0x3FAE]  }
0x2a: {  	p0 =	seq.s32 s5, $0x0;
	s5 =	sld [smem:$0x3FAF]  }
0x2b: {  	s6 =	sld [smem:$0x3FB0]  }
0x2c: {  	s7 =	sld [smem:$0x3FB1]  }
0x2d: {  	s3 =	simm.s32 $0x108;
	s8 =	sld [smem:$0x3FB2]  }
0x2e: {  	s3 =	simm.s32 @!p0 $0x1082;
	s9 =	sld [smem:$0x3FB3]  }
0x2f: {  	lr =	sadd.s32 s0, s3;
	s0 =	sld [smem:$0x3FAA]  }
0x30: {  	s3 =	sld [smem:$0x3FAD]  }
0x31: {  	[smem:$0x3FB6] =	sst s10  }
0x32: {  	s10 =	sld [smem:$0x3FB4];
	_ =	sdelay $0x3  }
0x33: {  	p0 =	seq.s32 s10, $0x1;
	s10 =	sld [smem:$0x3FB6];
	_ =	sdelay $0x3  }
0x34: {  	[smem:$0x3FB6] =	sst s10  }
0x35: {  	s10 =	sld [smem:$0x3FB5];
	_ =	sdelay $0x3  }
0x36: {  	p1 =	seq.s32 s10, $0x1;
	s10 =	sld [smem:$0x3FB6];
	_ =	sdelay $0x3  }
0x37: {  	[smem:$0x3FB6] =	sst s10  }
0x38: {  	s10 =	sld [smem:$0x3FB7]  }
0x39: {  	_ = 	snop;
	(pc) =	sbr.ind lr, $3  }
0x3a: {  	_ = 	snop  }
0x3b: {  	_ = 	snop  }
0x3c: {  	p2 =	seq.s32 s10, $0x1;
	s10 =	sld [smem:$0x3FB6]  }
0x3d: {  	_ =	shalt  }
0x3e: {  	_ =	shalt  }
0x3f: {  	_ =	shalt  }
0x40: {  	_ =	shalt  }
0x41: {  	_ =	shalt  }
0x42: {  	_ =	shalt  }
0x43: {  	_ =	shalt  }
0x44: {  	_ =	shalt  }
0x45: {  	_ =	shalt  }
0x46: {  	_ =	shalt  }
0x47: {  	_ =	shalt  }
0x48: {  	_ =	shalt  }
0x49: {  	_ =	shalt  }
0x4a: {  	_ =	shalt  }
0x4b: {  	_ =	shalt  }
0x4c: {  	_ =	shalt  }
0x4d: {  	_ =	shalt  }
0x4e: {  	_ =	shalt  }
0x4f: {  	_ =	shalt  }
0x50: {  	_ =	shalt  }
0x51: {  	_ =	shalt  }
0x52: {  	_ =	shalt  }
0x53: {  	_ =	shalt  }
0x54: {  	_ =	shalt  }
0x55: {  	_ =	shalt  }
0x56: {  	_ =	shalt  }
0x57: {  	_ =	shalt  }
0x58: {  	_ =	shalt  }
0x59: {  	_ =	shalt  }
0x5a: {  	_ =	shalt  }
0x5b: {  	_ =	shalt  }
0x5c: {  	_ =	shalt  }
0x5d: {  	_ =	shalt  }
0x5e: {  	_ =	shalt  }
0x5f: {  	_ =	shalt  }
0x60: {  	_ =	shalt  }
0x61: {  	_ =	shalt  }
0x62: {  	_ =	shalt  }
0x63: {  	_ =	shalt  }
0x64: {  	_ =	shalt  }
0x65: {  	_ =	shalt  }
0x66: {  	_ =	shalt  }
0x67: {  	_ =	shalt  }
0x68: {  	_ =	shalt  }
0x69: {  	_ =	shalt  }
0x6a: {  	_ =	shalt  }
0x6b: {  	_ =	shalt  }
0x6c: {  	_ =	shalt  }
0x6d: {  	_ =	shalt  }
0x6e: {  	_ =	shalt  }
0x6f: {  	_ =	shalt  }
0x70: {  	_ =	shalt  }
0x71: {  	_ =	shalt  }
0x72: {  	_ =	shalt  }
0x73: {  	_ =	shalt  }
0x74: {  	_ =	shalt  }
0x75: {  	_ =	shalt  }
0x76: {  	_ =	shalt  }
0x77: {  	_ =	shalt  }
0x78: {  	_ =	shalt  }
0x79: {  	_ =	shalt  }
0x7a: {  	_ =	shalt  }
0x7b: {  	_ =	shalt  }
0x7c: {  	_ =	shalt  }
0x7d: {  	_ =	shalt  }
0x7e: {  	_ =	shalt  }
0x7f: {  	_ =	shalt  }
0x80: {  	_ =	shalt  }
0x81: {  	_ =	shalt  }
0x82: {  	_ =	shalt  }
0x83: {  	_ =	shalt  }
0x84: {  	_ =	shalt  }
0x85: {  	_ =	shalt  }
0x86: {  	_ =	shalt  }
0x87: {  	_ =	shalt  }
.Lfunc_end0:
.L_simem_size_0:
called_computation_lowered:
.L_overlay_start_0:
0x88: {  	s2 =	sld [smem:$0x3FD9]  }
0x89: {  	s3 =	sld [smem:$0x3FFE];
	_ =	sdelay $0x1  }
0x8a: {  	s1 =	srdreg.scid  }
0x8b: {  	s0 =	sand.u32 $0x1, s1  }
0x8c: {  	s17 =	sshll.u32 s0, $0xA;
	s2 =	sadd.s32 s3, s2  }
0x8d: {  	s2 =	sadd.s32 s2, s17  }
0x8e: {  	[smem:$0x3FC2] =	sst s2  }
0x8f: {  	_ = 	snop  }
0x90: {  	s2 =	sld [smem:$0x3FD0];
	(tm) =	ssettm $0x1  }
0x91: {  	s18 =	sld [smem:$0x3FFB];
	_ =	sdelay $0x3  }
0x92: {  	_ =	strace s18  }
0x93: {  	s3 =	sld [smem:$0x3FFC];
	_ =	sdelay $0x3  }
0x94: {  	_ =	strace s3  }
0x95: {  	s3 =	sld [smem:$0x3FFD];
	_ =	sdelay $0x3  }
0x96: {  	_ =	strace s3  }
0x97: {  	_ =	strace $0x8FFFFFFF  }
0x98: {  	s19 =	sld [smem:$0x3FDB];
	_ =	sdelay $0x1  }
0x99: {  	s4 =	simm.s32 $_scs_section_size  }
0x9a: {  	s5 =	simm.s32 $_size__tile_overlayer_lowered;
	s6 =	simm.s32 $_tile_overlayer_lowered  }
0x9b: {  	s22 =	simm.s32 $0x1BFF;
	s21 =	sshll.u32 s6, $0x1;
	s3 =	sadd.s32 s4, s19  }
0x9c: {  	s7 =	simm.s32 $0x0;
	s20 =	sshll.u32 s5, $0x1;
	s5 =	sadd.s32 s21, s3  }
0x9d: {  	[timem:s7], [sflag:s22] =	dma.local [hbm:s5], s20  }
0x9e: {  	_ =	swait.ge [sflag:s22], s20  }
0x9f: {  	s4 =	ssub.s32 $0x0, s20;
	[sflag:s22] =	ssyncset.done $0x0  }
0xa0: {  	[sflag:s22] =	ssyncadd.s32 s4;
	_ =	sdelay $0x1  }
0xa1: {  	s23 =	simm.s32 $0x1B8B  }
0xa2: {  	_ =	swait.ge [sflag:s23], $0x1  }
0xa3: {  	[sflag:s23] =	ssyncset.done $0x0  }
0xa4: {  	s25 =	simm.s32 $0x1B8E;
	s24 =	sld [smem:$0x3FFE];
	[sflag:s23] =	ssyncadd.s32 $0xFFFFFFFF  }
0xa5: {  	s26 =	simm.s32 $execute0_lowered;
	[smem:$0x3FD2] =	sst s25  }
0xa6: {  	s5 =	sshll.u32 s26, $0x1;
	_ =	strace $0x80000046;
	[dreg:$0x1] =	wrdreg $0xFFFFFFFF  }
0xa7: {  	s28 =	simm.s32 $_size_execute0_lowered;
	s3 =	sadd.s32 s3, s5;
	[dreg:$0x0] =	wrdreg $0x0  }
0xa8: {  	s5 =	sshll.u32 s28, $0x1;
	[dreg:$0x2] =	wrdreg s3  }
0xa9: {  	[dreg:$0x3] =	wrdreg s5  }
0xaa: {  	[dreg:$0x4] =	wrdreg $0xC0  }
0xab: {  	_ =	task [dreg:s7], $0x5FFFF  }
0xac: {  	[dreg:$0x1] =	wrdreg $0xFFFFFFFF  }
0xad: {  	[dreg:$0x0] =	wrdreg $0x60  }
0xae: {  	[dreg:$0x2] =	wrdreg s2  }
0xaf: {  	[dreg:$0x3] =	wrdreg s24  }
0xb0: {  	[dreg:$0x4] =	wrdreg $0x27600  }
0xb1: {  	[dreg:$0x5] =	wrdreg $0x9  }
0xb2: {  	_ =	task.clear_ibuf [dreg:s7], $0x6FFFF;
	_ =	strace $0x90000046  }
0xb3: {  	s29 =	simm.s32 $0x9;
	_ =	strace $0x80000048  }
0xb4: {  	_ =	swait.ge [sflag:s29], $0x1  }
0xb5: {  	[sflag:s29] =	ssyncadd.s32 $0xFFFFFFFF  }
0xb6: {  	_ =	strace $0x90000048  }
0xb7: {  	_ =	sfence  }
0xb8: {  	s30 =	sld [smem:$0x0];
	_ =	sdelay $0x2  }
0xb9: {  	s31 =	sshll.u32 s1, $0xD;
	s1 =	sshrl.u32 s1, $0x2  }
0xba: {  	s3 =	sand.u32 $0x4000, s31;
	s1 =	sadd.s32 s1, s30  }
0xbb: {  	s0 =	sor.u32 s3, s0;
	s1 =	sshll.u32 s1, $0x11  }
0xbc: {  	s0 =	sor.u32 s1, s0  }
0xbd: {  	s0 =	sadd.s32 $0x8F2B, s0  }
0xbe: {  	[sflag:s0] =	ssyncadd.remote.s32 $0x1  }
0xbf: {  	_ =	sfence.sel $0xFFFF  }
0xc0: {  	[dreg:$0x0] =	wrdreg $0xFFFFFFFF;
	(pc) =	sbr.abs _section_cstart, $3  }
0xc1: {  	[dreg:$0x1] =	wrdreg $0xFFFFFFFF  }
0xc2: {  	_ =	task.clear_ibuf [dreg:s7], $0x2FFFF;
	_ =	strace $0x9FFFFFFF  }
0xc3: {  	(tm) =	ssettm $0x7FFFFFFF  }
tec
execute0_lowered:
.L_overlay_start_1:
0x0: {  	(tag) =	ssettag $0x1  }
0x1: {  	s5 =	rddreg [dreg:$0x0]  }
0x2: {  	s6 =	rddreg [dreg:$0x1];
	s0 =	srdreg.scid  }
0x3: {  	s1 =	rddreg [dreg:$0x2];
	s12 =	stileid.u32  }
0x4: {  	s2 =	simm.s32 $0x0;
	s14 =	simm.s32 $0x0;
	s7 =	sand.u32 $0x1, s0  }
0x5: {  	s0 =	rddreg [dreg:$0x3];
	s3 =	sshll.u32 s12, $0x1;
	s9 =	smul.u32 $0x280, s12  }
0x6: {  	[smem:$0x7FF] =	sst s2;
	s4 =	sadd.s32 $0x2800, s6;
	p0 =	sne.s32 s12, $0x0  }
0x7: {  	s12 =	sshll.u32 s12, $0x6;
	s8 =	smul.u32 $0x2800, s7;
	s3 =	sor.u32 s7, s3  }
0x8: {  	_ =	strace $0x80000047;
	s7 =	ssub.s32 $0x2, s7;
	s12 =	sor.u32 $0x1C01, s12  }
0x9: {  	s10 =	smul.u32 $0x2710, s3;
	s3 =	sadd.s32 $0x2600, s6;
	s11 =	sshrl.u32 s7, $0x1  }
0xa: {  	s13 =	sadd.s32 s9, s1;
	s8 =	sadd.s32 s9, s8;
	s7 =	ssub.s32 s7, s11  }
0xb: {  	s9 =	simm.s32 $0x1;
	s11 =	simm.s32 $0x50;
	s13 =	sshrl.u32 s13, $0x3  }
0xc: {  	s10 =	sshrl.u32 s10, $0x3;
	s8 =	sshrl.u32 s8, $0x3;
	s7 =	smax.u32 s7, $0x1  }
0xd: {  	s5 =	sadd.s32 s5, s10;
	s6 =	sadd.s32 s8, s6;
	s8 =	sshrl.u32 @!p0 s1, $0x3  }
0xe: {  	s10 =	simm.s32 $0x2710;
	s5 =	sadd.s32 $0x9C40, s5;
	s6 =	sadd.s32 $0x2E00, s6  }
.LBB2_1:
0xf: {  	s15 =	simm.s32 @!p0 $0x1C01  }
0x10: {  	[spmem:s8], [sflag:s15] =	dma.local @!p0 [hbm:s4], $0x500  }
0x11: {  	s15 =	simm.s32 @!p0 $0x1  }
0x12: {  	_ =	swait.ge @!p0 [sflag:s15], $0x500  }
0x13: {  	[sflag:s15] =	ssyncset.done @!p0 $0x0  }
0x14: {  	[sflag:s15] =	ssyncadd.s32 @!p0 $0xFFFFFB00  }
0x15: {  	[bflag:$0x0] =	sbarrier.arrive $0xFFFF  }
0x16: {  	[tilespmem:s2], [sflag:$0x1] =	stream.linear.gather [hbm4b:s5+s2], $0x2710, $0x38;
	[tilespmem:$0x29E0] =	vst v63  }
0x17: {  	_ =	swait.ge [sflag:s9], $0x2710  }
0x18: {  	[sflag:s9] =	ssyncset.done $0x0  }
0x19: {  	[sflag:s9] =	ssyncadd.s32 $0xFFFFD8F0  }
0x1a: {  	[tilespmem:s10], [sflag:$0x1] =	stream.linear.gather [hbm4b:s3+s2], $0x50, $0x38;
	[tilespmem:$0x29E0] =	vst v63  }
0x1b: {  	_ =	swait.ge [sflag:s9], $0x50  }
0x1c: {  	[sflag:s9] =	ssyncset.done $0x0  }
0x1d: {  	s31 =	simm.s32 $0x0;
	[sflag:s9] =	ssyncadd.s32 $0xFFFFFFB0  }
0x1e: {  	[spmem:s1] =	stream.indirect.scatter.add.f32 [tilespmem:s10], [sflag:$0x1], $0x1, s31, s11, $0xb8;
	[tilespmem:$0x29E0] =	vst v63  }
0x1f: {  	_ =	swait.ge [sflag:s9], $0x50  }
0x20: {  	s15 =	simm.s32 $0x140;
	[sflag:s9] =	ssyncset.done $0x0  }
.LBB2_2:
0x21: {  	s16 =	sshra.s32 s15, $0x2;
	[sflag:s9] =	ssyncadd.s32 $0xFFFFFFB0;
	p1 =	sne.s32 s15, $0x9B00  }
0x22: {  	[spmem:s1] =	stream.indirect.scatter.add.f32 [tilespmem:s10], [sflag:$0x1], $0x1, s16, s11, $0xb8;
	[tilespmem:$0x29E0] =	vst v63  }
.Ltmp0:
0x23: {  	_ = 	snop;
	(pc) =	sbr.rel @p1 .LBB2_2-.Ltmp0, $4  }
0x24: {  	_ = 	snop  }
0x25: {  	s15 =	sadd.s32 $0x140, s15  }
0x26: {  	_ =	swait.ge [sflag:s9], $0x50  }
0x27: {  	[sflag:s9] =	ssyncset.done $0x0  }
0x28: {  	s14 =	sadd.s32 $0x1, s14  }
0x29: {  	[sflag:s9] =	ssyncadd.s32 $0xFFFFFFB0;
	p1 =	sne.s32 s14, s7  }
.Ltmp1:
0x2a: {  	[bflag:$0x0] =	sbarrier.arrive $0xFFFF;
	(pc) =	sbr.rel @p1 .LBB2_1-.Ltmp1, $4  }
0x2b: {  	[hbm:s6], [sflag:s12] =	dma.local [spmem:s13], $0x50  }
0x2c: {  	_ =	swait.ge [sflag:s9], $0x50  }
0x2d: {  	[sflag:s9] =	ssyncset.done $0x0  }
0x2e: {  	[sflag:s9] =	ssyncadd.s32 $0xFFFFFFB0  }
0x2f: {  	_ =	sfence.sel $0x180000  }
0x30: {  	[bflag:$0x0] =	sbarrier.arrive $0xFFFF  }
0x31: {  	_ =	strace $0x90000047  }
0x32: {  	s0 =	sadd.s32 @!p0 $0x100000, s0;
	[bflag:$0x2] =	sbarrier.arrive $0xFFFF  }
0x33: {  	[sflag:s0] =	ssyncadd.tile.s32 @!p0 $0x1;
	_ =	shalt  }
.Lfunc_end2:
_tile_overlayer_lowered:
.L_overlay_start_2:
0x34: {  	(tag) =	ssettag $0x2  }
0x35: {  	s0 =	rddreg [dreg:$0x0];
	s2 =	stileid.u32  }
0x36: {  	s1 =	rddreg [dreg:$0x1];
	p0 =	sne.s32 s2, $0x0  }
0x37: {  	s3 =	rddreg [dreg:$0x2];
	[bflag:$0x3] =	sbarrier.arrive $0xFFFF;
	s2 =	simm.s32 @!p0 $0x1C01  }
0x38: {  	[timem:s3], [sflag:s2] =	dma.local @!p0 [hbm:s0], s1  }
0x39: {  	s0 =	simm.s32 @!p0 $0x1  }
0x3a: {  	_ =	swait.ge @!p0 [sflag:s0], s1  }
0x3b: {  	s1 =	ssub.s32 @!p0 $0x0, s1;
	[sflag:s0] =	ssyncset.done @!p0 $0x0  }
0x3c: {  	[sflag:s0] =	ssyncadd.s32 @!p0 s1  }
0x3d: {  	[bflag:$0x3] =	sbarrier.arrive $0xFFFF  }
0x3e: {  	_ =	shalt  }

</sc_bundles>
